<compile_context>
chip_gen: v7x
topology: tpu7x:2x2x1
jax: 0.10.2.dev20260603
libtpu: 0.0.44.dev20260713+nightly
codegen_flags: <defaults>
</compile_context>

<pallas_src>
import jax
import jax.numpy as jnp
from jax import lax
from jax.experimental import pallas as pl
from jax.experimental.pallas import tpu as pltpu
from jax.experimental.pallas import tpu_sc as plsc

N_BOT, N_BUF, M, D = 32768, 16384, 16384, 128

NC, NS = 2, 16
NW = NC * NS
CHUNK = 128
ROWS_PER_JOB = M // 2
IDX_ROWS = ROWS_PER_JOB // CHUNK
ROWS_PER_WORKER = ROWS_PER_JOB // NW
CHUNKS_PER_WORKER = ROWS_PER_WORKER // CHUNK
NBUF = 7
LAG = 4


def _sc_route_body(h_bot, c_bot, h_buf, c_buf,
                   bf0, bt0, pf0, pt0, bf1, bt1, pf1, pt1,
                   lh, lc, rh, rc,
                   fidx_v, tidx_v, rows, isem, *sems):
  gsems, ssems = sems[:NBUF], sems[NBUF:]
  wid = lax.axis_index("s") * NC + lax.axis_index("c")
  base = wid * ROWS_PER_WORKER
  idescs = []
  for fj, (fa, ta) in enumerate([(bf0, bt0), (pf0, pt0), (bf1, bt1),
                                 (pf1, pt1)]):
    for ci in range(CHUNKS_PER_WORKER):
      off = base + ci * CHUNK
      idescs.append(pltpu.async_copy(
          fa.at[pl.ds(off, CHUNK)], fidx_v.at[fj, ci], isem))
      idescs.append(pltpu.async_copy(
          ta.at[pl.ds(off, CHUNK)], tidx_v.at[fj, ci], isem))
  for d in idescs:
    d.wait()

  jobs = [(h_bot, 0, lh), (h_buf, 1, lh), (c_bot, 0, lc), (c_buf, 1, lc),
          (h_bot, 2, rh), (h_buf, 3, rh), (c_bot, 2, rc), (c_buf, 3, rc)]
  tasks = [(t, fj, out, ci) for (t, fj, out) in jobs
           for ci in range(CHUNKS_PER_WORKER)]
  n = len(tasks)
  gd = [None] * NBUF
  sd = [None] * NBUF
  for k in range(n + LAG):
    if k < n:
      table, fj, out, ci = tasks[k]
      slot = k % NBUF
      if sd[slot] is not None:
        sd[slot].wait()
      gd[slot] = pltpu.async_copy(
          table.at[fidx_v.at[fj, ci]], rows.at[slot], gsems[slot])
    kk = k - LAG
    if 0 <= kk < n:
      table, fj, out, ci = tasks[kk]
      slot = kk % NBUF
      gd[slot].wait()
      sd[slot] = pltpu.async_copy(
          rows.at[slot], out.at[tidx_v.at[fj, ci]], ssems[slot])
  for slot in range(NBUF):
    if sd[slot] is not None:
      sd[slot].wait()


def _sc_route(h_bot, c_bot, h_buf, c_buf, idx8):
  mesh = plsc.VectorSubcoreMesh(core_axis_name="c", subcore_axis_name="s",
                                num_cores=NC, num_subcores=NS)
  out_type = [jax.ShapeDtypeStruct((M, D), jnp.float32) for _ in range(4)]
  scratch = [
      pltpu.VMEM((4, CHUNKS_PER_WORKER, CHUNK), jnp.int32),
      pltpu.VMEM((4, CHUNKS_PER_WORKER, CHUNK), jnp.int32),
      pltpu.VMEM((NBUF, CHUNK, D), jnp.float32),
      pltpu.SemaphoreType.DMA,
  ] + [pltpu.SemaphoreType.DMA] * (2 * NBUF)
  fn = pl.kernel(_sc_route_body, out_type=out_type, mesh=mesh,
                 scratch_types=scratch)
  return fn(h_bot, c_bot, h_buf, c_buf, *idx8)


def _sigmoid(x):
  return 0.5 * jnp.tanh(0.5 * x) + 0.5


def _tc_cell_body(lh, rh, lc, rc, W_iou, b_iou, U_f, b_f, h_out, c_out):
  x = jnp.concatenate([lh[...], rh[...]], axis=1).astype(jnp.bfloat16)
  iou = jnp.dot(x, W_iou[...], preferred_element_type=jnp.float32) + b_iou[...]
  f = _sigmoid(
      jnp.dot(x, U_f[...], preferred_element_type=jnp.float32) + b_f[...])
  i = _sigmoid(iou[:, :D])
  o = _sigmoid(iou[:, D:2 * D])
  u = jnp.tanh(iou[:, 2 * D:])
  c = i * u + f[:, :D] * lc[...] + f[:, D:] * rc[...]
  h_out[...] = o * jnp.tanh(c)
  c_out[...] = c


def _tc_cell(lh, rh, lc, rc, W_iou, b_iou, U_f, b_f, block=4096):
  grid = (M // block,)
  row_spec = pl.BlockSpec((block, D), lambda i: (i, 0))
  full = lambda shape: pl.BlockSpec(shape, lambda i: (0,) * len(shape))
  return pl.pallas_call(
      _tc_cell_body,
      grid=grid,
      in_specs=[row_spec, row_spec, row_spec, row_spec,
                full((2 * D, 3 * D)), full((1, 3 * D)),
                full((2 * D, 2 * D)), full((1, 2 * D))],
      out_specs=[row_spec, row_spec],
      out_shape=[jax.ShapeDtypeStruct((M, D), jnp.float32),
                 jax.ShapeDtypeStruct((M, D), jnp.float32)],
  )(lh, rh, lc, rc, W_iou, b_iou, U_f, b_f)


@jax.jit
def kernel(h_bot, c_bot, h_buf, c_buf,
           bot_froms_0, bot_tos_0, prev_froms_0, prev_tos_0,
           bot_froms_1, bot_tos_1, prev_froms_1, prev_tos_1,
           W_iou, b_iou, U_f, b_f):
  i32 = lambda a: jnp.asarray(a, jnp.int32)
  idx8 = [i32(a) for a in (bot_froms_0, bot_tos_0, prev_froms_0, prev_tos_0,
                           bot_froms_1, bot_tos_1, prev_froms_1, prev_tos_1)]
  lh, lc, rh, rc = _sc_route(h_bot, c_bot, h_buf, c_buf, idx8)
  return _tc_cell(lh, rh, lc, rc, W_iou.astype(jnp.bfloat16),
                  b_iou.reshape(1, -1), U_f.astype(jnp.bfloat16),
                  b_f.reshape(1, -1))

# --- scband reference (transcript-rebuilt; emitter-appended) ---
"""Pipeline reference for scband-recur-tree-gen-35270271434818 (READ-ONLY COPY).

The authoritative reference and input builder live on the scoring server;
editing this copy changes nothing except your own understanding.
"""

import jax, jax.numpy as jnp
import numpy as np

N_BOT, N_BUF, M, D = 32768, 16384, 16384, 128

def multi_index_select(ids_from, ids_to, mats, out_rows, d):
    out = jnp.zeros((out_rows, d), dtype=mats[0].dtype)
    for f, t, m in zip(ids_from, ids_to, mats):
        out = out.at[t].set(jnp.take(m, f, axis=0))
    return out

def tree_lstm_cell(W_iou, b_iou, U_f, b_f, lh, lc, rh, rc):
    # BinaryTreeLSTMCell: iou gates from concat(lh, rh), two forget gates
    h = jnp.concatenate([lh, rh], axis=1)
    iou = h @ W_iou + b_iou
    i, o, u = jnp.split(iou, 3, axis=1)
    i = jax.nn.sigmoid(i)
    o = jax.nn.sigmoid(o)
    u = jnp.tanh(u)
    f = jax.nn.sigmoid(h @ U_f + b_f)
    f_l, f_r = jnp.split(f, 2, axis=1)
    c = i * u + f_l * lc + f_r * rc
    h_new = o * jnp.tanh(c)
    return h_new, c

def setup_inputs(seed: int = 0) -> dict:
    key = jax.random.key(seed)
    ks = [jax.random.fold_in(key, i) for i in range(16)]
    inp = {}
    inp['h_bot'] = jax.random.normal(ks[0], (N_BOT, D), dtype=jnp.float32)
    inp['c_bot'] = jax.random.normal(ks[1], (N_BOT, D), dtype=jnp.float32)
    inp['h_buf'] = jax.random.normal(ks[2], (N_BUF, D), dtype=jnp.float32)
    inp['c_buf'] = jax.random.normal(ks[3], (N_BUF, D), dtype=jnp.float32)
    for i in range(2):
        inp['bot_froms_%d' % i] = jax.random.randint(ks[4 + 2 * i], (M // 2,), 0, N_BOT, dtype=jnp.int64)
        inp['prev_froms_%d' % i] = jax.random.randint(ks[5 + 2 * i], (M // 2,), 0, N_BUF, dtype=jnp.int64)
        # scatter destinations form a disjoint partition of [0, M)
        perm = jax.random.permutation(ks[8 + i], M).astype(jnp.int64)
        inp['bot_tos_%d' % i] = perm[: M // 2]
        inp['prev_tos_%d' % i] = perm[M // 2 :]
    # BinaryTreeLSTMCell parameters (merge_cell of FenwickTree)
    inp['W_iou'] = jax.random.normal(ks[10], (2 * D, 3 * D), dtype=jnp.float32) * 0.05
    inp['b_iou'] = jnp.zeros((3 * D,), dtype=jnp.float32)
    inp['U_f'] = jax.random.normal(ks[11], (2 * D, 2 * D), dtype=jnp.float32) * 0.05
    inp['b_f'] = jnp.zeros((2 * D,), dtype=jnp.float32)
    return inp

def reference(h_bot, c_bot, h_buf, c_buf,
              bot_froms_0, bot_tos_0, prev_froms_0, prev_tos_0,
              bot_froms_1, bot_tos_1, prev_froms_1, prev_tos_1,
              W_iou, b_iou, U_f, b_f):
    # batch_tree_lstm2: tree_state_select (multi_index_select gathers) for the
    # left (i=0) and right (i=1) children, then merge with BinaryTreeLSTMCell.
    ids = [(bot_froms_0, bot_tos_0, prev_froms_0, prev_tos_0),
           (bot_froms_1, bot_tos_1, prev_froms_1, prev_tos_1)]
    h_list, c_list = [], []
    for bf, bt, pf, pt in ids:
        h_vecs = multi_index_select([bf, pf], [bt, pt], [h_bot, h_buf], M, D)
        c_vecs = multi_index_select([bf, pf], [bt, pt], [c_bot, c_buf], M, D)
        h_list.append(h_vecs)
        c_list.append(c_vecs)
    h_new, c_new = tree_lstm_cell(W_iou, b_iou, U_f, b_f,
                                  h_list[0], c_list[0], h_list[1], c_list[1])
    return (h_new, c_new)

if __name__ == "__main__":
    import jax
    _d = setup_inputs()
    print(jax.jit(kernel)(*tuple(_d.values())))

</pallas_src>

<mosaic_0001>
#map = affine_map<(d0, d1) -> (0, 0)>
#map1 = affine_map<(d0, d1) -> (0)>
module attributes {stable_mosaic.version = 14 : i64} {
  func.func @_sc_route_body(%arg0: i32, %arg1: i32, %arg2: memref<32768x128xf32, #tpu.memory_space<hbm>>, %arg3: memref<32768x128xf32, #tpu.memory_space<hbm>>, %arg4: memref<16384x128xf32, #tpu.memory_space<hbm>>, %arg5: memref<16384x128xf32, #tpu.memory_space<hbm>>, %arg6: memref<8192xi32, #tpu.memory_space<hbm>>, %arg7: memref<8192xi32, #tpu.memory_space<hbm>>, %arg8: memref<8192xi32, #tpu.memory_space<hbm>>, %arg9: memref<8192xi32, #tpu.memory_space<hbm>>, %arg10: memref<8192xi32, #tpu.memory_space<hbm>>, %arg11: memref<8192xi32, #tpu.memory_space<hbm>>, %arg12: memref<8192xi32, #tpu.memory_space<hbm>>, %arg13: memref<8192xi32, #tpu.memory_space<hbm>>, %arg14: memref<16384x128xf32, #tpu.memory_space<hbm>>, %arg15: memref<16384x128xf32, #tpu.memory_space<hbm>>, %arg16: memref<16384x128xf32, #tpu.memory_space<hbm>>, %arg17: memref<16384x128xf32, #tpu.memory_space<hbm>>, %arg18: memref<4x2x128xi32, #tpu.memory_space<vmem>>, %arg19: memref<4x2x128xi32, #tpu.memory_space<vmem>>, %arg20: memref<7x128x128xf32, #tpu.memory_space<vmem>>, %arg21: memref<!tpu.dma_semaphore, #tpu.memory_space<semaphore_mem>>, %arg22: memref<!tpu.dma_semaphore, #tpu.memory_space<semaphore_mem>>, %arg23: memref<!tpu.dma_semaphore, #tpu.memory_space<semaphore_mem>>, %arg24: memref<!tpu.dma_semaphore, #tpu.memory_space<semaphore_mem>>, %arg25: memref<!tpu.dma_semaphore, #tpu.memory_space<semaphore_mem>>, %arg26: memref<!tpu.dma_semaphore, #tpu.memory_space<semaphore_mem>>, %arg27: memref<!tpu.dma_semaphore, #tpu.memory_space<semaphore_mem>>, %arg28: memref<!tpu.dma_semaphore, #tpu.memory_space<semaphore_mem>>, %arg29: memref<!tpu.dma_semaphore, #tpu.memory_space<semaphore_mem>>, %arg30: memref<!tpu.dma_semaphore, #tpu.memory_space<semaphore_mem>>, %arg31: memref<!tpu.dma_semaphore, #tpu.memory_space<semaphore_mem>>, %arg32: memref<!tpu.dma_semaphore, #tpu.memory_space<semaphore_mem>>, %arg33: memref<!tpu.dma_semaphore, #tpu.memory_space<semaphore_mem>>, %arg34: memref<!tpu.dma_semaphore, #tpu.memory_space<semaphore_mem>>, %arg35: memref<!tpu.dma_semaphore, #tpu.memory_space<semaphore_mem>>) attributes {dimension_semantics = [#tpu.dimension_semantics<core_parallel>, #tpu.dimension_semantics<subcore_parallel>], iteration_bounds = array<i64: 2, 16>, scalar_prefetch = 0 : i64, scratch_operands = 18 : i64, tpu.core_type = #tpu.core_type<sc_vector_subcore>, window_params = [{transform_indices = #map}, {transform_indices = #map}, {transform_indices = #map}, {transform_indices = #map}, {transform_indices = #map1}, {transform_indices = #map1}, {transform_indices = #map1}, {transform_indices = #map1}, {transform_indices = #map1}, {transform_indices = #map1}, {transform_indices = #map1}, {transform_indices = #map1}, {transform_indices = #map}, {transform_indices = #map}, {transform_indices = #map}, {transform_indices = #map}]} {
    %mul3A = arith.constant 2 : i32
    %mul3A_0 = arith.muli %arg1, %mul3A : i32
    %add3A = arith.addi %mul3A_0, %arg0 : i32
    %mul3A_1 = arith.constant 256 : i32
    %mul3A_2 = arith.muli %add3A, %mul3A_1 : i32
    %add3A_3 = arith.constant 0 : i32
    %add3A_4 = arith.addi %mul3A_2, %add3A_3 : i32
    %dma_start3A = arith.constant 0 : i32
    %dma_start3A_5 = arith.constant 0 : i32
    %dma_start3A_6 = arith.constant 0 : i32
    %dma_start3A_7 = tpu.memref_slice %arg18[%dma_start3A, %dma_start3A_5, %dma_start3A_6] : memref<4x2x128xi32, #tpu.memory_space<vmem>> -> memref<1x1x128xi32, #tpu.memory_space<vmem>>
    %dma_start3A_8 = tpu.memref_squeeze %dma_start3A_7 : memref<1x1x128xi32, #tpu.memory_space<vmem>> -> memref<128xi32, #tpu.memory_space<vmem>>
    %dma_start3A_9 = tpu.memref_slice %arg6[%add3A_4] : memref<8192xi32, #tpu.memory_space<hbm>> -> memref<128xi32, #tpu.memory_space<hbm>>
    %dma_start3A_10 = arith.constant 0 : i32
    %dma_start3A_11 = tpu.memref_slice %arg18[%dma_start3A, %dma_start3A_5, %dma_start3A_10] : memref<4x2x128xi32, #tpu.memory_space<vmem>> -> memref<1x1x128xi32, #tpu.memory_space<vmem>>
    %dma_start3A_12 = tpu.memref_squeeze %dma_start3A_11 : memref<1x1x128xi32, #tpu.memory_space<vmem>> -> memref<128xi32, #tpu.memory_space<vmem>>
    %dma_start3A_13 = tpu.memref_slice %arg6[%add3A_4] : memref<8192xi32, #tpu.memory_space<hbm>> -> memref<128xi32, #tpu.memory_space<hbm>>
    tpu.enqueue_dma source(%dma_start3A_13 : memref<128xi32, #tpu.memory_space<hbm>>) target(%dma_start3A_12 : memref<128xi32, #tpu.memory_space<vmem>>) target_semaphore(%arg21 : memref<!tpu.dma_semaphore, #tpu.memory_space<semaphore_mem>>)
    %dma_start3A_14 = arith.constant 0 : i32
    %dma_start3A_15 = arith.constant 0 : i32
    %dma_start3A_16 = arith.constant 0 : i32
    %dma_start3A_17 = tpu.memref_slice %arg19[%dma_start3A_14, %dma_start3A_15, %dma_start3A_16] : memref<4x2x128xi32, #tpu.memory_space<vmem>> -> memref<1x1x128xi32, #tpu.memory_space<vmem>>
    %dma_start3A_18 = tpu.memref_squeeze %dma_start3A_17 : memref<1x1x128xi32, #tpu.memory_space<vmem>> -> memref<128xi32, #tpu.memory_space<vmem>>
    %dma_start3A_19 = tpu.memref_slice %arg7[%add3A_4] : memref<8192xi32, #tpu.memory_space<hbm>> -> memref<128xi32, #tpu.memory_space<hbm>>
    %dma_start3A_20 = arith.constant 0 : i32
    %dma_start3A_21 = tpu.memref_slice %arg19[%dma_start3A_14, %dma_start3A_15, %dma_start3A_20] : memref<4x2x128xi32, #tpu.memory_space<vmem>> -> memref<1x1x128xi32, #tpu.memory_space<vmem>>
    %dma_start3A_22 = tpu.memref_squeeze %dma_start3A_21 : memref<1x1x128xi32, #tpu.memory_space<vmem>> -> memref<128xi32, #tpu.memory_space<vmem>>
    %dma_start3A_23 = tpu.memref_slice %arg7[%add3A_4] : memref<8192xi32, #tpu.memory_space<hbm>> -> memref<128xi32, #tpu.memory_space<hbm>>
    tpu.enqueue_dma source(%dma_start3A_23 : memref<128xi32, #tpu.memory_space<hbm>>) target(%dma_start3A_22 : memref<128xi32, #tpu.memory_space<vmem>>) target_semaphore(%arg21 : memref<!tpu.dma_semaphore, #tpu.memory_space<semaphore_mem>>)
    %add3A_24 = arith.constant 128 : i32
    %add3A_25 = arith.addi %mul3A_2, %add3A_24 : i32
    %dma_start3A_26 = arith.constant 0 : i32
    %dma_start3A_27 = arith.constant 1 : i32
    %dma_start3A_28 = arith.constant 0 : i32
    %dma_start3A_29 = tpu.memref_slice %arg18[%dma_start3A_26, %dma_start3A_27, %dma_start3A_28] : memref<4x2x128xi32, #tpu.memory_space<vmem>> -> memref<1x1x128xi32, #tpu.memory_space<vmem>>
    %dma_start3A_30 = tpu.memref_squeeze %dma_start3A_29 : memref<1x1x128xi32, #tpu.memory_space<vmem>> -> memref<128xi32, #tpu.memory_space<vmem>>
    %dma_start3A_31 = tpu.memref_slice %arg6[%add3A_25] : memref<8192xi32, #tpu.memory_space<hbm>> -> memref<128xi32, #tpu.memory_space<hbm>>
    %dma_start3A_32 = arith.constant 0 : i32
    %dma_start3A_33 = tpu.memref_slice %arg18[%dma_start3A_26, %dma_start3A_27, %dma_start3A_32] : memref<4x2x128xi32, #tpu.memory_space<vmem>> -> memref<1x1x128xi32, #tpu.memory_space<vmem>>
    %dma_start3A_34 = tpu.memref_squeeze %dma_start3A_33 : memref<1x1x128xi32, #tpu.memory_space<vmem>> -> memref<128xi32, #tpu.memory_space<vmem>>
    %dma_start3A_35 = tpu.memref_slice %arg6[%add3A_25] : memref<8192xi32, #tpu.memory_space<hbm>> -> memref<128xi32, #tpu.memory_space<hbm>>
    tpu.enqueue_dma source(%dma_start3A_35 : memref<128xi32, #tpu.memory_space<hbm>>) target(%dma_start3A_34 : memref<128xi32, #tpu.memory_space<vmem>>) target_semaphore(%arg21 : memref<!tpu.dma_semaphore, #tpu.memory_space<semaphore_mem>>)
    %dma_start3A_36 = arith.constant 0 : i32
    %dma_start3A_37 = arith.constant 1 : i32
    %dma_start3A_38 = arith.constant 0 : i32
    %dma_start3A_39 = tpu.memref_slice %arg19[%dma_start3A_36, %dma_start3A_37, %dma_start3A_38] : memref<4x2x128xi32, #tpu.memory_space<vmem>> -> memref<1x1x128xi32, #tpu.memory_space<vmem>>
    %dma_start3A_40 = tpu.memref_squeeze %dma_start3A_39 : memref<1x1x128xi32, #tpu.memory_space<vmem>> -> memref<128xi32, #tpu.memory_space<vmem>>
    %dma_start3A_41 = tpu.memref_slice %arg7[%add3A_25] : memref<8192xi32, #tpu.memory_space<hbm>> -> memref<128xi32, #tpu.memory_space<hbm>>
    %dma_start3A_42 = arith.constant 0 : i32
    %dma_start3A_43 = tpu.memref_slice %arg19[%dma_start3A_36, %dma_start3A_37, %dma_start3A_42] : memref<4x2x128xi32, #tpu.memory_space<vmem>> -> memref<1x1x128xi32, #tpu.memory_space<vmem>>
    %dma_start3A_44 = tpu.memref_squeeze %dma_start3A_43 : memref<1x1x128xi32, #tpu.memory_space<vmem>> -> memref<128xi32, #tpu.memory_space<vmem>>
    %dma_start3A_45 = tpu.memref_slice %arg7[%add3A_25] : memref<8192xi32, #tpu.memory_space<hbm>> -> memref<128xi32, #tpu.memory_space<hbm>>
    tpu.enqueue_dma source(%dma_start3A_45 : memref<128xi32, #tpu.memory_space<hbm>>) target(%dma_start3A_44 : memref<128xi32, #tpu.memory_space<vmem>>) target_semaphore(%arg21 : memref<!tpu.dma_semaphore, #tpu.memory_space<semaphore_mem>>)
    %add3A_46 = arith.constant 0 : i32
    %add3A_47 = arith.addi %mul3A_2, %add3A_46 : i32
    %dma_start3A_48 = arith.constant 1 : i32
    %dma_start3A_49 = arith.constant 0 : i32
    %dma_start3A_50 = arith.constant 0 : i32
    %dma_start3A_51 = tpu.memref_slice %arg18[%dma_start3A_48, %dma_start3A_49, %dma_start3A_50] : memref<4x2x128xi32, #tpu.memory_space<vmem>> -> memref<1x1x128xi32, #tpu.memory_space<vmem>>
    %dma_start3A_52 = tpu.memref_squeeze %dma_start3A_51 : memref<1x1x128xi32, #tpu.memory_space<vmem>> -> memref<128xi32, #tpu.memory_space<vmem>>
    %dma_start3A_53 = tpu.memref_slice %arg8[%add3A_47] : memref<8192xi32, #tpu.memory_space<hbm>> -> memref<128xi32, #tpu.memory_space<hbm>>
    %dma_start3A_54 = arith.constant 0 : i32
    %dma_start3A_55 = tpu.memref_slice %arg18[%dma_start3A_48, %dma_start3A_49, %dma_start3A_54] : memref<4x2x128xi32, #tpu.memory_space<vmem>> -> memref<1x1x128xi32, #tpu.memory_space<vmem>>
    %dma_start3A_56 = tpu.memref_squeeze %dma_start3A_55 : memref<1x1x128xi32, #tpu.memory_space<vmem>> -> memref<128xi32, #tpu.memory_space<vmem>>
    %dma_start3A_57 = tpu.memref_slice %arg8[%add3A_47] : memref<8192xi32, #tpu.memory_space<hbm>> -> memref<128xi32, #tpu.memory_space<hbm>>
    tpu.enqueue_dma source(%dma_start3A_57 : memref<128xi32, #tpu.memory_space<hbm>>) target(%dma_start3A_56 : memref<128xi32, #tpu.memory_space<vmem>>) target_semaphore(%arg21 : memref<!tpu.dma_semaphore, #tpu.memory_space<semaphore_mem>>)
    %dma_start3A_58 = arith.constant 1 : i32
    %dma_start3A_59 = arith.constant 0 : i32
    %dma_start3A_60 = arith.constant 0 : i32
    %dma_start3A_61 = tpu.memref_slice %arg19[%dma_start3A_58, %dma_start3A_59, %dma_start3A_60] : memref<4x2x128xi32, #tpu.memory_space<vmem>> -> memref<1x1x128xi32, #tpu.memory_space<vmem>>
    %dma_start3A_62 = tpu.memref_squeeze %dma_start3A_61 : memref<1x1x128xi32, #tpu.memory_space<vmem>> -> memref<128xi32, #tpu.memory_space<vmem>>
    %dma_start3A_63 = tpu.memref_slice %arg9[%add3A_47] : memref<8192xi32, #tpu.memory_space<hbm>> -> memref<128xi32, #tpu.memory_space<hbm>>
    %dma_start3A_64 = arith.constant 0 : i32
    %dma_start3A_65 = tpu.memref_slice %arg19[%dma_start3A_58, %dma_start3A_59, %dma_start3A_64] : memref<4x2x128xi32, #tpu.memory_space<vmem>> -> memref<1x1x128xi32, #tpu.memory_space<vmem>>
    %dma_start3A_66 = tpu.memref_squeeze %dma_start3A_65 : memref<1x1x128xi32, #tpu.memory_space<vmem>> -> memref<128xi32, #tpu.memory_space<vmem>>
    %dma_start3A_67 = tpu.memref_slice %arg9[%add3A_47] : memref<8192xi32, #tpu.memory_space<hbm>> -> memref<128xi32, #tpu.memory_space<hbm>>
    tpu.enqueue_dma source(%dma_start3A_67 : memref<128xi32, #tpu.memory_space<hbm>>) target(%dma_start3A_66 : memref<128xi32, #tpu.memory_space<vmem>>) target_semaphore(%arg21 : memref<!tpu.dma_semaphore, #tpu.memory_space<semaphore_mem>>)
    %add3A_68 = arith.constant 128 : i32
    %add3A_69 = arith.addi %mul3A_2, %add3A_68 : i32
    %dma_start3A_70 = arith.constant 1 : i32
    %dma_start3A_71 = arith.constant 1 : i32
    %dma_start3A_72 = arith.constant 0 : i32
    %dma_start3A_73 = tpu.memref_slice %arg18[%dma_start3A_70, %dma_start3A_71, %dma_start3A_72] : memref<4x2x128xi32, #tpu.memory_space<vmem>> -> memref<1x1x128xi32, #tpu.memory_space<vmem>>
    %dma_start3A_74 = tpu.memref_squeeze %dma_start3A_73 : memref<1x1x128xi32, #tpu.memory_space<vmem>> -> memref<128xi32, #tpu.memory_space<vmem>>
    %dma_start3A_75 = tpu.memref_slice %arg8[%add3A_69] : memref<8192xi32, #tpu.memory_space<hbm>> -> memref<128xi32, #tpu.memory_space<hbm>>
    %dma_start3A_76 = arith.constant 0 : i32
    %dma_start3A_77 = tpu.memref_slice %arg18[%dma_start3A_70, %dma_start3A_71, %dma_start3A_76] : memref<4x2x128xi32, #tpu.memory_space<vmem>> -> memref<1x1x128xi32, #tpu.memory_space<vmem>>
    %dma_start3A_78 = tpu.memref_squeeze %dma_start3A_77 : memref<1x1x128xi32, #tpu.memory_space<vmem>> -> memref<128xi32, #tpu.memory_space<vmem>>
    %dma_start3A_79 = tpu.memref_slice %arg8[%add3A_69] : memref<8192xi32, #tpu.memory_space<hbm>> -> memref<128xi32, #tpu.memory_space<hbm>>
    tpu.enqueue_dma source(%dma_start3A_79 : memref<128xi32, #tpu.memory_space<hbm>>) target(%dma_start3A_78 : memref<128xi32, #tpu.memory_space<vmem>>) target_semaphore(%arg21 : memref<!tpu.dma_semaphore, #tpu.memory_space<semaphore_mem>>)
    %dma_start3A_80 = arith.constant 1 : i32
    %dma_start3A_81 = arith.constant 1 : i32
    %dma_start3A_82 = arith.constant 0 : i32
    %dma_start3A_83 = tpu.memref_slice %arg19[%dma_start3A_80, %dma_start3A_81, %dma_start3A_82] : memref<4x2x128xi32, #tpu.memory_space<vmem>> -> memref<1x1x128xi32, #tpu.memory_space<vmem>>
    %dma_start3A_84 = tpu.memref_squeeze %dma_start3A_83 : memref<1x1x128xi32, #tpu.memory_space<vmem>> -> memref<128xi32, #tpu.memory_space<vmem>>
    %dma_start3A_85 = tpu.memref_slice %arg9[%add3A_69] : memref<8192xi32, #tpu.memory_space<hbm>> -> memref<128xi32, #tpu.memory_space<hbm>>
    %dma_start3A_86 = arith.constant 0 : i32
    %dma_start3A_87 = tpu.memref_slice %arg19[%dma_start3A_80, %dma_start3A_81, %dma_start3A_86] : memref<4x2x128xi32, #tpu.memory_space<vmem>> -> memref<1x1x128xi32, #tpu.memory_space<vmem>>
    %dma_start3A_88 = tpu.memref_squeeze %dma_start3A_87 : memref<1x1x128xi32, #tpu.memory_space<vmem>> -> memref<128xi32, #tpu.memory_space<vmem>>
    %dma_start3A_89 = tpu.memref_slice %arg9[%add3A_69] : memref<8192xi32, #tpu.memory_space<hbm>> -> memref<128xi32, #tpu.memory_space<hbm>>
    tpu.enqueue_dma source(%dma_start3A_89 : memref<128xi32, #tpu.memory_space<hbm>>) target(%dma_start3A_88 : memref<128xi32, #tpu.memory_space<vmem>>) target_semaphore(%arg21 : memref<!tpu.dma_semaphore, #tpu.memory_space<semaphore_mem>>)
    %add3A_90 = arith.constant 0 : i32
    %add3A_91 = arith.addi %mul3A_2, %add3A_90 : i32
    %dma_start3A_92 = arith.constant 2 : i32
    %dma_start3A_93 = arith.constant 0 : i32
    %dma_start3A_94 = arith.constant 0 : i32
    %dma_start3A_95 = tpu.memref_slice %arg18[%dma_start3A_92, %dma_start3A_93, %dma_start3A_94] : memref<4x2x128xi32, #tpu.memory_space<vmem>> -> memref<1x1x128xi32, #tpu.memory_space<vmem>>
    %dma_start3A_96 = tpu.memref_squeeze %dma_start3A_95 : memref<1x1x128xi32, #tpu.memory_space<vmem>> -> memref<128xi32, #tpu.memory_space<vmem>>
    %dma_start3A_97 = tpu.memref_slice %arg10[%add3A_91] : memref<8192xi32, #tpu.memory_space<hbm>> -> memref<128xi32, #tpu.memory_space<hbm>>
    %dma_start3A_98 = arith.constant 0 : i32
    %dma_start3A_99 = tpu.memref_slice %arg18[%dma_start3A_92, %dma_start3A_93, %dma_start3A_98] : memref<4x2x128xi32, #tpu.memory_space<vmem>> -> memref<1x1x128xi32, #tpu.memory_space<vmem>>
    %dma_start3A_100 = tpu.memref_squeeze %dma_start3A_99 : memref<1x1x128xi32, #tpu.memory_space<vmem>> -> memref<128xi32, #tpu.memory_space<vmem>>
    %dma_start3A_101 = tpu.memref_slice %arg10[%add3A_91] : memref<8192xi32, #tpu.memory_space<hbm>> -> memref<128xi32, #tpu.memory_space<hbm>>
    tpu.enqueue_dma source(%dma_start3A_101 : memref<128xi32, #tpu.memory_space<hbm>>) target(%dma_start3A_100 : memref<128xi32, #tpu.memory_space<vmem>>) target_semaphore(%arg21 : memref<!tpu.dma_semaphore, #tpu.memory_space<semaphore_mem>>)
    %dma_start3A_102 = arith.constant 2 : i32
    %dma_start3A_103 = arith.constant 0 : i32
    %dma_start3A_104 = arith.constant 0 : i32
    %dma_start3A_105 = tpu.memref_slice %arg19[%dma_start3A_102, %dma_start3A_103, %dma_start3A_104] : memref<4x2x128xi32, #tpu.memory_space<vmem>> -> memref<1x1x128xi32, #tpu.memory_space<vmem>>
    %dma_start3A_106 = tpu.memref_squeeze %dma_start3A_105 : memref<1x1x128xi32, #tpu.memory_space<vmem>> -> memref<128xi32, #tpu.memory_space<vmem>>
    %dma_start3A_107 = tpu.memref_slice %arg11[%add3A_91] : memref<8192xi32, #tpu.memory_space<hbm>> -> memref<128xi32, #tpu.memory_space<hbm>>
    %dma_start3A_108 = arith.constant 0 : i32
    %dma_start3A_109 = tpu.memref_slice %arg19[%dma_start3A_102, %dma_start3A_103, %dma_start3A_108] : memref<4x2x128xi32, #tpu.memory_space<vmem>> -> memref<1x1x128xi32, #tpu.memory_space<vmem>>
    %dma_start3A_110 = tpu.memref_squeeze %dma_start3A_109 : memref<1x1x128xi32, #tpu.memory_space<vmem>> -> memref<128xi32, #tpu.memory_space<vmem>>
    %dma_start3A_111 = tpu.memref_slice %arg11[%add3A_91] : memref<8192xi32, #tpu.memory_space<hbm>> -> memref<128xi32, #tpu.memory_space<hbm>>
    tpu.enqueue_dma source(%dma_start3A_111 : memref<128xi32, #tpu.memory_space<hbm>>) target(%dma_start3A_110 : memref<128xi32, #tpu.memory_space<vmem>>) target_semaphore(%arg21 : memref<!tpu.dma_semaphore, #tpu.memory_space<semaphore_mem>>)
    %add3A_112 = arith.constant 128 : i32
    %add3A_113 = arith.addi %mul3A_2, %add3A_112 : i32
    %dma_start3A_114 = arith.constant 2 : i32
    %dma_start3A_115 = arith.constant 1 : i32
    %dma_start3A_116 = arith.constant 0 : i32
    %dma_start3A_117 = tpu.memref_slice %arg18[%dma_start3A_114, %dma_start3A_115, %dma_start3A_116] : memref<4x2x128xi32, #tpu.memory_space<vmem>> -> memref<1x1x128xi32, #tpu.memory_space<vmem>>
    %dma_start3A_118 = tpu.memref_squeeze %dma_start3A_117 : memref<1x1x128xi32, #tpu.memory_space<vmem>> -> memref<128xi32, #tpu.memory_space<vmem>>
    %dma_start3A_119 = tpu.memref_slice %arg10[%add3A_113] : memref<8192xi32, #tpu.memory_space<hbm>> -> memref<128xi32, #tpu.memory_space<hbm>>
    %dma_start3A_120 = arith.constant 0 : i32
    %dma_start3A_121 = tpu.memref_slice %arg18[%dma_start3A_114, %dma_start3A_115, %dma_start3A_120] : memref<4x2x128xi32, #tpu.memory_space<vmem>> -> memref<1x1x128xi32, #tpu.memory_space<vmem>>
    %dma_start3A_122 = tpu.memref_squeeze %dma_start3A_121 : memref<1x1x128xi32, #tpu.memory_space<vmem>> -> memref<128xi32, #tpu.memory_space<vmem>>
    %dma_start3A_123 = tpu.memref_slice %arg10[%add3A_113] : memref<8192xi32, #tpu.memory_space<hbm>> -> memref<128xi32, #tpu.memory_space<hbm>>
    tpu.enqueue_dma source(%dma_start3A_123 : memref<128xi32, #tpu.memory_space<hbm>>) target(%dma_start3A_122 : memref<128xi32, #tpu.memory_space<vmem>>) target_semaphore(%arg21 : memref<!tpu.dma_semaphore, #tpu.memory_space<semaphore_mem>>)
    %dma_start3A_124 = arith.constant 2 : i32
    %dma_start3A_125 = arith.constant 1 : i32
    %dma_start3A_126 = arith.constant 0 : i32
    %dma_start3A_127 = tpu.memref_slice %arg19[%dma_start3A_124, %dma_start3A_125, %dma_start3A_126] : memref<4x2x128xi32, #tpu.memory_space<vmem>> -> memref<1x1x128xi32, #tpu.memory_space<vmem>>
    %dma_start3A_128 = tpu.memref_squeeze %dma_start3A_127 : memref<1x1x128xi32, #tpu.memory_space<vmem>> -> memref<128xi32, #tpu.memory_space<vmem>>
    %dma_start3A_129 = tpu.memref_slice %arg11[%add3A_113] : memref<8192xi32, #tpu.memory_space<hbm>> -> memref<128xi32, #tpu.memory_space<hbm>>
    %dma_start3A_130 = arith.constant 0 : i32
    %dma_start3A_131 = tpu.memref_slice %arg19[%dma_start3A_124, %dma_start3A_125, %dma_start3A_130] : memref<4x2x128xi32, #tpu.memory_space<vmem>> -> memref<1x1x128xi32, #tpu.memory_space<vmem>>
    %dma_start3A_132 = tpu.memref_squeeze %dma_start3A_131 : memref<1x1x128xi32, #tpu.memory_space<vmem>> -> memref<128xi32, #tpu.memory_space<vmem>>
    %dma_start3A_133 = tpu.memref_slice %arg11[%add3A_113] : memref<8192xi32, #tpu.memory_space<hbm>> -> memref<128xi32, #tpu.memory_space<hbm>>
    tpu.enqueue_dma source(%dma_start3A_133 : memref<128xi32, #tpu.memory_space<hbm>>) target(%dma_start3A_132 : memref<128xi32, #tpu.memory_space<vmem>>) target_semaphore(%arg21 : memref<!tpu.dma_semaphore, #tpu.memory_space<semaphore_mem>>)
    %add3A_134 = arith.constant 0 : i32
    %add3A_135 = arith.addi %mul3A_2, %add3A_134 : i32
    %dma_start3A_136 = arith.constant 3 : i32
    %dma_start3A_137 = arith.constant 0 : i32
    %dma_start3A_138 = arith.constant 0 : i32
    %dma_start3A_139 = tpu.memref_slice %arg18[%dma_start3A_136, %dma_start3A_137, %dma_start3A_138] : memref<4x2x128xi32, #tpu.memory_space<vmem>> -> memref<1x1x128xi32, #tpu.memory_space<vmem>>
    %dma_start3A_140 = tpu.memref_squeeze %dma_start3A_139 : memref<1x1x128xi32, #tpu.memory_space<vmem>> -> memref<128xi32, #tpu.memory_space<vmem>>
    %dma_start3A_141 = tpu.memref_slice %arg12[%add3A_135] : memref<8192xi32, #tpu.memory_space<hbm>> -> memref<128xi32, #tpu.memory_space<hbm>>
    %dma_start3A_142 = arith.constant 0 : i32
    %dma_start3A_143 = tpu.memref_slice %arg18[%dma_start3A_136, %dma_start3A_137, %dma_start3A_142] : memref<4x2x128xi32, #tpu.memory_space<vmem>> -> memref<1x1x128xi32, #tpu.memory_space<vmem>>
    %dma_start3A_144 = tpu.memref_squeeze %dma_start3A_143 : memref<1x1x128xi32, #tpu.memory_space<vmem>> -> memref<128xi32, #tpu.memory_space<vmem>>
    %dma_start3A_145 = tpu.memref_slice %arg12[%add3A_135] : memref<8192xi32, #tpu.memory_space<hbm>> -> memref<128xi32, #tpu.memory_space<hbm>>
    tpu.enqueue_dma source(%dma_start3A_145 : memref<128xi32, #tpu.memory_space<hbm>>) target(%dma_start3A_144 : memref<128xi32, #tpu.memory_space<vmem>>) target_semaphore(%arg21 : memref<!tpu.dma_semaphore, #tpu.memory_space<semaphore_mem>>)
    %dma_start3A_146 = arith.constant 3 : i32
    %dma_start3A_147 = arith.constant 0 : i32
    %dma_start3A_148 = arith.constant 0 : i32
    %dma_start3A_149 = tpu.memref_slice %arg19[%dma_start3A_146, %dma_start3A_147, %dma_start3A_148] : memref<4x2x128xi32, #tpu.memory_space<vmem>> -> memref<1x1x128xi32, #tpu.memory_space<vmem>>
    %dma_start3A_150 = tpu.memref_squeeze %dma_start3A_149 : memref<1x1x128xi32, #tpu.memory_space<vmem>> -> memref<128xi32, #tpu.memory_space<vmem>>
    %dma_start3A_151 = tpu.memref_slice %arg13[%add3A_135] : memref<8192xi32, #tpu.memory_space<hbm>> -> memref<128xi32, #tpu.memory_space<hbm>>
    %dma_start3A_152 = arith.constant 0 : i32
    %dma_start3A_153 = tpu.memref_slice %arg19[%dma_start3A_146, %dma_start3A_147, %dma_start3A_152] : memref<4x2x128xi32, #tpu.memory_space<vmem>> -> memref<1x1x128xi32, #tpu.memory_space<vmem>>
    %dma_start3A_154 = tpu.memref_squeeze %dma_start3A_153 : memref<1x1x128xi32, #tpu.memory_space<vmem>> -> memref<128xi32, #tpu.memory_space<vmem>>
    %dma_start3A_155 = tpu.memref_slice %arg13[%add3A_135] : memref<8192xi32, #tpu.memory_space<hbm>> -> memref<128xi32, #tpu.memory_space<hbm>>
    tpu.enqueue_dma source(%dma_start3A_155 : memref<128xi32, #tpu.memory_space<hbm>>) target(%dma_start3A_154 : memref<128xi32, #tpu.memory_space<vmem>>) target_semaphore(%arg21 : memref<!tpu.dma_semaphore, #tpu.memory_space<semaphore_mem>>)
    %add3A_156 = arith.constant 128 : i32
    %add3A_157 = arith.addi %mul3A_2, %add3A_156 : i32
    %dma_start3A_158 = arith.constant 3 : i32
    %dma_start3A_159 = arith.constant 1 : i32
    %dma_start3A_160 = arith.constant 0 : i32
    %dma_start3A_161 = tpu.memref_slice %arg18[%dma_start3A_158, %dma_start3A_159, %dma_start3A_160] : memref<4x2x128xi32, #tpu.memory_space<vmem>> -> memref<1x1x128xi32, #tpu.memory_space<vmem>>
    %dma_start3A_162 = tpu.memref_squeeze %dma_start3A_161 : memref<1x1x128xi32, #tpu.memory_space<vmem>> -> memref<128xi32, #tpu.memory_space<vmem>>
    %dma_start3A_163 = tpu.memref_slice %arg12[%add3A_157] : memref<8192xi32, #tpu.memory_space<hbm>> -> memref<128xi32, #tpu.memory_space<hbm>>
    %dma_start3A_164 = arith.constant 0 : i32
    %dma_start3A_165 = tpu.memref_slice %arg18[%dma_start3A_158, %dma_start3A_159, %dma_start3A_164] : memref<4x2x128xi32, #tpu.memory_space<vmem>> -> memref<1x1x128xi32, #tpu.memory_space<vmem>>
    %dma_start3A_166 = tpu.memref_squeeze %dma_start3A_165 : memref<1x1x128xi32, #tpu.memory_space<vmem>> -> memref<128xi32, #tpu.memory_space<vmem>>
    %dma_start3A_167 = tpu.memref_slice %arg12[%add3A_157] : memref<8192xi32, #tpu.memory_space<hbm>> -> memref<128xi32, #tpu.memory_space<hbm>>
    tpu.enqueue_dma source(%dma_start3A_167 : memref<128xi32, #tpu.memory_space<hbm>>) target(%dma_start3A_166 : memref<128xi32, #tpu.memory_space<vmem>>) target_semaphore(%arg21 : memref<!tpu.dma_semaphore, #tpu.memory_space<semaphore_mem>>)
    %dma_start3A_168 = arith.constant 3 : i32
    %dma_start3A_169 = arith.constant 1 : i32
    %dma_start3A_170 = arith.constant 0 : i32
    %dma_start3A_171 = tpu.memref_slice %arg19[%dma_start3A_168, %dma_start3A_169, %dma_start3A_170] : memref<4x2x128xi32, #tpu.memory_space<vmem>> -> memref<1x1x128xi32, #tpu.memory_space<vmem>>
    %dma_start3A_172 = tpu.memref_squeeze %dma_start3A_171 : memref<1x1x128xi32, #tpu.memory_space<vmem>> -> memref<128xi32, #tpu.memory_space<vmem>>
    %dma_start3A_173 = tpu.memref_slice %arg13[%add3A_157] : memref<8192xi32, #tpu.memory_space<hbm>> -> memref<128xi32, #tpu.memory_space<hbm>>
    %dma_start3A_174 = arith.constant 0 : i32
    %dma_start3A_175 = tpu.memref_slice %arg19[%dma_start3A_168, %dma_start3A_169, %dma_start3A_174] : memref<4x2x128xi32, #tpu.memory_space<vmem>> -> memref<1x1x128xi32, #tpu.memory_space<vmem>>
    %dma_start3A_176 = tpu.memref_squeeze %dma_start3A_175 : memref<1x1x128xi32, #tpu.memory_space<vmem>> -> memref<128xi32, #tpu.memory_space<vmem>>
    %dma_start3A_177 = tpu.memref_slice %arg13[%add3A_157] : memref<8192xi32, #tpu.memory_space<hbm>> -> memref<128xi32, #tpu.memory_space<hbm>>
    tpu.enqueue_dma source(%dma_start3A_177 : memref<128xi32, #tpu.memory_space<hbm>>) target(%dma_start3A_176 : memref<128xi32, #tpu.memory_space<vmem>>) target_semaphore(%arg21 : memref<!tpu.dma_semaphore, #tpu.memory_space<semaphore_mem>>)
    %dma_wait3A = arith.constant 0 : i32
    %dma_wait3A_178 = arith.constant 0 : i32
    %dma_wait3A_179 = arith.constant 0 : i32
    %dma_wait3A_180 = tpu.memref_slice %arg18[%dma_wait3A, %dma_wait3A_178, %dma_wait3A_179] : memref<4x2x128xi32, #tpu.memory_space<vmem>> -> memref<1x1x128xi32, #tpu.memory_space<vmem>>
    %dma_wait3A_181 = tpu.memref_squeeze %dma_wait3A_180 : memref<1x1x128xi32, #tpu.memory_space<vmem>> -> memref<128xi32, #tpu.memory_space<vmem>>
    %dma_wait3A_182 = tpu.memref_slice %arg6[%add3A_4] : memref<8192xi32, #tpu.memory_space<hbm>> -> memref<128xi32, #tpu.memory_space<hbm>>
    %dma_wait3A_183 = arith.constant 0 : i32
    %dma_wait3A_184 = tpu.memref_slice %arg18[%dma_wait3A, %dma_wait3A_178, %dma_wait3A_183] : memref<4x2x128xi32, #tpu.memory_space<vmem>> -> memref<1x1x128xi32, #tpu.memory_space<vmem>>
    %dma_wait3A_185 = tpu.memref_squeeze %dma_wait3A_184 : memref<1x1x128xi32, #tpu.memory_space<vmem>> -> memref<128xi32, #tpu.memory_space<vmem>>
    %dma_wait3A_186 = tpu.memref_slice %arg6[%add3A_4] : memref<8192xi32, #tpu.memory_space<hbm>> -> memref<128xi32, #tpu.memory_space<hbm>>
    tpu.wait_dma2 semaphore(%arg21 : memref<!tpu.dma_semaphore, #tpu.memory_space<semaphore_mem>>) src(%dma_wait3A_186 : memref<128xi32, #tpu.memory_space<hbm>>) dst(%dma_wait3A_185 : memref<128xi32, #tpu.memory_space<vmem>>)
    %dma_wait3A_187 = arith.constant 0 : i32
    %dma_wait3A_188 = arith.constant 0 : i32
    %dma_wait3A_189 = arith.constant 0 : i32
    %dma_wait3A_190 = tpu.memref_slice %arg19[%dma_wait3A_187, %dma_wait3A_188, %dma_wait3A_189] : memref<4x2x128xi32, #tpu.memory_space<vmem>> -> memref<1x1x128xi32, #tpu.memory_space<vmem>>
    %dma_wait3A_191 = tpu.memref_squeeze %dma_wait3A_190 : memref<1x1x128xi32, #tpu.memory_space<vmem>> -> memref<128xi32, #tpu.memory_space<vmem>>
    %dma_wait3A_192 = tpu.memref_slice %arg7[%add3A_4] : memref<8192xi32, #tpu.memory_space<hbm>> -> memref<128xi32, #tpu.memory_space<hbm>>
    %dma_wait3A_193 = arith.constant 0 : i32
    %dma_wait3A_194 = tpu.memref_slice %arg19[%dma_wait3A_187, %dma_wait3A_188, %dma_wait3A_193] : memref<4x2x128xi32, #tpu.memory_space<vmem>> -> memref<1x1x128xi32, #tpu.memory_space<vmem>>
    %dma_wait3A_195 = tpu.memref_squeeze %dma_wait3A_194 : memref<1x1x128xi32, #tpu.memory_space<vmem>> -> memref<128xi32, #tpu.memory_space<vmem>>
    %dma_wait3A_196 = tpu.memref_slice %arg7[%add3A_4] : memref<8192xi32, #tpu.memory_space<hbm>> -> memref<128xi32, #tpu.memory_space<hbm>>
    tpu.wait_dma2 semaphore(%arg21 : memref<!tpu.dma_semaphore, #tpu.memory_space<semaphore_mem>>) src(%dma_wait3A_196 : memref<128xi32, #tpu.memory_space<hbm>>) dst(%dma_wait3A_195 : memref<128xi32, #tpu.memory_space<vmem>>)
    %dma_wait3A_197 = arith.constant 0 : i32
    %dma_wait3A_198 = arith.constant 1 : i32
    %dma_wait3A_199 = arith.constant 0 : i32
    %dma_wait3A_200 = tpu.memref_slice %arg18[%dma_wait3A_197, %dma_wait3A_198, %dma_wait3A_199] : memref<4x2x128xi32, #tpu.memory_space<vmem>> -> memref<1x1x128xi32, #tpu.memory_space<vmem>>
    %dma_wait3A_201 = tpu.memref_squeeze %dma_wait3A_200 : memref<1x1x128xi32, #tpu.memory_space<vmem>> -> memref<128xi32, #tpu.memory_space<vmem>>
    %dma_wait3A_202 = tpu.memref_slice %arg6[%add3A_25] : memref<8192xi32, #tpu.memory_space<hbm>> -> memref<128xi32, #tpu.memory_space<hbm>>
    %dma_wait3A_203 = arith.constant 0 : i32
    %dma_wait3A_204 = tpu.memref_slice %arg18[%dma_wait3A_197, %dma_wait3A_198, %dma_wait3A_203] : memref<4x2x128xi32, #tpu.memory_space<vmem>> -> memref<1x1x128xi32, #tpu.memory_space<vmem>>
    %dma_wait3A_205 = tpu.memref_squeeze %dma_wait3A_204 : memref<1x1x128xi32, #tpu.memory_space<vmem>> -> memref<128xi32, #tpu.memory_space<vmem>>
    %dma_wait3A_206 = tpu.memref_slice %arg6[%add3A_25] : memref<8192xi32, #tpu.memory_space<hbm>> -> memref<128xi32, #tpu.memory_space<hbm>>
    tpu.wait_dma2 semaphore(%arg21 : memref<!tpu.dma_semaphore, #tpu.memory_space<semaphore_mem>>) src(%dma_wait3A_206 : memref<128xi32, #tpu.memory_space<hbm>>) dst(%dma_wait3A_205 : memref<128xi32, #tpu.memory_space<vmem>>)
    %dma_wait3A_207 = arith.constant 0 : i32
    %dma_wait3A_208 = arith.constant 1 : i32
    %dma_wait3A_209 = arith.constant 0 : i32
    %dma_wait3A_210 = tpu.memref_slice %arg19[%dma_wait3A_207, %dma_wait3A_208, %dma_wait3A_209] : memref<4x2x128xi32, #tpu.memory_space<vmem>> -> memref<1x1x128xi32, #tpu.memory_space<vmem>>
    %dma_wait3A_211 = tpu.memref_squeeze %dma_wait3A_210 : memref<1x1x128xi32, #tpu.memory_space<vmem>> -> memref<128xi32, #tpu.memory_space<vmem>>
    %dma_wait3A_212 = tpu.memref_slice %arg7[%add3A_25] : memref<8192xi32, #tpu.memory_space<hbm>> -> memref<128xi32, #tpu.memory_space<hbm>>
    %dma_wait3A_213 = arith.constant 0 : i32
    %dma_wait3A_214 = tpu.memref_slice %arg19[%dma_wait3A_207, %dma_wait3A_208, %dma_wait3A_213] : memref<4x2x128xi32, #tpu.memory_space<vmem>> -> memref<1x1x128xi32, #tpu.memory_space<vmem>>
    %dma_wait3A_215 = tpu.memref_squeeze %dma_wait3A_214 : memref<1x1x128xi32, #tpu.memory_space<vmem>> -> memref<128xi32, #tpu.memory_space<vmem>>
    %dma_wait3A_216 = tpu.memref_slice %arg7[%add3A_25] : memref<8192xi32, #tpu.memory_space<hbm>> -> memref<128xi32, #tpu.memory_space<hbm>>
    tpu.wait_dma2 semaphore(%arg21 : memref<!tpu.dma_semaphore, #tpu.memory_space<semaphore_mem>>) src(%dma_wait3A_216 : memref<128xi32, #tpu.memory_space<hbm>>) dst(%dma_wait3A_215 : memref<128xi32, #tpu.memory_space<vmem>>)
    %dma_wait3A_217 = arith.constant 1 : i32
    %dma_wait3A_218 = arith.constant 0 : i32
    %dma_wait3A_219 = arith.constant 0 : i32
    %dma_wait3A_220 = tpu.memref_slice %arg18[%dma_wait3A_217, %dma_wait3A_218, %dma_wait3A_219] : memref<4x2x128xi32, #tpu.memory_space<vmem>> -> memref<1x1x128xi32, #tpu.memory_space<vmem>>
    %dma_wait3A_221 = tpu.memref_squeeze %dma_wait3A_220 : memref<1x1x128xi32, #tpu.memory_space<vmem>> -> memref<128xi32, #tpu.memory_space<vmem>>
    %dma_wait3A_222 = tpu.memref_slice %arg8[%add3A_47] : memref<8192xi32, #tpu.memory_space<hbm>> -> memref<128xi32, #tpu.memory_space<hbm>>
    %dma_wait3A_223 = arith.constant 0 : i32
    %dma_wait3A_224 = tpu.memref_slice %arg18[%dma_wait3A_217, %dma_wait3A_218, %dma_wait3A_223] : memref<4x2x128xi32, #tpu.memory_space<vmem>> -> memref<1x1x128xi32, #tpu.memory_space<vmem>>
    %dma_wait3A_225 = tpu.memref_squeeze %dma_wait3A_224 : memref<1x1x128xi32, #tpu.memory_space<vmem>> -> memref<128xi32, #tpu.memory_space<vmem>>
    %dma_wait3A_226 = tpu.memref_slice %arg8[%add3A_47] : memref<8192xi32, #tpu.memory_space<hbm>> -> memref<128xi32, #tpu.memory_space<hbm>>
    tpu.wait_dma2 semaphore(%arg21 : memref<!tpu.dma_semaphore, #tpu.memory_space<semaphore_mem>>) src(%dma_wait3A_226 : memref<128xi32, #tpu.memory_space<hbm>>) dst(%dma_wait3A_225 : memref<128xi32, #tpu.memory_space<vmem>>)
    %dma_wait3A_227 = arith.constant 1 : i32
    %dma_wait3A_228 = arith.constant 0 : i32
    %dma_wait3A_229 = arith.constant 0 : i32
    %dma_wait3A_230 = tpu.memref_slice %arg19[%dma_wait3A_227, %dma_wait3A_228, %dma_wait3A_229] : memref<4x2x128xi32, #tpu.memory_space<vmem>> -> memref<1x1x128xi32, #tpu.memory_space<vmem>>
    %dma_wait3A_231 = tpu.memref_squeeze %dma_wait3A_230 : memref<1x1x128xi32, #tpu.memory_space<vmem>> -> memref<128xi32, #tpu.memory_space<vmem>>
    %dma_wait3A_232 = tpu.memref_slice %arg9[%add3A_47] : memref<8192xi32, #tpu.memory_space<hbm>> -> memref<128xi32, #tpu.memory_space<hbm>>
    %dma_wait3A_233 = arith.constant 0 : i32
    %dma_wait3A_234 = tpu.memref_slice %arg19[%dma_wait3A_227, %dma_wait3A_228, %dma_wait3A_233] : memref<4x2x128xi32, #tpu.memory_space<vmem>> -> memref<1x1x128xi32, #tpu.memory_space<vmem>>
    %dma_wait3A_235 = tpu.memref_squeeze %dma_wait3A_234 : memref<1x1x128xi32, #tpu.memory_space<vmem>> -> memref<128xi32, #tpu.memory_space<vmem>>
    %dma_wait3A_236 = tpu.memref_slice %arg9[%add3A_47] : memref<8192xi32, #tpu.memory_space<hbm>> -> memref<128xi32, #tpu.memory_space<hbm>>
    tpu.wait_dma2 semaphore(%arg21 : memref<!tpu.dma_semaphore, #tpu.memory_space<semaphore_mem>>) src(%dma_wait3A_236 : memref<128xi32, #tpu.memory_space<hbm>>) dst(%dma_wait3A_235 : memref<128xi32, #tpu.memory_space<vmem>>)
    %dma_wait3A_237 = arith.constant 1 : i32
    %dma_wait3A_238 = arith.constant 1 : i32
    %dma_wait3A_239 = arith.constant 0 : i32
    %dma_wait3A_240 = tpu.memref_slice %arg18[%dma_wait3A_237, %dma_wait3A_238, %dma_wait3A_239] : memref<4x2x128xi32, #tpu.memory_space<vmem>> -> memref<1x1x128xi32, #tpu.memory_space<vmem>>
    %dma_wait3A_241 = tpu.memref_squeeze %dma_wait3A_240 : memref<1x1x128xi32, #tpu.memory_space<vmem>> -> memref<128xi32, #tpu.memory_space<vmem>>
    %dma_wait3A_242 = tpu.memref_slice %arg8[%add3A_69] : memref<8192xi32, #tpu.memory_space<hbm>> -> memref<128xi32, #tpu.memory_space<hbm>>
    %dma_wait3A_243 = arith.constant 0 : i32
    %dma_wait3A_244 = tpu.memref_slice %arg18[%dma_wait3A_237, %dma_wait3A_238, %dma_wait3A_243] : memref<4x2x128xi32, #tpu.memory_space<vmem>> -> memref<1x1x128xi32, #tpu.memory_space<vmem>>
    %dma_wait3A_245 = tpu.memref_squeeze %dma_wait3A_244 : memref<1x1x128xi32, #tpu.memory_space<vmem>> -> memref<128xi32, #tpu.memory_space<vmem>>
    %dma_wait3A_246 = tpu.memref_slice %arg8[%add3A_69] : memref<8192xi32, #tpu.memory_space<hbm>> -> memref<128xi32, #tpu.memory_space<hbm>>
    tpu.wait_dma2 semaphore(%arg21 : memref<!tpu.dma_semaphore, #tpu.memory_space<semaphore_mem>>) src(%dma_wait3A_246 : memref<128xi32, #tpu.memory_space<hbm>>) dst(%dma_wait3A_245 : memref<128xi32, #tpu.memory_space<vmem>>)
    %dma_wait3A_247 = arith.constant 1 : i32
    %dma_wait3A_248 = arith.constant 1 : i32
    %dma_wait3A_249 = arith.constant 0 : i32
    %dma_wait3A_250 = tpu.memref_slice %arg19[%dma_wait3A_247, %dma_wait3A_248, %dma_wait3A_249] : memref<4x2x128xi32, #tpu.memory_space<vmem>> -> memref<1x1x128xi32, #tpu.memory_space<vmem>>
    %dma_wait3A_251 = tpu.memref_squeeze %dma_wait3A_250 : memref<1x1x128xi32, #tpu.memory_space<vmem>> -> memref<128xi32, #tpu.memory_space<vmem>>
    %dma_wait3A_252 = tpu.memref_slice %arg9[%add3A_69] : memref<8192xi32, #tpu.memory_space<hbm>> -> memref<128xi32, #tpu.memory_space<hbm>>
    %dma_wait3A_253 = arith.constant 0 : i32
    %dma_wait3A_254 = tpu.memref_slice %arg19[%dma_wait3A_247, %dma_wait3A_248, %dma_wait3A_253] : memref<4x2x128xi32, #tpu.memory_space<vmem>> -> memref<1x1x128xi32, #tpu.memory_space<vmem>>
    %dma_wait3A_255 = tpu.memref_squeeze %dma_wait3A_254 : memref<1x1x128xi32, #tpu.memory_space<vmem>> -> memref<128xi32, #tpu.memory_space<vmem>>
    %dma_wait3A_256 = tpu.memref_slice %arg9[%add3A_69] : memref<8192xi32, #tpu.memory_space<hbm>> -> memref<128xi32, #tpu.memory_space<hbm>>
    tpu.wait_dma2 semaphore(%arg21 : memref<!tpu.dma_semaphore, #tpu.memory_space<semaphore_mem>>) src(%dma_wait3A_256 : memref<128xi32, #tpu.memory_space<hbm>>) dst(%dma_wait3A_255 : memref<128xi32, #tpu.memory_space<vmem>>)
    %dma_wait3A_257 = arith.constant 2 : i32
    %dma_wait3A_258 = arith.constant 0 : i32
    %dma_wait3A_259 = arith.constant 0 : i32
    %dma_wait3A_260 = tpu.memref_slice %arg18[%dma_wait3A_257, %dma_wait3A_258, %dma_wait3A_259] : memref<4x2x128xi32, #tpu.memory_space<vmem>> -> memref<1x1x128xi32, #tpu.memory_space<vmem>>
    %dma_wait3A_261 = tpu.memref_squeeze %dma_wait3A_260 : memref<1x1x128xi32, #tpu.memory_space<vmem>> -> memref<128xi32, #tpu.memory_space<vmem>>
    %dma_wait3A_262 = tpu.memref_slice %arg10[%add3A_91] : memref<8192xi32, #tpu.memory_space<hbm>> -> memref<128xi32, #tpu.memory_space<hbm>>
    %dma_wait3A_263 = arith.constant 0 : i32
    %dma_wait3A_264 = tpu.memref_slice %arg18[%dma_wait3A_257, %dma_wait3A_258, %dma_wait3A_263] : memref<4x2x128xi32, #tpu.memory_space<vmem>> -> memref<1x1x128xi32, #tpu.memory_space<vmem>>
    %dma_wait3A_265 = tpu.memref_squeeze %dma_wait3A_264 : memref<1x1x128xi32, #tpu.memory_space<vmem>> -> memref<128xi32, #tpu.memory_space<vmem>>
    %dma_wait3A_266 = tpu.memref_slice %arg10[%add3A_91] : memref<8192xi32, #tpu.memory_space<hbm>> -> memref<128xi32, #tpu.memory_space<hbm>>
    tpu.wait_dma2 semaphore(%arg21 : memref<!tpu.dma_semaphore, #tpu.memory_space<semaphore_mem>>) src(%dma_wait3A_266 : memref<128xi32, #tpu.memory_space<hbm>>) dst(%dma_wait3A_265 : memref<128xi32, #tpu.memory_space<vmem>>)
    %dma_wait3A_267 = arith.constant 2 : i32
    %dma_wait3A_268 = arith.constant 0 : i32
    %dma_wait3A_269 = arith.constant 0 : i32
    %dma_wait3A_270 = tpu.memref_slice %arg19[%dma_wait3A_267, %dma_wait3A_268, %dma_wait3A_269] : memref<4x2x128xi32, #tpu.memory_space<vmem>> -> memref<1x1x128xi32, #tpu.memory_space<vmem>>
    %dma_wait3A_271 = tpu.memref_squeeze %dma_wait3A_270 : memref<1x1x128xi32, #tpu.memory_space<vmem>> -> memref<128xi32, #tpu.memory_space<vmem>>
    %dma_wait3A_272 = tpu.memref_slice %arg11[%add3A_91] : memref<8192xi32, #tpu.memory_space<hbm>> -> memref<128xi32, #tpu.memory_space<hbm>>
    %dma_wait3A_273 = arith.constant 0 : i32
    %dma_wait3A_274 = tpu.memref_slice %arg19[%dma_wait3A_267, %dma_wait3A_268, %dma_wait3A_273] : memref<4x2x128xi32, #tpu.memory_space<vmem>> -> memref<1x1x128xi32, #tpu.memory_space<vmem>>
    %dma_wait3A_275 = tpu.memref_squeeze %dma_wait3A_274 : memref<1x1x128xi32, #tpu.memory_space<vmem>> -> memref<128xi32, #tpu.memory_space<vmem>>
    %dma_wait3A_276 = tpu.memref_slice %arg11[%add3A_91] : memref<8192xi32, #tpu.memory_space<hbm>> -> memref<128xi32, #tpu.memory_space<hbm>>
    tpu.wait_dma2 semaphore(%arg21 : memref<!tpu.dma_semaphore, #tpu.memory_space<semaphore_mem>>) src(%dma_wait3A_276 : memref<128xi32, #tpu.memory_space<hbm>>) dst(%dma_wait3A_275 : memref<128xi32, #tpu.memory_space<vmem>>)
    %dma_wait3A_277 = arith.constant 2 : i32
    %dma_wait3A_278 = arith.constant 1 : i32
    %dma_wait3A_279 = arith.constant 0 : i32
    %dma_wait3A_280 = tpu.memref_slice %arg18[%dma_wait3A_277, %dma_wait3A_278, %dma_wait3A_279] : memref<4x2x128xi32, #tpu.memory_space<vmem>> -> memref<1x1x128xi32, #tpu.memory_space<vmem>>
    %dma_wait3A_281 = tpu.memref_squeeze %dma_wait3A_280 : memref<1x1x128xi32, #tpu.memory_space<vmem>> -> memref<128xi32, #tpu.memory_space<vmem>>
    %dma_wait3A_282 = tpu.memref_slice %arg10[%add3A_113] : memref<8192xi32, #tpu.memory_space<hbm>> -> memref<128xi32, #tpu.memory_space<hbm>>
    %dma_wait3A_283 = arith.constant 0 : i32
    %dma_wait3A_284 = tpu.memref_slice %arg18[%dma_wait3A_277, %dma_wait3A_278, %dma_wait3A_283] : memref<4x2x128xi32, #tpu.memory_space<vmem>> -> memref<1x1x128xi32, #tpu.memory_space<vmem>>
    %dma_wait3A_285 = tpu.memref_squeeze %dma_wait3A_284 : memref<1x1x128xi32, #tpu.memory_space<vmem>> -> memref<128xi32, #tpu.memory_space<vmem>>
    %dma_wait3A_286 = tpu.memref_slice %arg10[%add3A_113] : memref<8192xi32, #tpu.memory_space<hbm>> -> memref<128xi32, #tpu.memory_space<hbm>>
    tpu.wait_dma2 semaphore(%arg21 : memref<!tpu.dma_semaphore, #tpu.memory_space<semaphore_mem>>) src(%dma_wait3A_286 : memref<128xi32, #tpu.memory_space<hbm>>) dst(%dma_wait3A_285 : memref<128xi32, #tpu.memory_space<vmem>>)
    %dma_wait3A_287 = arith.constant 2 : i32
    %dma_wait3A_288 = arith.constant 1 : i32
    %dma_wait3A_289 = arith.constant 0 : i32
    %dma_wait3A_290 = tpu.memref_slice %arg19[%dma_wait3A_287, %dma_wait3A_288, %dma_wait3A_289] : memref<4x2x128xi32, #tpu.memory_space<vmem>> -> memref<1x1x128xi32, #tpu.memory_space<vmem>>
    %dma_wait3A_291 = tpu.memref_squeeze %dma_wait3A_290 : memref<1x1x128xi32, #tpu.memory_space<vmem>> -> memref<128xi32, #tpu.memory_space<vmem>>
    %dma_wait3A_292 = tpu.memref_slice %arg11[%add3A_113] : memref<8192xi32, #tpu.memory_space<hbm>> -> memref<128xi32, #tpu.memory_space<hbm>>
    %dma_wait3A_293 = arith.constant 0 : i32
    %dma_wait3A_294 = tpu.memref_slice %arg19[%dma_wait3A_287, %dma_wait3A_288, %dma_wait3A_293] : memref<4x2x128xi32, #tpu.memory_space<vmem>> -> memref<1x1x128xi32, #tpu.memory_space<vmem>>
    %dma_wait3A_295 = tpu.memref_squeeze %dma_wait3A_294 : memref<1x1x128xi32, #tpu.memory_space<vmem>> -> memref<128xi32, #tpu.memory_space<vmem>>
    %dma_wait3A_296 = tpu.memref_slice %arg11[%add3A_113] : memref<8192xi32, #tpu.memory_space<hbm>> -> memref<128xi32, #tpu.memory_space<hbm>>
    tpu.wait_dma2 semaphore(%arg21 : memref<!tpu.dma_semaphore, #tpu.memory_space<semaphore_mem>>) src(%dma_wait3A_296 : memref<128xi32, #tpu.memory_space<hbm>>) dst(%dma_wait3A_295 : memref<128xi32, #tpu.memory_space<vmem>>)
    %dma_wait3A_297 = arith.constant 3 : i32
    %dma_wait3A_298 = arith.constant 0 : i32
    %dma_wait3A_299 = arith.constant 0 : i32
    %dma_wait3A_300 = tpu.memref_slice %arg18[%dma_wait3A_297, %dma_wait3A_298, %dma_wait3A_299] : memref<4x2x128xi32, #tpu.memory_space<vmem>> -> memref<1x1x128xi32, #tpu.memory_space<vmem>>
    %dma_wait3A_301 = tpu.memref_squeeze %dma_wait3A_300 : memref<1x1x128xi32, #tpu.memory_space<vmem>> -> memref<128xi32, #tpu.memory_space<vmem>>
    %dma_wait3A_302 = tpu.memref_slice %arg12[%add3A_135] : memref<8192xi32, #tpu.memory_space<hbm>> -> memref<128xi32, #tpu.memory_space<hbm>>
    %dma_wait3A_303 = arith.constant 0 : i32
    %dma_wait3A_304 = tpu.memref_slice %arg18[%dma_wait3A_297, %dma_wait3A_298, %dma_wait3A_303] : memref<4x2x128xi32, #tpu.memory_space<vmem>> -> memref<1x1x128xi32, #tpu.memory_space<vmem>>
    %dma_wait3A_305 = tpu.memref_squeeze %dma_wait3A_304 : memref<1x1x128xi32, #tpu.memory_space<vmem>> -> memref<128xi32, #tpu.memory_space<vmem>>
    %dma_wait3A_306 = tpu.memref_slice %arg12[%add3A_135] : memref<8192xi32, #tpu.memory_space<hbm>> -> memref<128xi32, #tpu.memory_space<hbm>>
    tpu.wait_dma2 semaphore(%arg21 : memref<!tpu.dma_semaphore, #tpu.memory_space<semaphore_mem>>) src(%dma_wait3A_306 : memref<128xi32, #tpu.memory_space<hbm>>) dst(%dma_wait3A_305 : memref<128xi32, #tpu.memory_space<vmem>>)
    %dma_wait3A_307 = arith.constant 3 : i32
    %dma_wait3A_308 = arith.constant 0 : i32
    %dma_wait3A_309 = arith.constant 0 : i32
    %dma_wait3A_310 = tpu.memref_slice %arg19[%dma_wait3A_307, %dma_wait3A_308, %dma_wait3A_309] : memref<4x2x128xi32, #tpu.memory_space<vmem>> -> memref<1x1x128xi32, #tpu.memory_space<vmem>>
    %dma_wait3A_311 = tpu.memref_squeeze %dma_wait3A_310 : memref<1x1x128xi32, #tpu.memory_space<vmem>> -> memref<128xi32, #tpu.memory_space<vmem>>
    %dma_wait3A_312 = tpu.memref_slice %arg13[%add3A_135] : memref<8192xi32, #tpu.memory_space<hbm>> -> memref<128xi32, #tpu.memory_space<hbm>>
    %dma_wait3A_313 = arith.constant 0 : i32
    %dma_wait3A_314 = tpu.memref_slice %arg19[%dma_wait3A_307, %dma_wait3A_308, %dma_wait3A_313] : memref<4x2x128xi32, #tpu.memory_space<vmem>> -> memref<1x1x128xi32, #tpu.memory_space<vmem>>
    %dma_wait3A_315 = tpu.memref_squeeze %dma_wait3A_314 : memref<1x1x128xi32, #tpu.memory_space<vmem>> -> memref<128xi32, #tpu.memory_space<vmem>>
    %dma_wait3A_316 = tpu.memref_slice %arg13[%add3A_135] : memref<8192xi32, #tpu.memory_space<hbm>> -> memref<128xi32, #tpu.memory_space<hbm>>
    tpu.wait_dma2 semaphore(%arg21 : memref<!tpu.dma_semaphore, #tpu.memory_space<semaphore_mem>>) src(%dma_wait3A_316 : memref<128xi32, #tpu.memory_space<hbm>>) dst(%dma_wait3A_315 : memref<128xi32, #tpu.memory_space<vmem>>)
    %dma_wait3A_317 = arith.constant 3 : i32
    %dma_wait3A_318 = arith.constant 1 : i32
    %dma_wait3A_319 = arith.constant 0 : i32
    %dma_wait3A_320 = tpu.memref_slice %arg18[%dma_wait3A_317, %dma_wait3A_318, %dma_wait3A_319] : memref<4x2x128xi32, #tpu.memory_space<vmem>> -> memref<1x1x128xi32, #tpu.memory_space<vmem>>
    %dma_wait3A_321 = tpu.memref_squeeze %dma_wait3A_320 : memref<1x1x128xi32, #tpu.memory_space<vmem>> -> memref<128xi32, #tpu.memory_space<vmem>>
    %dma_wait3A_322 = tpu.memref_slice %arg12[%add3A_157] : memref<8192xi32, #tpu.memory_space<hbm>> -> memref<128xi32, #tpu.memory_space<hbm>>
    %dma_wait3A_323 = arith.constant 0 : i32
    %dma_wait3A_324 = tpu.memref_slice %arg18[%dma_wait3A_317, %dma_wait3A_318, %dma_wait3A_323] : memref<4x2x128xi32, #tpu.memory_space<vmem>> -> memref<1x1x128xi32, #tpu.memory_space<vmem>>
    %dma_wait3A_325 = tpu.memref_squeeze %dma_wait3A_324 : memref<1x1x128xi32, #tpu.memory_space<vmem>> -> memref<128xi32, #tpu.memory_space<vmem>>
    %dma_wait3A_326 = tpu.memref_slice %arg12[%add3A_157] : memref<8192xi32, #tpu.memory_space<hbm>> -> memref<128xi32, #tpu.memory_space<hbm>>
    tpu.wait_dma2 semaphore(%arg21 : memref<!tpu.dma_semaphore, #tpu.memory_space<semaphore_mem>>) src(%dma_wait3A_326 : memref<128xi32, #tpu.memory_space<hbm>>) dst(%dma_wait3A_325 : memref<128xi32, #tpu.memory_space<vmem>>)
    %dma_wait3A_327 = arith.constant 3 : i32
    %dma_wait3A_328 = arith.constant 1 : i32
    %dma_wait3A_329 = arith.constant 0 : i32
    %dma_wait3A_330 = tpu.memref_slice %arg19[%dma_wait3A_327, %dma_wait3A_328, %dma_wait3A_329] : memref<4x2x128xi32, #tpu.memory_space<vmem>> -> memref<1x1x128xi32, #tpu.memory_space<vmem>>
    %dma_wait3A_331 = tpu.memref_squeeze %dma_wait3A_330 : memref<1x1x128xi32, #tpu.memory_space<vmem>> -> memref<128xi32, #tpu.memory_space<vmem>>
    %dma_wait3A_332 = tpu.memref_slice %arg13[%add3A_157] : memref<8192xi32, #tpu.memory_space<hbm>> -> memref<128xi32, #tpu.memory_space<hbm>>
    %dma_wait3A_333 = arith.constant 0 : i32
    %dma_wait3A_334 = tpu.memref_slice %arg19[%dma_wait3A_327, %dma_wait3A_328, %dma_wait3A_333] : memref<4x2x128xi32, #tpu.memory_space<vmem>> -> memref<1x1x128xi32, #tpu.memory_space<vmem>>
    %dma_wait3A_335 = tpu.memref_squeeze %dma_wait3A_334 : memref<1x1x128xi32, #tpu.memory_space<vmem>> -> memref<128xi32, #tpu.memory_space<vmem>>
    %dma_wait3A_336 = tpu.memref_slice %arg13[%add3A_157] : memref<8192xi32, #tpu.memory_space<hbm>> -> memref<128xi32, #tpu.memory_space<hbm>>
    tpu.wait_dma2 semaphore(%arg21 : memref<!tpu.dma_semaphore, #tpu.memory_space<semaphore_mem>>) src(%dma_wait3A_336 : memref<128xi32, #tpu.memory_space<hbm>>) dst(%dma_wait3A_335 : memref<128xi32, #tpu.memory_space<vmem>>)
    %dma_start3A_337 = arith.constant 0 : i32
    %dma_start3A_338 = arith.constant 0 : i32
    %dma_start3A_339 = arith.constant 0 : i32
    %dma_start3A_340 = arith.constant 0 : i32
    %dma_start3A_341 = arith.constant 0 : i32
    %dma_start3A_342 = tpu.memref_slice %arg20[%dma_start3A_339, %dma_start3A_340, %dma_start3A_341] : memref<7x128x128xf32, #tpu.memory_space<vmem>> -> memref<1x128x128xf32, #tpu.memory_space<vmem>>
    %dma_start3A_343 = tpu.memref_squeeze %dma_start3A_342 : memref<1x128x128xf32, #tpu.memory_space<vmem>> -> memref<128x128xf32, #tpu.memory_space<vmem>>
    %dma_start3A_344 = arith.constant 0 : i32
    %dma_start3A_345 = tpu.memref_slice %arg18[%dma_start3A_337, %dma_start3A_338, %dma_start3A_344] : memref<4x2x128xi32, #tpu.memory_space<vmem>> -> memref<1x1x128xi32, #tpu.memory_space<vmem>>
    %dma_start3A_346 = tpu.memref_squeeze %dma_start3A_345 : memref<1x1x128xi32, #tpu.memory_space<vmem>> -> memref<128xi32, #tpu.memory_space<vmem>>
    %dma_start3A_347 = arith.constant 0 : i32
    %dma_start3A_348 = arith.constant 0 : i32
    %dma_start3A_349 = tpu.memref_slice %arg2[%dma_start3A_347, %dma_start3A_348] : memref<32768x128xf32, #tpu.memory_space<hbm>> -> memref<32768x128xf32, #tpu.memory_space<hbm>>
    tpu.enqueue_indirect_dma source(%dma_start3A_349 : memref<32768x128xf32, #tpu.memory_space<hbm>>) target(%dma_start3A_343 : memref<128x128xf32, #tpu.memory_space<vmem>>) offsets(%dma_start3A_346 : memref<128xi32, #tpu.memory_space<vmem>>) semaphore(%arg22 : memref<!tpu.dma_semaphore, #tpu.memory_space<semaphore_mem>>)
    %dma_start3A_350 = arith.constant 0 : i32
    %dma_start3A_351 = arith.constant 1 : i32
    %dma_start3A_352 = arith.constant 1 : i32
    %dma_start3A_353 = arith.constant 0 : i32
    %dma_start3A_354 = arith.constant 0 : i32
    %dma_start3A_355 = tpu.memref_slice %arg20[%dma_start3A_352, %dma_start3A_353, %dma_start3A_354] : memref<7x128x128xf32, #tpu.memory_space<vmem>> -> memref<1x128x128xf32, #tpu.memory_space<vmem>>
    %dma_start3A_356 = tpu.memref_squeeze %dma_start3A_355 : memref<1x128x128xf32, #tpu.memory_space<vmem>> -> memref<128x128xf32, #tpu.memory_space<vmem>>
    %dma_start3A_357 = arith.constant 0 : i32
    %dma_start3A_358 = tpu.memref_slice %arg18[%dma_start3A_350, %dma_start3A_351, %dma_start3A_357] : memref<4x2x128xi32, #tpu.memory_space<vmem>> -> memref<1x1x128xi32, #tpu.memory_space<vmem>>
    %dma_start3A_359 = tpu.memref_squeeze %dma_start3A_358 : memref<1x1x128xi32, #tpu.memory_space<vmem>> -> memref<128xi32, #tpu.memory_space<vmem>>
    %dma_start3A_360 = arith.constant 0 : i32
    %dma_start3A_361 = arith.constant 0 : i32
    %dma_start3A_362 = tpu.memref_slice %arg2[%dma_start3A_360, %dma_start3A_361] : memref<32768x128xf32, #tpu.memory_space<hbm>> -> memref<32768x128xf32, #tpu.memory_space<hbm>>
    tpu.enqueue_indirect_dma source(%dma_start3A_362 : memref<32768x128xf32, #tpu.memory_space<hbm>>) target(%dma_start3A_356 : memref<128x128xf32, #tpu.memory_space<vmem>>) offsets(%dma_start3A_359 : memref<128xi32, #tpu.memory_space<vmem>>) semaphore(%arg23 : memref<!tpu.dma_semaphore, #tpu.memory_space<semaphore_mem>>)
    %dma_start3A_363 = arith.constant 1 : i32
    %dma_start3A_364 = arith.constant 0 : i32
    %dma_start3A_365 = arith.constant 2 : i32
    %dma_start3A_366 = arith.constant 0 : i32
    %dma_start3A_367 = arith.constant 0 : i32
    %dma_start3A_368 = tpu.memref_slice %arg20[%dma_start3A_365, %dma_start3A_366, %dma_start3A_367] : memref<7x128x128xf32, #tpu.memory_space<vmem>> -> memref<1x128x128xf32, #tpu.memory_space<vmem>>
    %dma_start3A_369 = tpu.memref_squeeze %dma_start3A_368 : memref<1x128x128xf32, #tpu.memory_space<vmem>> -> memref<128x128xf32, #tpu.memory_space<vmem>>
    %dma_start3A_370 = arith.constant 0 : i32
    %dma_start3A_371 = tpu.memref_slice %arg18[%dma_start3A_363, %dma_start3A_364, %dma_start3A_370] : memref<4x2x128xi32, #tpu.memory_space<vmem>> -> memref<1x1x128xi32, #tpu.memory_space<vmem>>
    %dma_start3A_372 = tpu.memref_squeeze %dma_start3A_371 : memref<1x1x128xi32, #tpu.memory_space<vmem>> -> memref<128xi32, #tpu.memory_space<vmem>>
    %dma_start3A_373 = arith.constant 0 : i32
    %dma_start3A_374 = arith.constant 0 : i32
    %dma_start3A_375 = tpu.memref_slice %arg4[%dma_start3A_373, %dma_start3A_374] : memref<16384x128xf32, #tpu.memory_space<hbm>> -> memref<16384x128xf32, #tpu.memory_space<hbm>>
    tpu.enqueue_indirect_dma source(%dma_start3A_375 : memref<16384x128xf32, #tpu.memory_space<hbm>>) target(%dma_start3A_369 : memref<128x128xf32, #tpu.memory_space<vmem>>) offsets(%dma_start3A_372 : memref<128xi32, #tpu.memory_space<vmem>>) semaphore(%arg24 : memref<!tpu.dma_semaphore, #tpu.memory_space<semaphore_mem>>)
    %dma_start3A_376 = arith.constant 1 : i32
    %dma_start3A_377 = arith.constant 1 : i32
    %dma_start3A_378 = arith.constant 3 : i32
    %dma_start3A_379 = arith.constant 0 : i32
    %dma_start3A_380 = arith.constant 0 : i32
    %dma_start3A_381 = tpu.memref_slice %arg20[%dma_start3A_378, %dma_start3A_379, %dma_start3A_380] : memref<7x128x128xf32, #tpu.memory_space<vmem>> -> memref<1x128x128xf32, #tpu.memory_space<vmem>>
    %dma_start3A_382 = tpu.memref_squeeze %dma_start3A_381 : memref<1x128x128xf32, #tpu.memory_space<vmem>> -> memref<128x128xf32, #tpu.memory_space<vmem>>
    %dma_start3A_383 = arith.constant 0 : i32
    %dma_start3A_384 = tpu.memref_slice %arg18[%dma_start3A_376, %dma_start3A_377, %dma_start3A_383] : memref<4x2x128xi32, #tpu.memory_space<vmem>> -> memref<1x1x128xi32, #tpu.memory_space<vmem>>
    %dma_start3A_385 = tpu.memref_squeeze %dma_start3A_384 : memref<1x1x128xi32, #tpu.memory_space<vmem>> -> memref<128xi32, #tpu.memory_space<vmem>>
    %dma_start3A_386 = arith.constant 0 : i32
    %dma_start3A_387 = arith.constant 0 : i32
    %dma_start3A_388 = tpu.memref_slice %arg4[%dma_start3A_386, %dma_start3A_387] : memref<16384x128xf32, #tpu.memory_space<hbm>> -> memref<16384x128xf32, #tpu.memory_space<hbm>>
    tpu.enqueue_indirect_dma source(%dma_start3A_388 : memref<16384x128xf32, #tpu.memory_space<hbm>>) target(%dma_start3A_382 : memref<128x128xf32, #tpu.memory_space<vmem>>) offsets(%dma_start3A_385 : memref<128xi32, #tpu.memory_space<vmem>>) semaphore(%arg25 : memref<!tpu.dma_semaphore, #tpu.memory_space<semaphore_mem>>)
    %dma_start3A_389 = arith.constant 0 : i32
    %dma_start3A_390 = arith.constant 0 : i32
    %dma_start3A_391 = arith.constant 4 : i32
    %dma_start3A_392 = arith.constant 0 : i32
    %dma_start3A_393 = arith.constant 0 : i32
    %dma_start3A_394 = tpu.memref_slice %arg20[%dma_start3A_391, %dma_start3A_392, %dma_start3A_393] : memref<7x128x128xf32, #tpu.memory_space<vmem>> -> memref<1x128x128xf32, #tpu.memory_space<vmem>>
    %dma_start3A_395 = tpu.memref_squeeze %dma_start3A_394 : memref<1x128x128xf32, #tpu.memory_space<vmem>> -> memref<128x128xf32, #tpu.memory_space<vmem>>
    %dma_start3A_396 = arith.constant 0 : i32
    %dma_start3A_397 = tpu.memref_slice %arg18[%dma_start3A_389, %dma_start3A_390, %dma_start3A_396] : memref<4x2x128xi32, #tpu.memory_space<vmem>> -> memref<1x1x128xi32, #tpu.memory_space<vmem>>
    %dma_start3A_398 = tpu.memref_squeeze %dma_start3A_397 : memref<1x1x128xi32, #tpu.memory_space<vmem>> -> memref<128xi32, #tpu.memory_space<vmem>>
    %dma_start3A_399 = arith.constant 0 : i32
    %dma_start3A_400 = arith.constant 0 : i32
    %dma_start3A_401 = tpu.memref_slice %arg3[%dma_start3A_399, %dma_start3A_400] : memref<32768x128xf32, #tpu.memory_space<hbm>> -> memref<32768x128xf32, #tpu.memory_space<hbm>>
    tpu.enqueue_indirect_dma source(%dma_start3A_401 : memref<32768x128xf32, #tpu.memory_space<hbm>>) target(%dma_start3A_395 : memref<128x128xf32, #tpu.memory_space<vmem>>) offsets(%dma_start3A_398 : memref<128xi32, #tpu.memory_space<vmem>>) semaphore(%arg26 : memref<!tpu.dma_semaphore, #tpu.memory_space<semaphore_mem>>)
    %dma_wait3A_402 = arith.constant 0 : i32
    %dma_wait3A_403 = arith.constant 0 : i32
    %dma_wait3A_404 = arith.constant 0 : i32
    %dma_wait3A_405 = arith.constant 0 : i32
    %dma_wait3A_406 = arith.constant 0 : i32
    %dma_wait3A_407 = tpu.memref_slice %arg20[%dma_wait3A_404, %dma_wait3A_405, %dma_wait3A_406] : memref<7x128x128xf32, #tpu.memory_space<vmem>> -> memref<1x128x128xf32, #tpu.memory_space<vmem>>
    %dma_wait3A_408 = tpu.memref_squeeze %dma_wait3A_407 : memref<1x128x128xf32, #tpu.memory_space<vmem>> -> memref<128x128xf32, #tpu.memory_space<vmem>>
    %dma_wait3A_409 = arith.constant 0 : i32
    %dma_wait3A_410 = tpu.memref_slice %arg18[%dma_wait3A_402, %dma_wait3A_403, %dma_wait3A_409] : memref<4x2x128xi32, #tpu.memory_space<vmem>> -> memref<1x1x128xi32, #tpu.memory_space<vmem>>
    %dma_wait3A_411 = tpu.memref_squeeze %dma_wait3A_410 : memref<1x1x128xi32, #tpu.memory_space<vmem>> -> memref<128xi32, #tpu.memory_space<vmem>>
    %dma_wait3A_412 = arith.constant 0 : i32
    %dma_wait3A_413 = arith.constant 0 : i32
    %dma_wait3A_414 = tpu.memref_slice %arg2[%dma_wait3A_412, %dma_wait3A_413] : memref<32768x128xf32, #tpu.memory_space<hbm>> -> memref<32768x128xf32, #tpu.memory_space<hbm>>
    tpu.wait_indirect_dma semaphore(%arg22 : memref<!tpu.dma_semaphore, #tpu.memory_space<semaphore_mem>>) src(%dma_wait3A_414 : memref<32768x128xf32, #tpu.memory_space<hbm>>) dst(%dma_wait3A_408 : memref<128x128xf32, #tpu.memory_space<vmem>>)
    %dma_start3A_415 = arith.constant 0 : i32
    %dma_start3A_416 = arith.constant 0 : i32
    %dma_start3A_417 = arith.constant 0 : i32
    %dma_start3A_418 = arith.constant 0 : i32
    %dma_start3A_419 = arith.constant 0 : i32
    %dma_start3A_420 = tpu.memref_slice %arg20[%dma_start3A_415, %dma_start3A_418, %dma_start3A_419] : memref<7x128x128xf32, #tpu.memory_space<vmem>> -> memref<1x128x128xf32, #tpu.memory_space<vmem>>
    %dma_start3A_421 = tpu.memref_squeeze %dma_start3A_420 : memref<1x128x128xf32, #tpu.memory_space<vmem>> -> memref<128x128xf32, #tpu.memory_space<vmem>>
    %dma_start3A_422 = arith.constant 0 : i32
    %dma_start3A_423 = tpu.memref_slice %arg19[%dma_start3A_416, %dma_start3A_417, %dma_start3A_422] : memref<4x2x128xi32, #tpu.memory_space<vmem>> -> memref<1x1x128xi32, #tpu.memory_space<vmem>>
    %dma_start3A_424 = tpu.memref_squeeze %dma_start3A_423 : memref<1x1x128xi32, #tpu.memory_space<vmem>> -> memref<128xi32, #tpu.memory_space<vmem>>
    %dma_start3A_425 = arith.constant 0 : i32
    %dma_start3A_426 = arith.constant 0 : i32
    %dma_start3A_427 = tpu.memref_slice %arg14[%dma_start3A_425, %dma_start3A_426] : memref<16384x128xf32, #tpu.memory_space<hbm>> -> memref<16384x128xf32, #tpu.memory_space<hbm>>
    tpu.enqueue_indirect_dma source(%dma_start3A_421 : memref<128x128xf32, #tpu.memory_space<vmem>>) target(%dma_start3A_427 : memref<16384x128xf32, #tpu.memory_space<hbm>>) offsets(%dma_start3A_424 : memref<128xi32, #tpu.memory_space<vmem>>) semaphore(%arg29 : memref<!tpu.dma_semaphore, #tpu.memory_space<semaphore_mem>>)
    %dma_start3A_428 = arith.constant 0 : i32
    %dma_start3A_429 = arith.constant 1 : i32
    %dma_start3A_430 = arith.constant 5 : i32
    %dma_start3A_431 = arith.constant 0 : i32
    %dma_start3A_432 = arith.constant 0 : i32
    %dma_start3A_433 = tpu.memref_slice %arg20[%dma_start3A_430, %dma_start3A_431, %dma_start3A_432] : memref<7x128x128xf32, #tpu.memory_space<vmem>> -> memref<1x128x128xf32, #tpu.memory_space<vmem>>
    %dma_start3A_434 = tpu.memref_squeeze %dma_start3A_433 : memref<1x128x128xf32, #tpu.memory_space<vmem>> -> memref<128x128xf32, #tpu.memory_space<vmem>>
    %dma_start3A_435 = arith.constant 0 : i32
    %dma_start3A_436 = tpu.memref_slice %arg18[%dma_start3A_428, %dma_start3A_429, %dma_start3A_435] : memref<4x2x128xi32, #tpu.memory_space<vmem>> -> memref<1x1x128xi32, #tpu.memory_space<vmem>>
    %dma_start3A_437 = tpu.memref_squeeze %dma_start3A_436 : memref<1x1x128xi32, #tpu.memory_space<vmem>> -> memref<128xi32, #tpu.memory_space<vmem>>
    %dma_start3A_438 = arith.constant 0 : i32
    %dma_start3A_439 = arith.constant 0 : i32
    %dma_start3A_440 = tpu.memref_slice %arg3[%dma_start3A_438, %dma_start3A_439] : memref<32768x128xf32, #tpu.memory_space<hbm>> -> memref<32768x128xf32, #tpu.memory_space<hbm>>
    tpu.enqueue_indirect_dma source(%dma_start3A_440 : memref<32768x128xf32, #tpu.memory_space<hbm>>) target(%dma_start3A_434 : memref<128x128xf32, #tpu.memory_space<vmem>>) offsets(%dma_start3A_437 : memref<128xi32, #tpu.memory_space<vmem>>) semaphore(%arg27 : memref<!tpu.dma_semaphore, #tpu.memory_space<semaphore_mem>>)
    %dma_wait3A_441 = arith.constant 0 : i32
    %dma_wait3A_442 = arith.constant 1 : i32
    %dma_wait3A_443 = arith.constant 1 : i32
    %dma_wait3A_444 = arith.constant 0 : i32
    %dma_wait3A_445 = arith.constant 0 : i32
    %dma_wait3A_446 = tpu.memref_slice %arg20[%dma_wait3A_443, %dma_wait3A_444, %dma_wait3A_445] : memref<7x128x128xf32, #tpu.memory_space<vmem>> -> memref<1x128x128xf32, #tpu.memory_space<vmem>>
    %dma_wait3A_447 = tpu.memref_squeeze %dma_wait3A_446 : memref<1x128x128xf32, #tpu.memory_space<vmem>> -> memref<128x128xf32, #tpu.memory_space<vmem>>
    %dma_wait3A_448 = arith.constant 0 : i32
    %dma_wait3A_449 = tpu.memref_slice %arg18[%dma_wait3A_441, %dma_wait3A_442, %dma_wait3A_448] : memref<4x2x128xi32, #tpu.memory_space<vmem>> -> memref<1x1x128xi32, #tpu.memory_space<vmem>>
    %dma_wait3A_450 = tpu.memref_squeeze %dma_wait3A_449 : memref<1x1x128xi32, #tpu.memory_space<vmem>> -> memref<128xi32, #tpu.memory_space<vmem>>
    %dma_wait3A_451 = arith.constant 0 : i32
    %dma_wait3A_452 = arith.constant 0 : i32
    %dma_wait3A_453 = tpu.memref_slice %arg2[%dma_wait3A_451, %dma_wait3A_452] : memref<32768x128xf32, #tpu.memory_space<hbm>> -> memref<32768x128xf32, #tpu.memory_space<hbm>>
    tpu.wait_indirect_dma semaphore(%arg23 : memref<!tpu.dma_semaphore, #tpu.memory_space<semaphore_mem>>) src(%dma_wait3A_453 : memref<32768x128xf32, #tpu.memory_space<hbm>>) dst(%dma_wait3A_447 : memref<128x128xf32, #tpu.memory_space<vmem>>)
    %dma_start3A_454 = arith.constant 1 : i32
    %dma_start3A_455 = arith.constant 0 : i32
    %dma_start3A_456 = arith.constant 1 : i32
    %dma_start3A_457 = arith.constant 0 : i32
    %dma_start3A_458 = arith.constant 0 : i32
    %dma_start3A_459 = tpu.memref_slice %arg20[%dma_start3A_454, %dma_start3A_457, %dma_start3A_458] : memref<7x128x128xf32, #tpu.memory_space<vmem>> -> memref<1x128x128xf32, #tpu.memory_space<vmem>>
    %dma_start3A_460 = tpu.memref_squeeze %dma_start3A_459 : memref<1x128x128xf32, #tpu.memory_space<vmem>> -> memref<128x128xf32, #tpu.memory_space<vmem>>
    %dma_start3A_461 = arith.constant 0 : i32
    %dma_start3A_462 = tpu.memref_slice %arg19[%dma_start3A_455, %dma_start3A_456, %dma_start3A_461] : memref<4x2x128xi32, #tpu.memory_space<vmem>> -> memref<1x1x128xi32, #tpu.memory_space<vmem>>
    %dma_start3A_463 = tpu.memref_squeeze %dma_start3A_462 : memref<1x1x128xi32, #tpu.memory_space<vmem>> -> memref<128xi32, #tpu.memory_space<vmem>>
    %dma_start3A_464 = arith.constant 0 : i32
    %dma_start3A_465 = arith.constant 0 : i32
    %dma_start3A_466 = tpu.memref_slice %arg14[%dma_start3A_464, %dma_start3A_465] : memref<16384x128xf32, #tpu.memory_space<hbm>> -> memref<16384x128xf32, #tpu.memory_space<hbm>>
    tpu.enqueue_indirect_dma source(%dma_start3A_460 : memref<128x128xf32, #tpu.memory_space<vmem>>) target(%dma_start3A_466 : memref<16384x128xf32, #tpu.memory_space<hbm>>) offsets(%dma_start3A_463 : memref<128xi32, #tpu.memory_space<vmem>>) semaphore(%arg30 : memref<!tpu.dma_semaphore, #tpu.memory_space<semaphore_mem>>)
    %dma_start3A_467 = arith.constant 1 : i32
    %dma_start3A_468 = arith.constant 0 : i32
    %dma_start3A_469 = arith.constant 6 : i32
    %dma_start3A_470 = arith.constant 0 : i32
    %dma_start3A_471 = arith.constant 0 : i32
    %dma_start3A_472 = tpu.memref_slice %arg20[%dma_start3A_469, %dma_start3A_470, %dma_start3A_471] : memref<7x128x128xf32, #tpu.memory_space<vmem>> -> memref<1x128x128xf32, #tpu.memory_space<vmem>>
    %dma_start3A_473 = tpu.memref_squeeze %dma_start3A_472 : memref<1x128x128xf32, #tpu.memory_space<vmem>> -> memref<128x128xf32, #tpu.memory_space<vmem>>
    %dma_start3A_474 = arith.constant 0 : i32
    %dma_start3A_475 = tpu.memref_slice %arg18[%dma_start3A_467, %dma_start3A_468, %dma_start3A_474] : memref<4x2x128xi32, #tpu.memory_space<vmem>> -> memref<1x1x128xi32, #tpu.memory_space<vmem>>
    %dma_start3A_476 = tpu.memref_squeeze %dma_start3A_475 : memref<1x1x128xi32, #tpu.memory_space<vmem>> -> memref<128xi32, #tpu.memory_space<vmem>>
    %dma_start3A_477 = arith.constant 0 : i32
    %dma_start3A_478 = arith.constant 0 : i32
    %dma_start3A_479 = tpu.memref_slice %arg5[%dma_start3A_477, %dma_start3A_478] : memref<16384x128xf32, #tpu.memory_space<hbm>> -> memref<16384x128xf32, #tpu.memory_space<hbm>>
    tpu.enqueue_indirect_dma source(%dma_start3A_479 : memref<16384x128xf32, #tpu.memory_space<hbm>>) target(%dma_start3A_473 : memref<128x128xf32, #tpu.memory_space<vmem>>) offsets(%dma_start3A_476 : memref<128xi32, #tpu.memory_space<vmem>>) semaphore(%arg28 : memref<!tpu.dma_semaphore, #tpu.memory_space<semaphore_mem>>)
    %dma_wait3A_480 = arith.constant 1 : i32
    %dma_wait3A_481 = arith.constant 0 : i32
    %dma_wait3A_482 = arith.constant 2 : i32
    %dma_wait3A_483 = arith.constant 0 : i32
    %dma_wait3A_484 = arith.constant 0 : i32
    %dma_wait3A_485 = tpu.memref_slice %arg20[%dma_wait3A_482, %dma_wait3A_483, %dma_wait3A_484] : memref<7x128x128xf32, #tpu.memory_space<vmem>> -> memref<1x128x128xf32, #tpu.memory_space<vmem>>
    %dma_wait3A_486 = tpu.memref_squeeze %dma_wait3A_485 : memref<1x128x128xf32, #tpu.memory_space<vmem>> -> memref<128x128xf32, #tpu.memory_space<vmem>>
    %dma_wait3A_487 = arith.constant 0 : i32
    %dma_wait3A_488 = tpu.memref_slice %arg18[%dma_wait3A_480, %dma_wait3A_481, %dma_wait3A_487] : memref<4x2x128xi32, #tpu.memory_space<vmem>> -> memref<1x1x128xi32, #tpu.memory_space<vmem>>
    %dma_wait3A_489 = tpu.memref_squeeze %dma_wait3A_488 : memref<1x1x128xi32, #tpu.memory_space<vmem>> -> memref<128xi32, #tpu.memory_space<vmem>>
    %dma_wait3A_490 = arith.constant 0 : i32
    %dma_wait3A_491 = arith.constant 0 : i32
    %dma_wait3A_492 = tpu.memref_slice %arg4[%dma_wait3A_490, %dma_wait3A_491] : memref<16384x128xf32, #tpu.memory_space<hbm>> -> memref<16384x128xf32, #tpu.memory_space<hbm>>
    tpu.wait_indirect_dma semaphore(%arg24 : memref<!tpu.dma_semaphore, #tpu.memory_space<semaphore_mem>>) src(%dma_wait3A_492 : memref<16384x128xf32, #tpu.memory_space<hbm>>) dst(%dma_wait3A_486 : memref<128x128xf32, #tpu.memory_space<vmem>>)
    %dma_start3A_493 = arith.constant 2 : i32
    %dma_start3A_494 = arith.constant 1 : i32
    %dma_start3A_495 = arith.constant 0 : i32
    %dma_start3A_496 = arith.constant 0 : i32
    %dma_start3A_497 = arith.constant 0 : i32
    %dma_start3A_498 = tpu.memref_slice %arg20[%dma_start3A_493, %dma_start3A_496, %dma_start3A_497] : memref<7x128x128xf32, #tpu.memory_space<vmem>> -> memref<1x128x128xf32, #tpu.memory_space<vmem>>
    %dma_start3A_499 = tpu.memref_squeeze %dma_start3A_498 : memref<1x128x128xf32, #tpu.memory_space<vmem>> -> memref<128x128xf32, #tpu.memory_space<vmem>>
    %dma_start3A_500 = arith.constant 0 : i32
    %dma_start3A_501 = tpu.memref_slice %arg19[%dma_start3A_494, %dma_start3A_495, %dma_start3A_500] : memref<4x2x128xi32, #tpu.memory_space<vmem>> -> memref<1x1x128xi32, #tpu.memory_space<vmem>>
    %dma_start3A_502 = tpu.memref_squeeze %dma_start3A_501 : memref<1x1x128xi32, #tpu.memory_space<vmem>> -> memref<128xi32, #tpu.memory_space<vmem>>
    %dma_start3A_503 = arith.constant 0 : i32
    %dma_start3A_504 = arith.constant 0 : i32
    %dma_start3A_505 = tpu.memref_slice %arg14[%dma_start3A_503, %dma_start3A_504] : memref<16384x128xf32, #tpu.memory_space<hbm>> -> memref<16384x128xf32, #tpu.memory_space<hbm>>
    tpu.enqueue_indirect_dma source(%dma_start3A_499 : memref<128x128xf32, #tpu.memory_space<vmem>>) target(%dma_start3A_505 : memref<16384x128xf32, #tpu.memory_space<hbm>>) offsets(%dma_start3A_502 : memref<128xi32, #tpu.memory_space<vmem>>) semaphore(%arg31 : memref<!tpu.dma_semaphore, #tpu.memory_space<semaphore_mem>>)
    %dma_wait3A_506 = arith.constant 0 : i32
    %dma_wait3A_507 = arith.constant 0 : i32
    %dma_wait3A_508 = arith.constant 0 : i32
    %dma_wait3A_509 = arith.constant 0 : i32
    %dma_wait3A_510 = arith.constant 0 : i32
    %dma_wait3A_511 = tpu.memref_slice %arg20[%dma_wait3A_506, %dma_wait3A_509, %dma_wait3A_510] : memref<7x128x128xf32, #tpu.memory_space<vmem>> -> memref<1x128x128xf32, #tpu.memory_space<vmem>>
    %dma_wait3A_512 = tpu.memref_squeeze %dma_wait3A_511 : memref<1x128x128xf32, #tpu.memory_space<vmem>> -> memref<128x128xf32, #tpu.memory_space<vmem>>
    %dma_wait3A_513 = arith.constant 0 : i32
    %dma_wait3A_514 = tpu.memref_slice %arg19[%dma_wait3A_507, %dma_wait3A_508, %dma_wait3A_513] : memref<4x2x128xi32, #tpu.memory_space<vmem>> -> memref<1x1x128xi32, #tpu.memory_space<vmem>>
    %dma_wait3A_515 = tpu.memref_squeeze %dma_wait3A_514 : memref<1x1x128xi32, #tpu.memory_space<vmem>> -> memref<128xi32, #tpu.memory_space<vmem>>
    %dma_wait3A_516 = arith.constant 0 : i32
    %dma_wait3A_517 = arith.constant 0 : i32
    %dma_wait3A_518 = tpu.memref_slice %arg14[%dma_wait3A_516, %dma_wait3A_517] : memref<16384x128xf32, #tpu.memory_space<hbm>> -> memref<16384x128xf32, #tpu.memory_space<hbm>>
    tpu.wait_indirect_dma semaphore(%arg29 : memref<!tpu.dma_semaphore, #tpu.memory_space<semaphore_mem>>) src(%dma_wait3A_512 : memref<128x128xf32, #tpu.memory_space<vmem>>) dst(%dma_wait3A_518 : memref<16384x128xf32, #tpu.memory_space<hbm>>)
    %dma_start3A_519 = arith.constant 1 : i32
    %dma_start3A_520 = arith.constant 1 : i32
    %dma_start3A_521 = arith.constant 0 : i32
    %dma_start3A_522 = arith.constant 0 : i32
    %dma_start3A_523 = arith.constant 0 : i32
    %dma_start3A_524 = tpu.memref_slice %arg20[%dma_start3A_521, %dma_start3A_522, %dma_start3A_523] : memref<7x128x128xf32, #tpu.memory_space<vmem>> -> memref<1x128x128xf32, #tpu.memory_space<vmem>>
    %dma_start3A_525 = tpu.memref_squeeze %dma_start3A_524 : memref<1x128x128xf32, #tpu.memory_space<vmem>> -> memref<128x128xf32, #tpu.memory_space<vmem>>
    %dma_start3A_526 = arith.constant 0 : i32
    %dma_start3A_527 = tpu.memref_slice %arg18[%dma_start3A_519, %dma_start3A_520, %dma_start3A_526] : memref<4x2x128xi32, #tpu.memory_space<vmem>> -> memref<1x1x128xi32, #tpu.memory_space<vmem>>
    %dma_start3A_528 = tpu.memref_squeeze %dma_start3A_527 : memref<1x1x128xi32, #tpu.memory_space<vmem>> -> memref<128xi32, #tpu.memory_space<vmem>>
    %dma_start3A_529 = arith.constant 0 : i32
    %dma_start3A_530 = arith.constant 0 : i32
    %dma_start3A_531 = tpu.memref_slice %arg5[%dma_start3A_529, %dma_start3A_530] : memref<16384x128xf32, #tpu.memory_space<hbm>> -> memref<16384x128xf32, #tpu.memory_space<hbm>>
    tpu.enqueue_indirect_dma source(%dma_start3A_531 : memref<16384x128xf32, #tpu.memory_space<hbm>>) target(%dma_start3A_525 : memref<128x128xf32, #tpu.memory_space<vmem>>) offsets(%dma_start3A_528 : memref<128xi32, #tpu.memory_space<vmem>>) semaphore(%arg22 : memref<!tpu.dma_semaphore, #tpu.memory_space<semaphore_mem>>)
    %dma_wait3A_532 = arith.constant 1 : i32
    %dma_wait3A_533 = arith.constant 1 : i32
    %dma_wait3A_534 = arith.constant 3 : i32
    %dma_wait3A_535 = arith.constant 0 : i32
    %dma_wait3A_536 = arith.constant 0 : i32
    %dma_wait3A_537 = tpu.memref_slice %arg20[%dma_wait3A_534, %dma_wait3A_535, %dma_wait3A_536] : memref<7x128x128xf32, #tpu.memory_space<vmem>> -> memref<1x128x128xf32, #tpu.memory_space<vmem>>
    %dma_wait3A_538 = tpu.memref_squeeze %dma_wait3A_537 : memref<1x128x128xf32, #tpu.memory_space<vmem>> -> memref<128x128xf32, #tpu.memory_space<vmem>>
    %dma_wait3A_539 = arith.constant 0 : i32
    %dma_wait3A_540 = tpu.memref_slice %arg18[%dma_wait3A_532, %dma_wait3A_533, %dma_wait3A_539] : memref<4x2x128xi32, #tpu.memory_space<vmem>> -> memref<1x1x128xi32, #tpu.memory_space<vmem>>
    %dma_wait3A_541 = tpu.memref_squeeze %dma_wait3A_540 : memref<1x1x128xi32, #tpu.memory_space<vmem>> -> memref<128xi32, #tpu.memory_space<vmem>>
    %dma_wait3A_542 = arith.constant 0 : i32
    %dma_wait3A_543 = arith.constant 0 : i32
    %dma_wait3A_544 = tpu.memref_slice %arg4[%dma_wait3A_542, %dma_wait3A_543] : memref<16384x128xf32, #tpu.memory_space<hbm>> -> memref<16384x128xf32, #tpu.memory_space<hbm>>
    tpu.wait_indirect_dma semaphore(%arg25 : memref<!tpu.dma_semaphore, #tpu.memory_space<semaphore_mem>>) src(%dma_wait3A_544 : memref<16384x128xf32, #tpu.memory_space<hbm>>) dst(%dma_wait3A_538 : memref<128x128xf32, #tpu.memory_space<vmem>>)
    %dma_start3A_545 = arith.constant 3 : i32
    %dma_start3A_546 = arith.constant 1 : i32
    %dma_start3A_547 = arith.constant 1 : i32
    %dma_start3A_548 = arith.constant 0 : i32
    %dma_start3A_549 = arith.constant 0 : i32
    %dma_start3A_550 = tpu.memref_slice %arg20[%dma_start3A_545, %dma_start3A_548, %dma_start3A_549] : memref<7x128x128xf32, #tpu.memory_space<vmem>> -> memref<1x128x128xf32, #tpu.memory_space<vmem>>
    %dma_start3A_551 = tpu.memref_squeeze %dma_start3A_550 : memref<1x128x128xf32, #tpu.memory_space<vmem>> -> memref<128x128xf32, #tpu.memory_space<vmem>>
    %dma_start3A_552 = arith.constant 0 : i32
    %dma_start3A_553 = tpu.memref_slice %arg19[%dma_start3A_546, %dma_start3A_547, %dma_start3A_552] : memref<4x2x128xi32, #tpu.memory_space<vmem>> -> memref<1x1x128xi32, #tpu.memory_space<vmem>>
    %dma_start3A_554 = tpu.memref_squeeze %dma_start3A_553 : memref<1x1x128xi32, #tpu.memory_space<vmem>> -> memref<128xi32, #tpu.memory_space<vmem>>
    %dma_start3A_555 = arith.constant 0 : i32
    %dma_start3A_556 = arith.constant 0 : i32
    %dma_start3A_557 = tpu.memref_slice %arg14[%dma_start3A_555, %dma_start3A_556] : memref<16384x128xf32, #tpu.memory_space<hbm>> -> memref<16384x128xf32, #tpu.memory_space<hbm>>
    tpu.enqueue_indirect_dma source(%dma_start3A_551 : memref<128x128xf32, #tpu.memory_space<vmem>>) target(%dma_start3A_557 : memref<16384x128xf32, #tpu.memory_space<hbm>>) offsets(%dma_start3A_554 : memref<128xi32, #tpu.memory_space<vmem>>) semaphore(%arg32 : memref<!tpu.dma_semaphore, #tpu.memory_space<semaphore_mem>>)
    %dma_wait3A_558 = arith.constant 1 : i32
    %dma_wait3A_559 = arith.constant 0 : i32
    %dma_wait3A_560 = arith.constant 1 : i32
    %dma_wait3A_561 = arith.constant 0 : i32
    %dma_wait3A_562 = arith.constant 0 : i32
    %dma_wait3A_563 = tpu.memref_slice %arg20[%dma_wait3A_558, %dma_wait3A_561, %dma_wait3A_562] : memref<7x128x128xf32, #tpu.memory_space<vmem>> -> memref<1x128x128xf32, #tpu.memory_space<vmem>>
    %dma_wait3A_564 = tpu.memref_squeeze %dma_wait3A_563 : memref<1x128x128xf32, #tpu.memory_space<vmem>> -> memref<128x128xf32, #tpu.memory_space<vmem>>
    %dma_wait3A_565 = arith.constant 0 : i32
    %dma_wait3A_566 = tpu.memref_slice %arg19[%dma_wait3A_559, %dma_wait3A_560, %dma_wait3A_565] : memref<4x2x128xi32, #tpu.memory_space<vmem>> -> memref<1x1x128xi32, #tpu.memory_space<vmem>>
    %dma_wait3A_567 = tpu.memref_squeeze %dma_wait3A_566 : memref<1x1x128xi32, #tpu.memory_space<vmem>> -> memref<128xi32, #tpu.memory_space<vmem>>
    %dma_wait3A_568 = arith.constant 0 : i32
    %dma_wait3A_569 = arith.constant 0 : i32
    %dma_wait3A_570 = tpu.memref_slice %arg14[%dma_wait3A_568, %dma_wait3A_569] : memref<16384x128xf32, #tpu.memory_space<hbm>> -> memref<16384x128xf32, #tpu.memory_space<hbm>>
    tpu.wait_indirect_dma semaphore(%arg30 : memref<!tpu.dma_semaphore, #tpu.memory_space<semaphore_mem>>) src(%dma_wait3A_564 : memref<128x128xf32, #tpu.memory_space<vmem>>) dst(%dma_wait3A_570 : memref<16384x128xf32, #tpu.memory_space<hbm>>)
    %dma_start3A_571 = arith.constant 2 : i32
    %dma_start3A_572 = arith.constant 0 : i32
    %dma_start3A_573 = arith.constant 1 : i32
    %dma_start3A_574 = arith.constant 0 : i32
    %dma_start3A_575 = arith.constant 0 : i32
    %dma_start3A_576 = tpu.memref_slice %arg20[%dma_start3A_573, %dma_start3A_574, %dma_start3A_575] : memref<7x128x128xf32, #tpu.memory_space<vmem>> -> memref<1x128x128xf32, #tpu.memory_space<vmem>>
    %dma_start3A_577 = tpu.memref_squeeze %dma_start3A_576 : memref<1x128x128xf32, #tpu.memory_space<vmem>> -> memref<128x128xf32, #tpu.memory_space<vmem>>
    %dma_start3A_578 = arith.constant 0 : i32
    %dma_start3A_579 = tpu.memref_slice %arg18[%dma_start3A_571, %dma_start3A_572, %dma_start3A_578] : memref<4x2x128xi32, #tpu.memory_space<vmem>> -> memref<1x1x128xi32, #tpu.memory_space<vmem>>
    %dma_start3A_580 = tpu.memref_squeeze %dma_start3A_579 : memref<1x1x128xi32, #tpu.memory_space<vmem>> -> memref<128xi32, #tpu.memory_space<vmem>>
    %dma_start3A_581 = arith.constant 0 : i32
    %dma_start3A_582 = arith.constant 0 : i32
    %dma_start3A_583 = tpu.memref_slice %arg2[%dma_start3A_581, %dma_start3A_582] : memref<32768x128xf32, #tpu.memory_space<hbm>> -> memref<32768x128xf32, #tpu.memory_space<hbm>>
    tpu.enqueue_indirect_dma source(%dma_start3A_583 : memref<32768x128xf32, #tpu.memory_space<hbm>>) target(%dma_start3A_577 : memref<128x128xf32, #tpu.memory_space<vmem>>) offsets(%dma_start3A_580 : memref<128xi32, #tpu.memory_space<vmem>>) semaphore(%arg23 : memref<!tpu.dma_semaphore, #tpu.memory_space<semaphore_mem>>)
    %dma_wait3A_584 = arith.constant 0 : i32
    %dma_wait3A_585 = arith.constant 0 : i32
    %dma_wait3A_586 = arith.constant 4 : i32
    %dma_wait3A_587 = arith.constant 0 : i32
    %dma_wait3A_588 = arith.constant 0 : i32
    %dma_wait3A_589 = tpu.memref_slice %arg20[%dma_wait3A_586, %dma_wait3A_587, %dma_wait3A_588] : memref<7x128x128xf32, #tpu.memory_space<vmem>> -> memref<1x128x128xf32, #tpu.memory_space<vmem>>
    %dma_wait3A_590 = tpu.memref_squeeze %dma_wait3A_589 : memref<1x128x128xf32, #tpu.memory_space<vmem>> -> memref<128x128xf32, #tpu.memory_space<vmem>>
    %dma_wait3A_591 = arith.constant 0 : i32
    %dma_wait3A_592 = tpu.memref_slice %arg18[%dma_wait3A_584, %dma_wait3A_585, %dma_wait3A_591] : memref<4x2x128xi32, #tpu.memory_space<vmem>> -> memref<1x1x128xi32, #tpu.memory_space<vmem>>
    %dma_wait3A_593 = tpu.memref_squeeze %dma_wait3A_592 : memref<1x1x128xi32, #tpu.memory_space<vmem>> -> memref<128xi32, #tpu.memory_space<vmem>>
    %dma_wait3A_594 = arith.constant 0 : i32
    %dma_wait3A_595 = arith.constant 0 : i32
    %dma_wait3A_596 = tpu.memref_slice %arg3[%dma_wait3A_594, %dma_wait3A_595] : memref<32768x128xf32, #tpu.memory_space<hbm>> -> memref<32768x128xf32, #tpu.memory_space<hbm>>
    tpu.wait_indirect_dma semaphore(%arg26 : memref<!tpu.dma_semaphore, #tpu.memory_space<semaphore_mem>>) src(%dma_wait3A_596 : memref<32768x128xf32, #tpu.memory_space<hbm>>) dst(%dma_wait3A_590 : memref<128x128xf32, #tpu.memory_space<vmem>>)
    %dma_start3A_597 = arith.constant 4 : i32
    %dma_start3A_598 = arith.constant 0 : i32
    %dma_start3A_599 = arith.constant 0 : i32
    %dma_start3A_600 = arith.constant 0 : i32
    %dma_start3A_601 = arith.constant 0 : i32
    %dma_start3A_602 = tpu.memref_slice %arg20[%dma_start3A_597, %dma_start3A_600, %dma_start3A_601] : memref<7x128x128xf32, #tpu.memory_space<vmem>> -> memref<1x128x128xf32, #tpu.memory_space<vmem>>
    %dma_start3A_603 = tpu.memref_squeeze %dma_start3A_602 : memref<1x128x128xf32, #tpu.memory_space<vmem>> -> memref<128x128xf32, #tpu.memory_space<vmem>>
    %dma_start3A_604 = arith.constant 0 : i32
    %dma_start3A_605 = tpu.memref_slice %arg19[%dma_start3A_598, %dma_start3A_599, %dma_start3A_604] : memref<4x2x128xi32, #tpu.memory_space<vmem>> -> memref<1x1x128xi32, #tpu.memory_space<vmem>>
    %dma_start3A_606 = tpu.memref_squeeze %dma_start3A_605 : memref<1x1x128xi32, #tpu.memory_space<vmem>> -> memref<128xi32, #tpu.memory_space<vmem>>
    %dma_start3A_607 = arith.constant 0 : i32
    %dma_start3A_608 = arith.constant 0 : i32
    %dma_start3A_609 = tpu.memref_slice %arg15[%dma_start3A_607, %dma_start3A_608] : memref<16384x128xf32, #tpu.memory_space<hbm>> -> memref<16384x128xf32, #tpu.memory_space<hbm>>
    tpu.enqueue_indirect_dma source(%dma_start3A_603 : memref<128x128xf32, #tpu.memory_space<vmem>>) target(%dma_start3A_609 : memref<16384x128xf32, #tpu.memory_space<hbm>>) offsets(%dma_start3A_606 : memref<128xi32, #tpu.memory_space<vmem>>) semaphore(%arg33 : memref<!tpu.dma_semaphore, #tpu.memory_space<semaphore_mem>>)
    %dma_wait3A_610 = arith.constant 2 : i32
    %dma_wait3A_611 = arith.constant 1 : i32
    %dma_wait3A_612 = arith.constant 0 : i32
    %dma_wait3A_613 = arith.constant 0 : i32
    %dma_wait3A_614 = arith.constant 0 : i32
    %dma_wait3A_615 = tpu.memref_slice %arg20[%dma_wait3A_610, %dma_wait3A_613, %dma_wait3A_614] : memref<7x128x128xf32, #tpu.memory_space<vmem>> -> memref<1x128x128xf32, #tpu.memory_space<vmem>>
    %dma_wait3A_616 = tpu.memref_squeeze %dma_wait3A_615 : memref<1x128x128xf32, #tpu.memory_space<vmem>> -> memref<128x128xf32, #tpu.memory_space<vmem>>
    %dma_wait3A_617 = arith.constant 0 : i32
    %dma_wait3A_618 = tpu.memref_slice %arg19[%dma_wait3A_611, %dma_wait3A_612, %dma_wait3A_617] : memref<4x2x128xi32, #tpu.memory_space<vmem>> -> memref<1x1x128xi32, #tpu.memory_space<vmem>>
    %dma_wait3A_619 = tpu.memref_squeeze %dma_wait3A_618 : memref<1x1x128xi32, #tpu.memory_space<vmem>> -> memref<128xi32, #tpu.memory_space<vmem>>
    %dma_wait3A_620 = arith.constant 0 : i32
    %dma_wait3A_621 = arith.constant 0 : i32
    %dma_wait3A_622 = tpu.memref_slice %arg14[%dma_wait3A_620, %dma_wait3A_621] : memref<16384x128xf32, #tpu.memory_space<hbm>> -> memref<16384x128xf32, #tpu.memory_space<hbm>>
    tpu.wait_indirect_dma semaphore(%arg31 : memref<!tpu.dma_semaphore, #tpu.memory_space<semaphore_mem>>) src(%dma_wait3A_616 : memref<128x128xf32, #tpu.memory_space<vmem>>) dst(%dma_wait3A_622 : memref<16384x128xf32, #tpu.memory_space<hbm>>)
    %dma_start3A_623 = arith.constant 2 : i32
    %dma_start3A_624 = arith.constant 1 : i32
    %dma_start3A_625 = arith.constant 2 : i32
    %dma_start3A_626 = arith.constant 0 : i32
    %dma_start3A_627 = arith.constant 0 : i32
    %dma_start3A_628 = tpu.memref_slice %arg20[%dma_start3A_625, %dma_start3A_626, %dma_start3A_627] : memref<7x128x128xf32, #tpu.memory_space<vmem>> -> memref<1x128x128xf32, #tpu.memory_space<vmem>>
    %dma_start3A_629 = tpu.memref_squeeze %dma_start3A_628 : memref<1x128x128xf32, #tpu.memory_space<vmem>> -> memref<128x128xf32, #tpu.memory_space<vmem>>
    %dma_start3A_630 = arith.constant 0 : i32
    %dma_start3A_631 = tpu.memref_slice %arg18[%dma_start3A_623, %dma_start3A_624, %dma_start3A_630] : memref<4x2x128xi32, #tpu.memory_space<vmem>> -> memref<1x1x128xi32, #tpu.memory_space<vmem>>
    %dma_start3A_632 = tpu.memref_squeeze %dma_start3A_631 : memref<1x1x128xi32, #tpu.memory_space<vmem>> -> memref<128xi32, #tpu.memory_space<vmem>>
    %dma_start3A_633 = arith.constant 0 : i32
    %dma_start3A_634 = arith.constant 0 : i32
    %dma_start3A_635 = tpu.memref_slice %arg2[%dma_start3A_633, %dma_start3A_634] : memref<32768x128xf32, #tpu.memory_space<hbm>> -> memref<32768x128xf32, #tpu.memory_space<hbm>>
    tpu.enqueue_indirect_dma source(%dma_start3A_635 : memref<32768x128xf32, #tpu.memory_space<hbm>>) target(%dma_start3A_629 : memref<128x128xf32, #tpu.memory_space<vmem>>) offsets(%dma_start3A_632 : memref<128xi32, #tpu.memory_space<vmem>>) semaphore(%arg24 : memref<!tpu.dma_semaphore, #tpu.memory_space<semaphore_mem>>)
    %dma_wait3A_636 = arith.constant 0 : i32
    %dma_wait3A_637 = arith.constant 1 : i32
    %dma_wait3A_638 = arith.constant 5 : i32
    %dma_wait3A_639 = arith.constant 0 : i32
    %dma_wait3A_640 = arith.constant 0 : i32
    %dma_wait3A_641 = tpu.memref_slice %arg20[%dma_wait3A_638, %dma_wait3A_639, %dma_wait3A_640] : memref<7x128x128xf32, #tpu.memory_space<vmem>> -> memref<1x128x128xf32, #tpu.memory_space<vmem>>
    %dma_wait3A_642 = tpu.memref_squeeze %dma_wait3A_641 : memref<1x128x128xf32, #tpu.memory_space<vmem>> -> memref<128x128xf32, #tpu.memory_space<vmem>>
    %dma_wait3A_643 = arith.constant 0 : i32
    %dma_wait3A_644 = tpu.memref_slice %arg18[%dma_wait3A_636, %dma_wait3A_637, %dma_wait3A_643] : memref<4x2x128xi32, #tpu.memory_space<vmem>> -> memref<1x1x128xi32, #tpu.memory_space<vmem>>
    %dma_wait3A_645 = tpu.memref_squeeze %dma_wait3A_644 : memref<1x1x128xi32, #tpu.memory_space<vmem>> -> memref<128xi32, #tpu.memory_space<vmem>>
    %dma_wait3A_646 = arith.constant 0 : i32
    %dma_wait3A_647 = arith.constant 0 : i32
    %dma_wait3A_648 = tpu.memref_slice %arg3[%dma_wait3A_646, %dma_wait3A_647] : memref<32768x128xf32, #tpu.memory_space<hbm>> -> memref<32768x128xf32, #tpu.memory_space<hbm>>
    tpu.wait_indirect_dma semaphore(%arg27 : memref<!tpu.dma_semaphore, #tpu.memory_space<semaphore_mem>>) src(%dma_wait3A_648 : memref<32768x128xf32, #tpu.memory_space<hbm>>) dst(%dma_wait3A_642 : memref<128x128xf32, #tpu.memory_space<vmem>>)
    %dma_start3A_649 = arith.constant 5 : i32
    %dma_start3A_650 = arith.constant 0 : i32
    %dma_start3A_651 = arith.constant 1 : i32
    %dma_start3A_652 = arith.constant 0 : i32
    %dma_start3A_653 = arith.constant 0 : i32
    %dma_start3A_654 = tpu.memref_slice %arg20[%dma_start3A_649, %dma_start3A_652, %dma_start3A_653] : memref<7x128x128xf32, #tpu.memory_space<vmem>> -> memref<1x128x128xf32, #tpu.memory_space<vmem>>
    %dma_start3A_655 = tpu.memref_squeeze %dma_start3A_654 : memref<1x128x128xf32, #tpu.memory_space<vmem>> -> memref<128x128xf32, #tpu.memory_space<vmem>>
    %dma_start3A_656 = arith.constant 0 : i32
    %dma_start3A_657 = tpu.memref_slice %arg19[%dma_start3A_650, %dma_start3A_651, %dma_start3A_656] : memref<4x2x128xi32, #tpu.memory_space<vmem>> -> memref<1x1x128xi32, #tpu.memory_space<vmem>>
    %dma_start3A_658 = tpu.memref_squeeze %dma_start3A_657 : memref<1x1x128xi32, #tpu.memory_space<vmem>> -> memref<128xi32, #tpu.memory_space<vmem>>
    %dma_start3A_659 = arith.constant 0 : i32
    %dma_start3A_660 = arith.constant 0 : i32
    %dma_start3A_661 = tpu.memref_slice %arg15[%dma_start3A_659, %dma_start3A_660] : memref<16384x128xf32, #tpu.memory_space<hbm>> -> memref<16384x128xf32, #tpu.memory_space<hbm>>
    tpu.enqueue_indirect_dma source(%dma_start3A_655 : memref<128x128xf32, #tpu.memory_space<vmem>>) target(%dma_start3A_661 : memref<16384x128xf32, #tpu.memory_space<hbm>>) offsets(%dma_start3A_658 : memref<128xi32, #tpu.memory_space<vmem>>) semaphore(%arg34 : memref<!tpu.dma_semaphore, #tpu.memory_space<semaphore_mem>>)
    %dma_wait3A_662 = arith.constant 3 : i32
    %dma_wait3A_663 = arith.constant 1 : i32
    %dma_wait3A_664 = arith.constant 1 : i32
    %dma_wait3A_665 = arith.constant 0 : i32
    %dma_wait3A_666 = arith.constant 0 : i32
    %dma_wait3A_667 = tpu.memref_slice %arg20[%dma_wait3A_662, %dma_wait3A_665, %dma_wait3A_666] : memref<7x128x128xf32, #tpu.memory_space<vmem>> -> memref<1x128x128xf32, #tpu.memory_space<vmem>>
    %dma_wait3A_668 = tpu.memref_squeeze %dma_wait3A_667 : memref<1x128x128xf32, #tpu.memory_space<vmem>> -> memref<128x128xf32, #tpu.memory_space<vmem>>
    %dma_wait3A_669 = arith.constant 0 : i32
    %dma_wait3A_670 = tpu.memref_slice %arg19[%dma_wait3A_663, %dma_wait3A_664, %dma_wait3A_669] : memref<4x2x128xi32, #tpu.memory_space<vmem>> -> memref<1x1x128xi32, #tpu.memory_space<vmem>>
    %dma_wait3A_671 = tpu.memref_squeeze %dma_wait3A_670 : memref<1x1x128xi32, #tpu.memory_space<vmem>> -> memref<128xi32, #tpu.memory_space<vmem>>
    %dma_wait3A_672 = arith.constant 0 : i32
    %dma_wait3A_673 = arith.constant 0 : i32
    %dma_wait3A_674 = tpu.memref_slice %arg14[%dma_wait3A_672, %dma_wait3A_673] : memref<16384x128xf32, #tpu.memory_space<hbm>> -> memref<16384x128xf32, #tpu.memory_space<hbm>>
    tpu.wait_indirect_dma semaphore(%arg32 : memref<!tpu.dma_semaphore, #tpu.memory_space<semaphore_mem>>) src(%dma_wait3A_668 : memref<128x128xf32, #tpu.memory_space<vmem>>) dst(%dma_wait3A_674 : memref<16384x128xf32, #tpu.memory_space<hbm>>)
    %dma_start3A_675 = arith.constant 3 : i32
    %dma_start3A_676 = arith.constant 0 : i32
    %dma_start3A_677 = arith.constant 3 : i32
    %dma_start3A_678 = arith.constant 0 : i32
    %dma_start3A_679 = arith.constant 0 : i32
    %dma_start3A_680 = tpu.memref_slice %arg20[%dma_start3A_677, %dma_start3A_678, %dma_start3A_679] : memref<7x128x128xf32, #tpu.memory_space<vmem>> -> memref<1x128x128xf32, #tpu.memory_space<vmem>>
    %dma_start3A_681 = tpu.memref_squeeze %dma_start3A_680 : memref<1x128x128xf32, #tpu.memory_space<vmem>> -> memref<128x128xf32, #tpu.memory_space<vmem>>
    %dma_start3A_682 = arith.constant 0 : i32
    %dma_start3A_683 = tpu.memref_slice %arg18[%dma_start3A_675, %dma_start3A_676, %dma_start3A_682] : memref<4x2x128xi32, #tpu.memory_space<vmem>> -> memref<1x1x128xi32, #tpu.memory_space<vmem>>
    %dma_start3A_684 = tpu.memref_squeeze %dma_start3A_683 : memref<1x1x128xi32, #tpu.memory_space<vmem>> -> memref<128xi32, #tpu.memory_space<vmem>>
    %dma_start3A_685 = arith.constant 0 : i32
    %dma_start3A_686 = arith.constant 0 : i32
    %dma_start3A_687 = tpu.memref_slice %arg4[%dma_start3A_685, %dma_start3A_686] : memref<16384x128xf32, #tpu.memory_space<hbm>> -> memref<16384x128xf32, #tpu.memory_space<hbm>>
    tpu.enqueue_indirect_dma source(%dma_start3A_687 : memref<16384x128xf32, #tpu.memory_space<hbm>>) target(%dma_start3A_681 : memref<128x128xf32, #tpu.memory_space<vmem>>) offsets(%dma_start3A_684 : memref<128xi32, #tpu.memory_space<vmem>>) semaphore(%arg25 : memref<!tpu.dma_semaphore, #tpu.memory_space<semaphore_mem>>)
    %dma_wait3A_688 = arith.constant 1 : i32
    %dma_wait3A_689 = arith.constant 0 : i32
    %dma_wait3A_690 = arith.constant 6 : i32
    %dma_wait3A_691 = arith.constant 0 : i32
    %dma_wait3A_692 = arith.constant 0 : i32
    %dma_wait3A_693 = tpu.memref_slice %arg20[%dma_wait3A_690, %dma_wait3A_691, %dma_wait3A_692] : memref<7x128x128xf32, #tpu.memory_space<vmem>> -> memref<1x128x128xf32, #tpu.memory_space<vmem>>
    %dma_wait3A_694 = tpu.memref_squeeze %dma_wait3A_693 : memref<1x128x128xf32, #tpu.memory_space<vmem>> -> memref<128x128xf32, #tpu.memory_space<vmem>>
    %dma_wait3A_695 = arith.constant 0 : i32
    %dma_wait3A_696 = tpu.memref_slice %arg18[%dma_wait3A_688, %dma_wait3A_689, %dma_wait3A_695] : memref<4x2x128xi32, #tpu.memory_space<vmem>> -> memref<1x1x128xi32, #tpu.memory_space<vmem>>
    %dma_wait3A_697 = tpu.memref_squeeze %dma_wait3A_696 : memref<1x1x128xi32, #tpu.memory_space<vmem>> -> memref<128xi32, #tpu.memory_space<vmem>>
    %dma_wait3A_698 = arith.constant 0 : i32
    %dma_wait3A_699 = arith.constant 0 : i32
    %dma_wait3A_700 = tpu.memref_slice %arg5[%dma_wait3A_698, %dma_wait3A_699] : memref<16384x128xf32, #tpu.memory_space<hbm>> -> memref<16384x128xf32, #tpu.memory_space<hbm>>
    tpu.wait_indirect_dma semaphore(%arg28 : memref<!tpu.dma_semaphore, #tpu.memory_space<semaphore_mem>>) src(%dma_wait3A_700 : memref<16384x128xf32, #tpu.memory_space<hbm>>) dst(%dma_wait3A_694 : memref<128x128xf32, #tpu.memory_space<vmem>>)
    %dma_start3A_701 = arith.constant 6 : i32
    %dma_start3A_702 = arith.constant 1 : i32
    %dma_start3A_703 = arith.constant 0 : i32
    %dma_start3A_704 = arith.constant 0 : i32
    %dma_start3A_705 = arith.constant 0 : i32
    %dma_start3A_706 = tpu.memref_slice %arg20[%dma_start3A_701, %dma_start3A_704, %dma_start3A_705] : memref<7x128x128xf32, #tpu.memory_space<vmem>> -> memref<1x128x128xf32, #tpu.memory_space<vmem>>
    %dma_start3A_707 = tpu.memref_squeeze %dma_start3A_706 : memref<1x128x128xf32, #tpu.memory_space<vmem>> -> memref<128x128xf32, #tpu.memory_space<vmem>>
    %dma_start3A_708 = arith.constant 0 : i32
    %dma_start3A_709 = tpu.memref_slice %arg19[%dma_start3A_702, %dma_start3A_703, %dma_start3A_708] : memref<4x2x128xi32, #tpu.memory_space<vmem>> -> memref<1x1x128xi32, #tpu.memory_space<vmem>>
    %dma_start3A_710 = tpu.memref_squeeze %dma_start3A_709 : memref<1x1x128xi32, #tpu.memory_space<vmem>> -> memref<128xi32, #tpu.memory_space<vmem>>
    %dma_start3A_711 = arith.constant 0 : i32
    %dma_start3A_712 = arith.constant 0 : i32
    %dma_start3A_713 = tpu.memref_slice %arg15[%dma_start3A_711, %dma_start3A_712] : memref<16384x128xf32, #tpu.memory_space<hbm>> -> memref<16384x128xf32, #tpu.memory_space<hbm>>
    tpu.enqueue_indirect_dma source(%dma_start3A_707 : memref<128x128xf32, #tpu.memory_space<vmem>>) target(%dma_start3A_713 : memref<16384x128xf32, #tpu.memory_space<hbm>>) offsets(%dma_start3A_710 : memref<128xi32, #tpu.memory_space<vmem>>) semaphore(%arg35 : memref<!tpu.dma_semaphore, #tpu.memory_space<semaphore_mem>>)
    %dma_wait3A_714 = arith.constant 4 : i32
    %dma_wait3A_715 = arith.constant 0 : i32
    %dma_wait3A_716 = arith.constant 0 : i32
    %dma_wait3A_717 = arith.constant 0 : i32
    %dma_wait3A_718 = arith.constant 0 : i32
    %dma_wait3A_719 = tpu.memref_slice %arg20[%dma_wait3A_714, %dma_wait3A_717, %dma_wait3A_718] : memref<7x128x128xf32, #tpu.memory_space<vmem>> -> memref<1x128x128xf32, #tpu.memory_space<vmem>>
    %dma_wait3A_720 = tpu.memref_squeeze %dma_wait3A_719 : memref<1x128x128xf32, #tpu.memory_space<vmem>> -> memref<128x128xf32, #tpu.memory_space<vmem>>
    %dma_wait3A_721 = arith.constant 0 : i32
    %dma_wait3A_722 = tpu.memref_slice %arg19[%dma_wait3A_715, %dma_wait3A_716, %dma_wait3A_721] : memref<4x2x128xi32, #tpu.memory_space<vmem>> -> memref<1x1x128xi32, #tpu.memory_space<vmem>>
    %dma_wait3A_723 = tpu.memref_squeeze %dma_wait3A_722 : memref<1x1x128xi32, #tpu.memory_space<vmem>> -> memref<128xi32, #tpu.memory_space<vmem>>
    %dma_wait3A_724 = arith.constant 0 : i32
    %dma_wait3A_725 = arith.constant 0 : i32
    %dma_wait3A_726 = tpu.memref_slice %arg15[%dma_wait3A_724, %dma_wait3A_725] : memref<16384x128xf32, #tpu.memory_space<hbm>> -> memref<16384x128xf32, #tpu.memory_space<hbm>>
    tpu.wait_indirect_dma semaphore(%arg33 : memref<!tpu.dma_semaphore, #tpu.memory_space<semaphore_mem>>) src(%dma_wait3A_720 : memref<128x128xf32, #tpu.memory_space<vmem>>) dst(%dma_wait3A_726 : memref<16384x128xf32, #tpu.memory_space<hbm>>)
    %dma_start3A_727 = arith.constant 3 : i32
    %dma_start3A_728 = arith.constant 1 : i32
    %dma_start3A_729 = arith.constant 4 : i32
    %dma_start3A_730 = arith.constant 0 : i32
    %dma_start3A_731 = arith.constant 0 : i32
    %dma_start3A_732 = tpu.memref_slice %arg20[%dma_start3A_729, %dma_start3A_730, %dma_start3A_731] : memref<7x128x128xf32, #tpu.memory_space<vmem>> -> memref<1x128x128xf32, #tpu.memory_space<vmem>>
    %dma_start3A_733 = tpu.memref_squeeze %dma_start3A_732 : memref<1x128x128xf32, #tpu.memory_space<vmem>> -> memref<128x128xf32, #tpu.memory_space<vmem>>
    %dma_start3A_734 = arith.constant 0 : i32
    %dma_start3A_735 = tpu.memref_slice %arg18[%dma_start3A_727, %dma_start3A_728, %dma_start3A_734] : memref<4x2x128xi32, #tpu.memory_space<vmem>> -> memref<1x1x128xi32, #tpu.memory_space<vmem>>
    %dma_start3A_736 = tpu.memref_squeeze %dma_start3A_735 : memref<1x1x128xi32, #tpu.memory_space<vmem>> -> memref<128xi32, #tpu.memory_space<vmem>>
    %dma_start3A_737 = arith.constant 0 : i32
    %dma_start3A_738 = arith.constant 0 : i32
    %dma_start3A_739 = tpu.memref_slice %arg4[%dma_start3A_737, %dma_start3A_738] : memref<16384x128xf32, #tpu.memory_space<hbm>> -> memref<16384x128xf32, #tpu.memory_space<hbm>>
    tpu.enqueue_indirect_dma source(%dma_start3A_739 : memref<16384x128xf32, #tpu.memory_space<hbm>>) target(%dma_start3A_733 : memref<128x128xf32, #tpu.memory_space<vmem>>) offsets(%dma_start3A_736 : memref<128xi32, #tpu.memory_space<vmem>>) semaphore(%arg26 : memref<!tpu.dma_semaphore, #tpu.memory_space<semaphore_mem>>)
    %dma_wait3A_740 = arith.constant 1 : i32
    %dma_wait3A_741 = arith.constant 1 : i32
    %dma_wait3A_742 = arith.constant 0 : i32
    %dma_wait3A_743 = arith.constant 0 : i32
    %dma_wait3A_744 = arith.constant 0 : i32
    %dma_wait3A_745 = tpu.memref_slice %arg20[%dma_wait3A_742, %dma_wait3A_743, %dma_wait3A_744] : memref<7x128x128xf32, #tpu.memory_space<vmem>> -> memref<1x128x128xf32, #tpu.memory_space<vmem>>
    %dma_wait3A_746 = tpu.memref_squeeze %dma_wait3A_745 : memref<1x128x128xf32, #tpu.memory_space<vmem>> -> memref<128x128xf32, #tpu.memory_space<vmem>>
    %dma_wait3A_747 = arith.constant 0 : i32
    %dma_wait3A_748 = tpu.memref_slice %arg18[%dma_wait3A_740, %dma_wait3A_741, %dma_wait3A_747] : memref<4x2x128xi32, #tpu.memory_space<vmem>> -> memref<1x1x128xi32, #tpu.memory_space<vmem>>
    %dma_wait3A_749 = tpu.memref_squeeze %dma_wait3A_748 : memref<1x1x128xi32, #tpu.memory_space<vmem>> -> memref<128xi32, #tpu.memory_space<vmem>>
    %dma_wait3A_750 = arith.constant 0 : i32
    %dma_wait3A_751 = arith.constant 0 : i32
    %dma_wait3A_752 = tpu.memref_slice %arg5[%dma_wait3A_750, %dma_wait3A_751] : memref<16384x128xf32, #tpu.memory_space<hbm>> -> memref<16384x128xf32, #tpu.memory_space<hbm>>
    tpu.wait_indirect_dma semaphore(%arg22 : memref<!tpu.dma_semaphore, #tpu.memory_space<semaphore_mem>>) src(%dma_wait3A_752 : memref<16384x128xf32, #tpu.memory_space<hbm>>) dst(%dma_wait3A_746 : memref<128x128xf32, #tpu.memory_space<vmem>>)
    %dma_start3A_753 = arith.constant 0 : i32
    %dma_start3A_754 = arith.constant 1 : i32
    %dma_start3A_755 = arith.constant 1 : i32
    %dma_start3A_756 = arith.constant 0 : i32
    %dma_start3A_757 = arith.constant 0 : i32
    %dma_start3A_758 = tpu.memref_slice %arg20[%dma_start3A_753, %dma_start3A_756, %dma_start3A_757] : memref<7x128x128xf32, #tpu.memory_space<vmem>> -> memref<1x128x128xf32, #tpu.memory_space<vmem>>
    %dma_start3A_759 = tpu.memref_squeeze %dma_start3A_758 : memref<1x128x128xf32, #tpu.memory_space<vmem>> -> memref<128x128xf32, #tpu.memory_space<vmem>>
    %dma_start3A_760 = arith.constant 0 : i32
    %dma_start3A_761 = tpu.memref_slice %arg19[%dma_start3A_754, %dma_start3A_755, %dma_start3A_760] : memref<4x2x128xi32, #tpu.memory_space<vmem>> -> memref<1x1x128xi32, #tpu.memory_space<vmem>>
    %dma_start3A_762 = tpu.memref_squeeze %dma_start3A_761 : memref<1x1x128xi32, #tpu.memory_space<vmem>> -> memref<128xi32, #tpu.memory_space<vmem>>
    %dma_start3A_763 = arith.constant 0 : i32
    %dma_start3A_764 = arith.constant 0 : i32
    %dma_start3A_765 = tpu.memref_slice %arg15[%dma_start3A_763, %dma_start3A_764] : memref<16384x128xf32, #tpu.memory_space<hbm>> -> memref<16384x128xf32, #tpu.memory_space<hbm>>
    tpu.enqueue_indirect_dma source(%dma_start3A_759 : memref<128x128xf32, #tpu.memory_space<vmem>>) target(%dma_start3A_765 : memref<16384x128xf32, #tpu.memory_space<hbm>>) offsets(%dma_start3A_762 : memref<128xi32, #tpu.memory_space<vmem>>) semaphore(%arg29 : memref<!tpu.dma_semaphore, #tpu.memory_space<semaphore_mem>>)
    %dma_wait3A_766 = arith.constant 5 : i32
    %dma_wait3A_767 = arith.constant 0 : i32
    %dma_wait3A_768 = arith.constant 1 : i32
    %dma_wait3A_769 = arith.constant 0 : i32
    %dma_wait3A_770 = arith.constant 0 : i32
    %dma_wait3A_771 = tpu.memref_slice %arg20[%dma_wait3A_766, %dma_wait3A_769, %dma_wait3A_770] : memref<7x128x128xf32, #tpu.memory_space<vmem>> -> memref<1x128x128xf32, #tpu.memory_space<vmem>>
    %dma_wait3A_772 = tpu.memref_squeeze %dma_wait3A_771 : memref<1x128x128xf32, #tpu.memory_space<vmem>> -> memref<128x128xf32, #tpu.memory_space<vmem>>
    %dma_wait3A_773 = arith.constant 0 : i32
    %dma_wait3A_774 = tpu.memref_slice %arg19[%dma_wait3A_767, %dma_wait3A_768, %dma_wait3A_773] : memref<4x2x128xi32, #tpu.memory_space<vmem>> -> memref<1x1x128xi32, #tpu.memory_space<vmem>>
    %dma_wait3A_775 = tpu.memref_squeeze %dma_wait3A_774 : memref<1x1x128xi32, #tpu.memory_space<vmem>> -> memref<128xi32, #tpu.memory_space<vmem>>
    %dma_wait3A_776 = arith.constant 0 : i32
    %dma_wait3A_777 = arith.constant 0 : i32
    %dma_wait3A_778 = tpu.memref_slice %arg15[%dma_wait3A_776, %dma_wait3A_777] : memref<16384x128xf32, #tpu.memory_space<hbm>> -> memref<16384x128xf32, #tpu.memory_space<hbm>>
    tpu.wait_indirect_dma semaphore(%arg34 : memref<!tpu.dma_semaphore, #tpu.memory_space<semaphore_mem>>) src(%dma_wait3A_772 : memref<128x128xf32, #tpu.memory_space<vmem>>) dst(%dma_wait3A_778 : memref<16384x128xf32, #tpu.memory_space<hbm>>)
    %dma_start3A_779 = arith.constant 2 : i32
    %dma_start3A_780 = arith.constant 0 : i32
    %dma_start3A_781 = arith.constant 5 : i32
    %dma_start3A_782 = arith.constant 0 : i32
    %dma_start3A_783 = arith.constant 0 : i32
    %dma_start3A_784 = tpu.memref_slice %arg20[%dma_start3A_781, %dma_start3A_782, %dma_start3A_783] : memref<7x128x128xf32, #tpu.memory_space<vmem>> -> memref<1x128x128xf32, #tpu.memory_space<vmem>>
    %dma_start3A_785 = tpu.memref_squeeze %dma_start3A_784 : memref<1x128x128xf32, #tpu.memory_space<vmem>> -> memref<128x128xf32, #tpu.memory_space<vmem>>
    %dma_start3A_786 = arith.constant 0 : i32
    %dma_start3A_787 = tpu.memref_slice %arg18[%dma_start3A_779, %dma_start3A_780, %dma_start3A_786] : memref<4x2x128xi32, #tpu.memory_space<vmem>> -> memref<1x1x128xi32, #tpu.memory_space<vmem>>
    %dma_start3A_788 = tpu.memref_squeeze %dma_start3A_787 : memref<1x1x128xi32, #tpu.memory_space<vmem>> -> memref<128xi32, #tpu.memory_space<vmem>>
    %dma_start3A_789 = arith.constant 0 : i32
    %dma_start3A_790 = arith.constant 0 : i32
    %dma_start3A_791 = tpu.memref_slice %arg3[%dma_start3A_789, %dma_start3A_790] : memref<32768x128xf32, #tpu.memory_space<hbm>> -> memref<32768x128xf32, #tpu.memory_space<hbm>>
    tpu.enqueue_indirect_dma source(%dma_start3A_791 : memref<32768x128xf32, #tpu.memory_space<hbm>>) target(%dma_start3A_785 : memref<128x128xf32, #tpu.memory_space<vmem>>) offsets(%dma_start3A_788 : memref<128xi32, #tpu.memory_space<vmem>>) semaphore(%arg27 : memref<!tpu.dma_semaphore, #tpu.memory_space<semaphore_mem>>)
    %dma_wait3A_792 = arith.constant 2 : i32
    %dma_wait3A_793 = arith.constant 0 : i32
    %dma_wait3A_794 = arith.constant 1 : i32
    %dma_wait3A_795 = arith.constant 0 : i32
    %dma_wait3A_796 = arith.constant 0 : i32
    %dma_wait3A_797 = tpu.memref_slice %arg20[%dma_wait3A_794, %dma_wait3A_795, %dma_wait3A_796] : memref<7x128x128xf32, #tpu.memory_space<vmem>> -> memref<1x128x128xf32, #tpu.memory_space<vmem>>
    %dma_wait3A_798 = tpu.memref_squeeze %dma_wait3A_797 : memref<1x128x128xf32, #tpu.memory_space<vmem>> -> memref<128x128xf32, #tpu.memory_space<vmem>>
    %dma_wait3A_799 = arith.constant 0 : i32
    %dma_wait3A_800 = tpu.memref_slice %arg18[%dma_wait3A_792, %dma_wait3A_793, %dma_wait3A_799] : memref<4x2x128xi32, #tpu.memory_space<vmem>> -> memref<1x1x128xi32, #tpu.memory_space<vmem>>
    %dma_wait3A_801 = tpu.memref_squeeze %dma_wait3A_800 : memref<1x1x128xi32, #tpu.memory_space<vmem>> -> memref<128xi32, #tpu.memory_space<vmem>>
    %dma_wait3A_802 = arith.constant 0 : i32
    %dma_wait3A_803 = arith.constant 0 : i32
    %dma_wait3A_804 = tpu.memref_slice %arg2[%dma_wait3A_802, %dma_wait3A_803] : memref<32768x128xf32, #tpu.memory_space<hbm>> -> memref<32768x128xf32, #tpu.memory_space<hbm>>
    tpu.wait_indirect_dma semaphore(%arg23 : memref<!tpu.dma_semaphore, #tpu.memory_space<semaphore_mem>>) src(%dma_wait3A_804 : memref<32768x128xf32, #tpu.memory_space<hbm>>) dst(%dma_wait3A_798 : memref<128x128xf32, #tpu.memory_space<vmem>>)
    %dma_start3A_805 = arith.constant 1 : i32
    %dma_start3A_806 = arith.constant 2 : i32
    %dma_start3A_807 = arith.constant 0 : i32
    %dma_start3A_808 = arith.constant 0 : i32
    %dma_start3A_809 = arith.constant 0 : i32
    %dma_start3A_810 = tpu.memref_slice %arg20[%dma_start3A_805, %dma_start3A_808, %dma_start3A_809] : memref<7x128x128xf32, #tpu.memory_space<vmem>> -> memref<1x128x128xf32, #tpu.memory_space<vmem>>
    %dma_start3A_811 = tpu.memref_squeeze %dma_start3A_810 : memref<1x128x128xf32, #tpu.memory_space<vmem>> -> memref<128x128xf32, #tpu.memory_space<vmem>>
    %dma_start3A_812 = arith.constant 0 : i32
    %dma_start3A_813 = tpu.memref_slice %arg19[%dma_start3A_806, %dma_start3A_807, %dma_start3A_812] : memref<4x2x128xi32, #tpu.memory_space<vmem>> -> memref<1x1x128xi32, #tpu.memory_space<vmem>>
    %dma_start3A_814 = tpu.memref_squeeze %dma_start3A_813 : memref<1x1x128xi32, #tpu.memory_space<vmem>> -> memref<128xi32, #tpu.memory_space<vmem>>
    %dma_start3A_815 = arith.constant 0 : i32
    %dma_start3A_816 = arith.constant 0 : i32
    %dma_start3A_817 = tpu.memref_slice %arg16[%dma_start3A_815, %dma_start3A_816] : memref<16384x128xf32, #tpu.memory_space<hbm>> -> memref<16384x128xf32, #tpu.memory_space<hbm>>
    tpu.enqueue_indirect_dma source(%dma_start3A_811 : memref<128x128xf32, #tpu.memory_space<vmem>>) target(%dma_start3A_817 : memref<16384x128xf32, #tpu.memory_space<hbm>>) offsets(%dma_start3A_814 : memref<128xi32, #tpu.memory_space<vmem>>) semaphore(%arg30 : memref<!tpu.dma_semaphore, #tpu.memory_space<semaphore_mem>>)
    %dma_wait3A_818 = arith.constant 6 : i32
    %dma_wait3A_819 = arith.constant 1 : i32
    %dma_wait3A_820 = arith.constant 0 : i32
    %dma_wait3A_821 = arith.constant 0 : i32
    %dma_wait3A_822 = arith.constant 0 : i32
    %dma_wait3A_823 = tpu.memref_slice %arg20[%dma_wait3A_818, %dma_wait3A_821, %dma_wait3A_822] : memref<7x128x128xf32, #tpu.memory_space<vmem>> -> memref<1x128x128xf32, #tpu.memory_space<vmem>>
    %dma_wait3A_824 = tpu.memref_squeeze %dma_wait3A_823 : memref<1x128x128xf32, #tpu.memory_space<vmem>> -> memref<128x128xf32, #tpu.memory_space<vmem>>
    %dma_wait3A_825 = arith.constant 0 : i32
    %dma_wait3A_826 = tpu.memref_slice %arg19[%dma_wait3A_819, %dma_wait3A_820, %dma_wait3A_825] : memref<4x2x128xi32, #tpu.memory_space<vmem>> -> memref<1x1x128xi32, #tpu.memory_space<vmem>>
    %dma_wait3A_827 = tpu.memref_squeeze %dma_wait3A_826 : memref<1x1x128xi32, #tpu.memory_space<vmem>> -> memref<128xi32, #tpu.memory_space<vmem>>
    %dma_wait3A_828 = arith.constant 0 : i32
    %dma_wait3A_829 = arith.constant 0 : i32
    %dma_wait3A_830 = tpu.memref_slice %arg15[%dma_wait3A_828, %dma_wait3A_829] : memref<16384x128xf32, #tpu.memory_space<hbm>> -> memref<16384x128xf32, #tpu.memory_space<hbm>>
    tpu.wait_indirect_dma semaphore(%arg35 : memref<!tpu.dma_semaphore, #tpu.memory_space<semaphore_mem>>) src(%dma_wait3A_824 : memref<128x128xf32, #tpu.memory_space<vmem>>) dst(%dma_wait3A_830 : memref<16384x128xf32, #tpu.memory_space<hbm>>)
    %dma_start3A_831 = arith.constant 2 : i32
    %dma_start3A_832 = arith.constant 1 : i32
    %dma_start3A_833 = arith.constant 6 : i32
    %dma_start3A_834 = arith.constant 0 : i32
    %dma_start3A_835 = arith.constant 0 : i32
    %dma_start3A_836 = tpu.memref_slice %arg20[%dma_start3A_833, %dma_start3A_834, %dma_start3A_835] : memref<7x128x128xf32, #tpu.memory_space<vmem>> -> memref<1x128x128xf32, #tpu.memory_space<vmem>>
    %dma_start3A_837 = tpu.memref_squeeze %dma_start3A_836 : memref<1x128x128xf32, #tpu.memory_space<vmem>> -> memref<128x128xf32, #tpu.memory_space<vmem>>
    %dma_start3A_838 = arith.constant 0 : i32
    %dma_start3A_839 = tpu.memref_slice %arg18[%dma_start3A_831, %dma_start3A_832, %dma_start3A_838] : memref<4x2x128xi32, #tpu.memory_space<vmem>> -> memref<1x1x128xi32, #tpu.memory_space<vmem>>
    %dma_start3A_840 = tpu.memref_squeeze %dma_start3A_839 : memref<1x1x128xi32, #tpu.memory_space<vmem>> -> memref<128xi32, #tpu.memory_space<vmem>>
    %dma_start3A_841 = arith.constant 0 : i32
    %dma_start3A_842 = arith.constant 0 : i32
    %dma_start3A_843 = tpu.memref_slice %arg3[%dma_start3A_841, %dma_start3A_842] : memref<32768x128xf32, #tpu.memory_space<hbm>> -> memref<32768x128xf32, #tpu.memory_space<hbm>>
    tpu.enqueue_indirect_dma source(%dma_start3A_843 : memref<32768x128xf32, #tpu.memory_space<hbm>>) target(%dma_start3A_837 : memref<128x128xf32, #tpu.memory_space<vmem>>) offsets(%dma_start3A_840 : memref<128xi32, #tpu.memory_space<vmem>>) semaphore(%arg28 : memref<!tpu.dma_semaphore, #tpu.memory_space<semaphore_mem>>)
    %dma_wait3A_844 = arith.constant 2 : i32
    %dma_wait3A_845 = arith.constant 1 : i32
    %dma_wait3A_846 = arith.constant 2 : i32
    %dma_wait3A_847 = arith.constant 0 : i32
    %dma_wait3A_848 = arith.constant 0 : i32
    %dma_wait3A_849 = tpu.memref_slice %arg20[%dma_wait3A_846, %dma_wait3A_847, %dma_wait3A_848] : memref<7x128x128xf32, #tpu.memory_space<vmem>> -> memref<1x128x128xf32, #tpu.memory_space<vmem>>
    %dma_wait3A_850 = tpu.memref_squeeze %dma_wait3A_849 : memref<1x128x128xf32, #tpu.memory_space<vmem>> -> memref<128x128xf32, #tpu.memory_space<vmem>>
    %dma_wait3A_851 = arith.constant 0 : i32
    %dma_wait3A_852 = tpu.memref_slice %arg18[%dma_wait3A_844, %dma_wait3A_845, %dma_wait3A_851] : memref<4x2x128xi32, #tpu.memory_space<vmem>> -> memref<1x1x128xi32, #tpu.memory_space<vmem>>
    %dma_wait3A_853 = tpu.memref_squeeze %dma_wait3A_852 : memref<1x1x128xi32, #tpu.memory_space<vmem>> -> memref<128xi32, #tpu.memory_space<vmem>>
    %dma_wait3A_854 = arith.constant 0 : i32
    %dma_wait3A_855 = arith.constant 0 : i32
    %dma_wait3A_856 = tpu.memref_slice %arg2[%dma_wait3A_854, %dma_wait3A_855] : memref<32768x128xf32, #tpu.memory_space<hbm>> -> memref<32768x128xf32, #tpu.memory_space<hbm>>
    tpu.wait_indirect_dma semaphore(%arg24 : memref<!tpu.dma_semaphore, #tpu.memory_space<semaphore_mem>>) src(%dma_wait3A_856 : memref<32768x128xf32, #tpu.memory_space<hbm>>) dst(%dma_wait3A_850 : memref<128x128xf32, #tpu.memory_space<vmem>>)
    %dma_start3A_857 = arith.constant 2 : i32
    %dma_start3A_858 = arith.constant 2 : i32
    %dma_start3A_859 = arith.constant 1 : i32
    %dma_start3A_860 = arith.constant 0 : i32
    %dma_start3A_861 = arith.constant 0 : i32
    %dma_start3A_862 = tpu.memref_slice %arg20[%dma_start3A_857, %dma_start3A_860, %dma_start3A_861] : memref<7x128x128xf32, #tpu.memory_space<vmem>> -> memref<1x128x128xf32, #tpu.memory_space<vmem>>
    %dma_start3A_863 = tpu.memref_squeeze %dma_start3A_862 : memref<1x128x128xf32, #tpu.memory_space<vmem>> -> memref<128x128xf32, #tpu.memory_space<vmem>>
    %dma_start3A_864 = arith.constant 0 : i32
    %dma_start3A_865 = tpu.memref_slice %arg19[%dma_start3A_858, %dma_start3A_859, %dma_start3A_864] : memref<4x2x128xi32, #tpu.memory_space<vmem>> -> memref<1x1x128xi32, #tpu.memory_space<vmem>>
    %dma_start3A_866 = tpu.memref_squeeze %dma_start3A_865 : memref<1x1x128xi32, #tpu.memory_space<vmem>> -> memref<128xi32, #tpu.memory_space<vmem>>
    %dma_start3A_867 = arith.constant 0 : i32
    %dma_start3A_868 = arith.constant 0 : i32
    %dma_start3A_869 = tpu.memref_slice %arg16[%dma_start3A_867, %dma_start3A_868] : memref<16384x128xf32, #tpu.memory_space<hbm>> -> memref<16384x128xf32, #tpu.memory_space<hbm>>
    tpu.enqueue_indirect_dma source(%dma_start3A_863 : memref<128x128xf32, #tpu.memory_space<vmem>>) target(%dma_start3A_869 : memref<16384x128xf32, #tpu.memory_space<hbm>>) offsets(%dma_start3A_866 : memref<128xi32, #tpu.memory_space<vmem>>) semaphore(%arg31 : memref<!tpu.dma_semaphore, #tpu.memory_space<semaphore_mem>>)
    %dma_wait3A_870 = arith.constant 0 : i32
    %dma_wait3A_871 = arith.constant 1 : i32
    %dma_wait3A_872 = arith.constant 1 : i32
    %dma_wait3A_873 = arith.constant 0 : i32
    %dma_wait3A_874 = arith.constant 0 : i32
    %dma_wait3A_875 = tpu.memref_slice %arg20[%dma_wait3A_870, %dma_wait3A_873, %dma_wait3A_874] : memref<7x128x128xf32, #tpu.memory_space<vmem>> -> memref<1x128x128xf32, #tpu.memory_space<vmem>>
    %dma_wait3A_876 = tpu.memref_squeeze %dma_wait3A_875 : memref<1x128x128xf32, #tpu.memory_space<vmem>> -> memref<128x128xf32, #tpu.memory_space<vmem>>
    %dma_wait3A_877 = arith.constant 0 : i32
    %dma_wait3A_878 = tpu.memref_slice %arg19[%dma_wait3A_871, %dma_wait3A_872, %dma_wait3A_877] : memref<4x2x128xi32, #tpu.memory_space<vmem>> -> memref<1x1x128xi32, #tpu.memory_space<vmem>>
    %dma_wait3A_879 = tpu.memref_squeeze %dma_wait3A_878 : memref<1x1x128xi32, #tpu.memory_space<vmem>> -> memref<128xi32, #tpu.memory_space<vmem>>
    %dma_wait3A_880 = arith.constant 0 : i32
    %dma_wait3A_881 = arith.constant 0 : i32
    %dma_wait3A_882 = tpu.memref_slice %arg15[%dma_wait3A_880, %dma_wait3A_881] : memref<16384x128xf32, #tpu.memory_space<hbm>> -> memref<16384x128xf32, #tpu.memory_space<hbm>>
    tpu.wait_indirect_dma semaphore(%arg29 : memref<!tpu.dma_semaphore, #tpu.memory_space<semaphore_mem>>) src(%dma_wait3A_876 : memref<128x128xf32, #tpu.memory_space<vmem>>) dst(%dma_wait3A_882 : memref<16384x128xf32, #tpu.memory_space<hbm>>)
    %dma_start3A_883 = arith.constant 3 : i32
    %dma_start3A_884 = arith.constant 0 : i32
    %dma_start3A_885 = arith.constant 0 : i32
    %dma_start3A_886 = arith.constant 0 : i32
    %dma_start3A_887 = arith.constant 0 : i32
    %dma_start3A_888 = tpu.memref_slice %arg20[%dma_start3A_885, %dma_start3A_886, %dma_start3A_887] : memref<7x128x128xf32, #tpu.memory_space<vmem>> -> memref<1x128x128xf32, #tpu.memory_space<vmem>>
    %dma_start3A_889 = tpu.memref_squeeze %dma_start3A_888 : memref<1x128x128xf32, #tpu.memory_space<vmem>> -> memref<128x128xf32, #tpu.memory_space<vmem>>
    %dma_start3A_890 = arith.constant 0 : i32
    %dma_start3A_891 = tpu.memref_slice %arg18[%dma_start3A_883, %dma_start3A_884, %dma_start3A_890] : memref<4x2x128xi32, #tpu.memory_space<vmem>> -> memref<1x1x128xi32, #tpu.memory_space<vmem>>
    %dma_start3A_892 = tpu.memref_squeeze %dma_start3A_891 : memref<1x1x128xi32, #tpu.memory_space<vmem>> -> memref<128xi32, #tpu.memory_space<vmem>>
    %dma_start3A_893 = arith.constant 0 : i32
    %dma_start3A_894 = arith.constant 0 : i32
    %dma_start3A_895 = tpu.memref_slice %arg5[%dma_start3A_893, %dma_start3A_894] : memref<16384x128xf32, #tpu.memory_space<hbm>> -> memref<16384x128xf32, #tpu.memory_space<hbm>>
    tpu.enqueue_indirect_dma source(%dma_start3A_895 : memref<16384x128xf32, #tpu.memory_space<hbm>>) target(%dma_start3A_889 : memref<128x128xf32, #tpu.memory_space<vmem>>) offsets(%dma_start3A_892 : memref<128xi32, #tpu.memory_space<vmem>>) semaphore(%arg22 : memref<!tpu.dma_semaphore, #tpu.memory_space<semaphore_mem>>)
    %dma_wait3A_896 = arith.constant 3 : i32
    %dma_wait3A_897 = arith.constant 0 : i32
    %dma_wait3A_898 = arith.constant 3 : i32
    %dma_wait3A_899 = arith.constant 0 : i32
    %dma_wait3A_900 = arith.constant 0 : i32
    %dma_wait3A_901 = tpu.memref_slice %arg20[%dma_wait3A_898, %dma_wait3A_899, %dma_wait3A_900] : memref<7x128x128xf32, #tpu.memory_space<vmem>> -> memref<1x128x128xf32, #tpu.memory_space<vmem>>
    %dma_wait3A_902 = tpu.memref_squeeze %dma_wait3A_901 : memref<1x128x128xf32, #tpu.memory_space<vmem>> -> memref<128x128xf32, #tpu.memory_space<vmem>>
    %dma_wait3A_903 = arith.constant 0 : i32
    %dma_wait3A_904 = tpu.memref_slice %arg18[%dma_wait3A_896, %dma_wait3A_897, %dma_wait3A_903] : memref<4x2x128xi32, #tpu.memory_space<vmem>> -> memref<1x1x128xi32, #tpu.memory_space<vmem>>
    %dma_wait3A_905 = tpu.memref_squeeze %dma_wait3A_904 : memref<1x1x128xi32, #tpu.memory_space<vmem>> -> memref<128xi32, #tpu.memory_space<vmem>>
    %dma_wait3A_906 = arith.constant 0 : i32
    %dma_wait3A_907 = arith.constant 0 : i32
    %dma_wait3A_908 = tpu.memref_slice %arg4[%dma_wait3A_906, %dma_wait3A_907] : memref<16384x128xf32, #tpu.memory_space<hbm>> -> memref<16384x128xf32, #tpu.memory_space<hbm>>
    tpu.wait_indirect_dma semaphore(%arg25 : memref<!tpu.dma_semaphore, #tpu.memory_space<semaphore_mem>>) src(%dma_wait3A_908 : memref<16384x128xf32, #tpu.memory_space<hbm>>) dst(%dma_wait3A_902 : memref<128x128xf32, #tpu.memory_space<vmem>>)
    %dma_start3A_909 = arith.constant 3 : i32
    %dma_start3A_910 = arith.constant 3 : i32
    %dma_start3A_911 = arith.constant 0 : i32
    %dma_start3A_912 = arith.constant 0 : i32
    %dma_start3A_913 = arith.constant 0 : i32
    %dma_start3A_914 = tpu.memref_slice %arg20[%dma_start3A_909, %dma_start3A_912, %dma_start3A_913] : memref<7x128x128xf32, #tpu.memory_space<vmem>> -> memref<1x128x128xf32, #tpu.memory_space<vmem>>
    %dma_start3A_915 = tpu.memref_squeeze %dma_start3A_914 : memref<1x128x128xf32, #tpu.memory_space<vmem>> -> memref<128x128xf32, #tpu.memory_space<vmem>>
    %dma_start3A_916 = arith.constant 0 : i32
    %dma_start3A_917 = tpu.memref_slice %arg19[%dma_start3A_910, %dma_start3A_911, %dma_start3A_916] : memref<4x2x128xi32, #tpu.memory_space<vmem>> -> memref<1x1x128xi32, #tpu.memory_space<vmem>>
    %dma_start3A_918 = tpu.memref_squeeze %dma_start3A_917 : memref<1x1x128xi32, #tpu.memory_space<vmem>> -> memref<128xi32, #tpu.memory_space<vmem>>
    %dma_start3A_919 = arith.constant 0 : i32
    %dma_start3A_920 = arith.constant 0 : i32
    %dma_start3A_921 = tpu.memref_slice %arg16[%dma_start3A_919, %dma_start3A_920] : memref<16384x128xf32, #tpu.memory_space<hbm>> -> memref<16384x128xf32, #tpu.memory_space<hbm>>
    tpu.enqueue_indirect_dma source(%dma_start3A_915 : memref<128x128xf32, #tpu.memory_space<vmem>>) target(%dma_start3A_921 : memref<16384x128xf32, #tpu.memory_space<hbm>>) offsets(%dma_start3A_918 : memref<128xi32, #tpu.memory_space<vmem>>) semaphore(%arg32 : memref<!tpu.dma_semaphore, #tpu.memory_space<semaphore_mem>>)
    %dma_wait3A_922 = arith.constant 1 : i32
    %dma_wait3A_923 = arith.constant 2 : i32
    %dma_wait3A_924 = arith.constant 0 : i32
    %dma_wait3A_925 = arith.constant 0 : i32
    %dma_wait3A_926 = arith.constant 0 : i32
    %dma_wait3A_927 = tpu.memref_slice %arg20[%dma_wait3A_922, %dma_wait3A_925, %dma_wait3A_926] : memref<7x128x128xf32, #tpu.memory_space<vmem>> -> memref<1x128x128xf32, #tpu.memory_space<vmem>>
    %dma_wait3A_928 = tpu.memref_squeeze %dma_wait3A_927 : memref<1x128x128xf32, #tpu.memory_space<vmem>> -> memref<128x128xf32, #tpu.memory_space<vmem>>
    %dma_wait3A_929 = arith.constant 0 : i32
    %dma_wait3A_930 = tpu.memref_slice %arg19[%dma_wait3A_923, %dma_wait3A_924, %dma_wait3A_929] : memref<4x2x128xi32, #tpu.memory_space<vmem>> -> memref<1x1x128xi32, #tpu.memory_space<vmem>>
    %dma_wait3A_931 = tpu.memref_squeeze %dma_wait3A_930 : memref<1x1x128xi32, #tpu.memory_space<vmem>> -> memref<128xi32, #tpu.memory_space<vmem>>
    %dma_wait3A_932 = arith.constant 0 : i32
    %dma_wait3A_933 = arith.constant 0 : i32
    %dma_wait3A_934 = tpu.memref_slice %arg16[%dma_wait3A_932, %dma_wait3A_933] : memref<16384x128xf32, #tpu.memory_space<hbm>> -> memref<16384x128xf32, #tpu.memory_space<hbm>>
    tpu.wait_indirect_dma semaphore(%arg30 : memref<!tpu.dma_semaphore, #tpu.memory_space<semaphore_mem>>) src(%dma_wait3A_928 : memref<128x128xf32, #tpu.memory_space<vmem>>) dst(%dma_wait3A_934 : memref<16384x128xf32, #tpu.memory_space<hbm>>)
    %dma_start3A_935 = arith.constant 3 : i32
    %dma_start3A_936 = arith.constant 1 : i32
    %dma_start3A_937 = arith.constant 1 : i32
    %dma_start3A_938 = arith.constant 0 : i32
    %dma_start3A_939 = arith.constant 0 : i32
    %dma_start3A_940 = tpu.memref_slice %arg20[%dma_start3A_937, %dma_start3A_938, %dma_start3A_939] : memref<7x128x128xf32, #tpu.memory_space<vmem>> -> memref<1x128x128xf32, #tpu.memory_space<vmem>>
    %dma_start3A_941 = tpu.memref_squeeze %dma_start3A_940 : memref<1x128x128xf32, #tpu.memory_space<vmem>> -> memref<128x128xf32, #tpu.memory_space<vmem>>
    %dma_start3A_942 = arith.constant 0 : i32
    %dma_start3A_943 = tpu.memref_slice %arg18[%dma_start3A_935, %dma_start3A_936, %dma_start3A_942] : memref<4x2x128xi32, #tpu.memory_space<vmem>> -> memref<1x1x128xi32, #tpu.memory_space<vmem>>
    %dma_start3A_944 = tpu.memref_squeeze %dma_start3A_943 : memref<1x1x128xi32, #tpu.memory_space<vmem>> -> memref<128xi32, #tpu.memory_space<vmem>>
    %dma_start3A_945 = arith.constant 0 : i32
    %dma_start3A_946 = arith.constant 0 : i32
    %dma_start3A_947 = tpu.memref_slice %arg5[%dma_start3A_945, %dma_start3A_946] : memref<16384x128xf32, #tpu.memory_space<hbm>> -> memref<16384x128xf32, #tpu.memory_space<hbm>>
    tpu.enqueue_indirect_dma source(%dma_start3A_947 : memref<16384x128xf32, #tpu.memory_space<hbm>>) target(%dma_start3A_941 : memref<128x128xf32, #tpu.memory_space<vmem>>) offsets(%dma_start3A_944 : memref<128xi32, #tpu.memory_space<vmem>>) semaphore(%arg23 : memref<!tpu.dma_semaphore, #tpu.memory_space<semaphore_mem>>)
    %dma_wait3A_948 = arith.constant 3 : i32
    %dma_wait3A_949 = arith.constant 1 : i32
    %dma_wait3A_950 = arith.constant 4 : i32
    %dma_wait3A_951 = arith.constant 0 : i32
    %dma_wait3A_952 = arith.constant 0 : i32
    %dma_wait3A_953 = tpu.memref_slice %arg20[%dma_wait3A_950, %dma_wait3A_951, %dma_wait3A_952] : memref<7x128x128xf32, #tpu.memory_space<vmem>> -> memref<1x128x128xf32, #tpu.memory_space<vmem>>
    %dma_wait3A_954 = tpu.memref_squeeze %dma_wait3A_953 : memref<1x128x128xf32, #tpu.memory_space<vmem>> -> memref<128x128xf32, #tpu.memory_space<vmem>>
    %dma_wait3A_955 = arith.constant 0 : i32
    %dma_wait3A_956 = tpu.memref_slice %arg18[%dma_wait3A_948, %dma_wait3A_949, %dma_wait3A_955] : memref<4x2x128xi32, #tpu.memory_space<vmem>> -> memref<1x1x128xi32, #tpu.memory_space<vmem>>
    %dma_wait3A_957 = tpu.memref_squeeze %dma_wait3A_956 : memref<1x1x128xi32, #tpu.memory_space<vmem>> -> memref<128xi32, #tpu.memory_space<vmem>>
    %dma_wait3A_958 = arith.constant 0 : i32
    %dma_wait3A_959 = arith.constant 0 : i32
    %dma_wait3A_960 = tpu.memref_slice %arg4[%dma_wait3A_958, %dma_wait3A_959] : memref<16384x128xf32, #tpu.memory_space<hbm>> -> memref<16384x128xf32, #tpu.memory_space<hbm>>
    tpu.wait_indirect_dma semaphore(%arg26 : memref<!tpu.dma_semaphore, #tpu.memory_space<semaphore_mem>>) src(%dma_wait3A_960 : memref<16384x128xf32, #tpu.memory_space<hbm>>) dst(%dma_wait3A_954 : memref<128x128xf32, #tpu.memory_space<vmem>>)
    %dma_start3A_961 = arith.constant 4 : i32
    %dma_start3A_962 = arith.constant 3 : i32
    %dma_start3A_963 = arith.constant 1 : i32
    %dma_start3A_964 = arith.constant 0 : i32
    %dma_start3A_965 = arith.constant 0 : i32
    %dma_start3A_966 = tpu.memref_slice %arg20[%dma_start3A_961, %dma_start3A_964, %dma_start3A_965] : memref<7x128x128xf32, #tpu.memory_space<vmem>> -> memref<1x128x128xf32, #tpu.memory_space<vmem>>
    %dma_start3A_967 = tpu.memref_squeeze %dma_start3A_966 : memref<1x128x128xf32, #tpu.memory_space<vmem>> -> memref<128x128xf32, #tpu.memory_space<vmem>>
    %dma_start3A_968 = arith.constant 0 : i32
    %dma_start3A_969 = tpu.memref_slice %arg19[%dma_start3A_962, %dma_start3A_963, %dma_start3A_968] : memref<4x2x128xi32, #tpu.memory_space<vmem>> -> memref<1x1x128xi32, #tpu.memory_space<vmem>>
    %dma_start3A_970 = tpu.memref_squeeze %dma_start3A_969 : memref<1x1x128xi32, #tpu.memory_space<vmem>> -> memref<128xi32, #tpu.memory_space<vmem>>
    %dma_start3A_971 = arith.constant 0 : i32
    %dma_start3A_972 = arith.constant 0 : i32
    %dma_start3A_973 = tpu.memref_slice %arg16[%dma_start3A_971, %dma_start3A_972] : memref<16384x128xf32, #tpu.memory_space<hbm>> -> memref<16384x128xf32, #tpu.memory_space<hbm>>
    tpu.enqueue_indirect_dma source(%dma_start3A_967 : memref<128x128xf32, #tpu.memory_space<vmem>>) target(%dma_start3A_973 : memref<16384x128xf32, #tpu.memory_space<hbm>>) offsets(%dma_start3A_970 : memref<128xi32, #tpu.memory_space<vmem>>) semaphore(%arg33 : memref<!tpu.dma_semaphore, #tpu.memory_space<semaphore_mem>>)
    %dma_wait3A_974 = arith.constant 2 : i32
    %dma_wait3A_975 = arith.constant 0 : i32
    %dma_wait3A_976 = arith.constant 5 : i32
    %dma_wait3A_977 = arith.constant 0 : i32
    %dma_wait3A_978 = arith.constant 0 : i32
    %dma_wait3A_979 = tpu.memref_slice %arg20[%dma_wait3A_976, %dma_wait3A_977, %dma_wait3A_978] : memref<7x128x128xf32, #tpu.memory_space<vmem>> -> memref<1x128x128xf32, #tpu.memory_space<vmem>>
    %dma_wait3A_980 = tpu.memref_squeeze %dma_wait3A_979 : memref<1x128x128xf32, #tpu.memory_space<vmem>> -> memref<128x128xf32, #tpu.memory_space<vmem>>
    %dma_wait3A_981 = arith.constant 0 : i32
    %dma_wait3A_982 = tpu.memref_slice %arg18[%dma_wait3A_974, %dma_wait3A_975, %dma_wait3A_981] : memref<4x2x128xi32, #tpu.memory_space<vmem>> -> memref<1x1x128xi32, #tpu.memory_space<vmem>>
    %dma_wait3A_983 = tpu.memref_squeeze %dma_wait3A_982 : memref<1x1x128xi32, #tpu.memory_space<vmem>> -> memref<128xi32, #tpu.memory_space<vmem>>
    %dma_wait3A_984 = arith.constant 0 : i32
    %dma_wait3A_985 = arith.constant 0 : i32
    %dma_wait3A_986 = tpu.memref_slice %arg3[%dma_wait3A_984, %dma_wait3A_985] : memref<32768x128xf32, #tpu.memory_space<hbm>> -> memref<32768x128xf32, #tpu.memory_space<hbm>>
    tpu.wait_indirect_dma semaphore(%arg27 : memref<!tpu.dma_semaphore, #tpu.memory_space<semaphore_mem>>) src(%dma_wait3A_986 : memref<32768x128xf32, #tpu.memory_space<hbm>>) dst(%dma_wait3A_980 : memref<128x128xf32, #tpu.memory_space<vmem>>)
    %dma_start3A_987 = arith.constant 5 : i32
    %dma_start3A_988 = arith.constant 2 : i32
    %dma_start3A_989 = arith.constant 0 : i32
    %dma_start3A_990 = arith.constant 0 : i32
    %dma_start3A_991 = arith.constant 0 : i32
    %dma_start3A_992 = tpu.memref_slice %arg20[%dma_start3A_987, %dma_start3A_990, %dma_start3A_991] : memref<7x128x128xf32, #tpu.memory_space<vmem>> -> memref<1x128x128xf32, #tpu.memory_space<vmem>>
    %dma_start3A_993 = tpu.memref_squeeze %dma_start3A_992 : memref<1x128x128xf32, #tpu.memory_space<vmem>> -> memref<128x128xf32, #tpu.memory_space<vmem>>
    %dma_start3A_994 = arith.constant 0 : i32
    %dma_start3A_995 = tpu.memref_slice %arg19[%dma_start3A_988, %dma_start3A_989, %dma_start3A_994] : memref<4x2x128xi32, #tpu.memory_space<vmem>> -> memref<1x1x128xi32, #tpu.memory_space<vmem>>
    %dma_start3A_996 = tpu.memref_squeeze %dma_start3A_995 : memref<1x1x128xi32, #tpu.memory_space<vmem>> -> memref<128xi32, #tpu.memory_space<vmem>>
    %dma_start3A_997 = arith.constant 0 : i32
    %dma_start3A_998 = arith.constant 0 : i32
    %dma_start3A_999 = tpu.memref_slice %arg17[%dma_start3A_997, %dma_start3A_998] : memref<16384x128xf32, #tpu.memory_space<hbm>> -> memref<16384x128xf32, #tpu.memory_space<hbm>>
    tpu.enqueue_indirect_dma source(%dma_start3A_993 : memref<128x128xf32, #tpu.memory_space<vmem>>) target(%dma_start3A_999 : memref<16384x128xf32, #tpu.memory_space<hbm>>) offsets(%dma_start3A_996 : memref<128xi32, #tpu.memory_space<vmem>>) semaphore(%arg34 : memref<!tpu.dma_semaphore, #tpu.memory_space<semaphore_mem>>)
    %dma_wait3A_1000 = arith.constant 2 : i32
    %dma_wait3A_1001 = arith.constant 1 : i32
    %dma_wait3A_1002 = arith.constant 6 : i32
    %dma_wait3A_1003 = arith.constant 0 : i32
    %dma_wait3A_1004 = arith.constant 0 : i32
    %dma_wait3A_1005 = tpu.memref_slice %arg20[%dma_wait3A_1002, %dma_wait3A_1003, %dma_wait3A_1004] : memref<7x128x128xf32, #tpu.memory_space<vmem>> -> memref<1x128x128xf32, #tpu.memory_space<vmem>>
    %dma_wait3A_1006 = tpu.memref_squeeze %dma_wait3A_1005 : memref<1x128x128xf32, #tpu.memory_space<vmem>> -> memref<128x128xf32, #tpu.memory_space<vmem>>
    %dma_wait3A_1007 = arith.constant 0 : i32
    %dma_wait3A_1008 = tpu.memref_slice %arg18[%dma_wait3A_1000, %dma_wait3A_1001, %dma_wait3A_1007] : memref<4x2x128xi32, #tpu.memory_space<vmem>> -> memref<1x1x128xi32, #tpu.memory_space<vmem>>
    %dma_wait3A_1009 = tpu.memref_squeeze %dma_wait3A_1008 : memref<1x1x128xi32, #tpu.memory_space<vmem>> -> memref<128xi32, #tpu.memory_space<vmem>>
    %dma_wait3A_1010 = arith.constant 0 : i32
    %dma_wait3A_1011 = arith.constant 0 : i32
    %dma_wait3A_1012 = tpu.memref_slice %arg3[%dma_wait3A_1010, %dma_wait3A_1011] : memref<32768x128xf32, #tpu.memory_space<hbm>> -> memref<32768x128xf32, #tpu.memory_space<hbm>>
    tpu.wait_indirect_dma semaphore(%arg28 : memref<!tpu.dma_semaphore, #tpu.memory_space<semaphore_mem>>) src(%dma_wait3A_1012 : memref<32768x128xf32, #tpu.memory_space<hbm>>) dst(%dma_wait3A_1006 : memref<128x128xf32, #tpu.memory_space<vmem>>)
    %dma_start3A_1013 = arith.constant 6 : i32
    %dma_start3A_1014 = arith.constant 2 : i32
    %dma_start3A_1015 = arith.constant 1 : i32
    %dma_start3A_1016 = arith.constant 0 : i32
    %dma_start3A_1017 = arith.constant 0 : i32
    %dma_start3A_1018 = tpu.memref_slice %arg20[%dma_start3A_1013, %dma_start3A_1016, %dma_start3A_1017] : memref<7x128x128xf32, #tpu.memory_space<vmem>> -> memref<1x128x128xf32, #tpu.memory_space<vmem>>
    %dma_start3A_1019 = tpu.memref_squeeze %dma_start3A_1018 : memref<1x128x128xf32, #tpu.memory_space<vmem>> -> memref<128x128xf32, #tpu.memory_space<vmem>>
    %dma_start3A_1020 = arith.constant 0 : i32
    %dma_start3A_1021 = tpu.memref_slice %arg19[%dma_start3A_1014, %dma_start3A_1015, %dma_start3A_1020] : memref<4x2x128xi32, #tpu.memory_space<vmem>> -> memref<1x1x128xi32, #tpu.memory_space<vmem>>
    %dma_start3A_1022 = tpu.memref_squeeze %dma_start3A_1021 : memref<1x1x128xi32, #tpu.memory_space<vmem>> -> memref<128xi32, #tpu.memory_space<vmem>>
    %dma_start3A_1023 = arith.constant 0 : i32
    %dma_start3A_1024 = arith.constant 0 : i32
    %dma_start3A_1025 = tpu.memref_slice %arg17[%dma_start3A_1023, %dma_start3A_1024] : memref<16384x128xf32, #tpu.memory_space<hbm>> -> memref<16384x128xf32, #tpu.memory_space<hbm>>
    tpu.enqueue_indirect_dma source(%dma_start3A_1019 : memref<128x128xf32, #tpu.memory_space<vmem>>) target(%dma_start3A_1025 : memref<16384x128xf32, #tpu.memory_space<hbm>>) offsets(%dma_start3A_1022 : memref<128xi32, #tpu.memory_space<vmem>>) semaphore(%arg35 : memref<!tpu.dma_semaphore, #tpu.memory_space<semaphore_mem>>)
    %dma_wait3A_1026 = arith.constant 3 : i32
    %dma_wait3A_1027 = arith.constant 0 : i32
    %dma_wait3A_1028 = arith.constant 0 : i32
    %dma_wait3A_1029 = arith.constant 0 : i32
    %dma_wait3A_1030 = arith.constant 0 : i32
    %dma_wait3A_1031 = tpu.memref_slice %arg20[%dma_wait3A_1028, %dma_wait3A_1029, %dma_wait3A_1030] : memref<7x128x128xf32, #tpu.memory_space<vmem>> -> memref<1x128x128xf32, #tpu.memory_space<vmem>>
    %dma_wait3A_1032 = tpu.memref_squeeze %dma_wait3A_1031 : memref<1x128x128xf32, #tpu.memory_space<vmem>> -> memref<128x128xf32, #tpu.memory_space<vmem>>
    %dma_wait3A_1033 = arith.constant 0 : i32
    %dma_wait3A_1034 = tpu.memref_slice %arg18[%dma_wait3A_1026, %dma_wait3A_1027, %dma_wait3A_1033] : memref<4x2x128xi32, #tpu.memory_space<vmem>> -> memref<1x1x128xi32, #tpu.memory_space<vmem>>
    %dma_wait3A_1035 = tpu.memref_squeeze %dma_wait3A_1034 : memref<1x1x128xi32, #tpu.memory_space<vmem>> -> memref<128xi32, #tpu.memory_space<vmem>>
    %dma_wait3A_1036 = arith.constant 0 : i32
    %dma_wait3A_1037 = arith.constant 0 : i32
    %dma_wait3A_1038 = tpu.memref_slice %arg5[%dma_wait3A_1036, %dma_wait3A_1037] : memref<16384x128xf32, #tpu.memory_space<hbm>> -> memref<16384x128xf32, #tpu.memory_space<hbm>>
    tpu.wait_indirect_dma semaphore(%arg22 : memref<!tpu.dma_semaphore, #tpu.memory_space<semaphore_mem>>) src(%dma_wait3A_1038 : memref<16384x128xf32, #tpu.memory_space<hbm>>) dst(%dma_wait3A_1032 : memref<128x128xf32, #tpu.memory_space<vmem>>)
    %dma_start3A_1039 = arith.constant 0 : i32
    %dma_start3A_1040 = arith.constant 3 : i32
    %dma_start3A_1041 = arith.constant 0 : i32
    %dma_start3A_1042 = arith.constant 0 : i32
    %dma_start3A_1043 = arith.constant 0 : i32
    %dma_start3A_1044 = tpu.memref_slice %arg20[%dma_start3A_1039, %dma_start3A_1042, %dma_start3A_1043] : memref<7x128x128xf32, #tpu.memory_space<vmem>> -> memref<1x128x128xf32, #tpu.memory_space<vmem>>
    %dma_start3A_1045 = tpu.memref_squeeze %dma_start3A_1044 : memref<1x128x128xf32, #tpu.memory_space<vmem>> -> memref<128x128xf32, #tpu.memory_space<vmem>>
    %dma_start3A_1046 = arith.constant 0 : i32
    %dma_start3A_1047 = tpu.memref_slice %arg19[%dma_start3A_1040, %dma_start3A_1041, %dma_start3A_1046] : memref<4x2x128xi32, #tpu.memory_space<vmem>> -> memref<1x1x128xi32, #tpu.memory_space<vmem>>
    %dma_start3A_1048 = tpu.memref_squeeze %dma_start3A_1047 : memref<1x1x128xi32, #tpu.memory_space<vmem>> -> memref<128xi32, #tpu.memory_space<vmem>>
    %dma_start3A_1049 = arith.constant 0 : i32
    %dma_start3A_1050 = arith.constant 0 : i32
    %dma_start3A_1051 = tpu.memref_slice %arg17[%dma_start3A_1049, %dma_start3A_1050] : memref<16384x128xf32, #tpu.memory_space<hbm>> -> memref<16384x128xf32, #tpu.memory_space<hbm>>
    tpu.enqueue_indirect_dma source(%dma_start3A_1045 : memref<128x128xf32, #tpu.memory_space<vmem>>) target(%dma_start3A_1051 : memref<16384x128xf32, #tpu.memory_space<hbm>>) offsets(%dma_start3A_1048 : memref<128xi32, #tpu.memory_space<vmem>>) semaphore(%arg29 : memref<!tpu.dma_semaphore, #tpu.memory_space<semaphore_mem>>)
    %dma_wait3A_1052 = arith.constant 3 : i32
    %dma_wait3A_1053 = arith.constant 1 : i32
    %dma_wait3A_1054 = arith.constant 1 : i32
    %dma_wait3A_1055 = arith.constant 0 : i32
    %dma_wait3A_1056 = arith.constant 0 : i32
    %dma_wait3A_1057 = tpu.memref_slice %arg20[%dma_wait3A_1054, %dma_wait3A_1055, %dma_wait3A_1056] : memref<7x128x128xf32, #tpu.memory_space<vmem>> -> memref<1x128x128xf32, #tpu.memory_space<vmem>>
    %dma_wait3A_1058 = tpu.memref_squeeze %dma_wait3A_1057 : memref<1x128x128xf32, #tpu.memory_space<vmem>> -> memref<128x128xf32, #tpu.memory_space<vmem>>
    %dma_wait3A_1059 = arith.constant 0 : i32
    %dma_wait3A_1060 = tpu.memref_slice %arg18[%dma_wait3A_1052, %dma_wait3A_1053, %dma_wait3A_1059] : memref<4x2x128xi32, #tpu.memory_space<vmem>> -> memref<1x1x128xi32, #tpu.memory_space<vmem>>
    %dma_wait3A_1061 = tpu.memref_squeeze %dma_wait3A_1060 : memref<1x1x128xi32, #tpu.memory_space<vmem>> -> memref<128xi32, #tpu.memory_space<vmem>>
    %dma_wait3A_1062 = arith.constant 0 : i32
    %dma_wait3A_1063 = arith.constant 0 : i32
    %dma_wait3A_1064 = tpu.memref_slice %arg5[%dma_wait3A_1062, %dma_wait3A_1063] : memref<16384x128xf32, #tpu.memory_space<hbm>> -> memref<16384x128xf32, #tpu.memory_space<hbm>>
    tpu.wait_indirect_dma semaphore(%arg23 : memref<!tpu.dma_semaphore, #tpu.memory_space<semaphore_mem>>) src(%dma_wait3A_1064 : memref<16384x128xf32, #tpu.memory_space<hbm>>) dst(%dma_wait3A_1058 : memref<128x128xf32, #tpu.memory_space<vmem>>)
    %dma_start3A_1065 = arith.constant 1 : i32
    %dma_start3A_1066 = arith.constant 3 : i32
    %dma_start3A_1067 = arith.constant 1 : i32
    %dma_start3A_1068 = arith.constant 0 : i32
    %dma_start3A_1069 = arith.constant 0 : i32
    %dma_start3A_1070 = tpu.memref_slice %arg20[%dma_start3A_1065, %dma_start3A_1068, %dma_start3A_1069] : memref<7x128x128xf32, #tpu.memory_space<vmem>> -> memref<1x128x128xf32, #tpu.memory_space<vmem>>
    %dma_start3A_1071 = tpu.memref_squeeze %dma_start3A_1070 : memref<1x128x128xf32, #tpu.memory_space<vmem>> -> memref<128x128xf32, #tpu.memory_space<vmem>>
    %dma_start3A_1072 = arith.constant 0 : i32
    %dma_start3A_1073 = tpu.memref_slice %arg19[%dma_start3A_1066, %dma_start3A_1067, %dma_start3A_1072] : memref<4x2x128xi32, #tpu.memory_space<vmem>> -> memref<1x1x128xi32, #tpu.memory_space<vmem>>
    %dma_start3A_1074 = tpu.memref_squeeze %dma_start3A_1073 : memref<1x1x128xi32, #tpu.memory_space<vmem>> -> memref<128xi32, #tpu.memory_space<vmem>>
    %dma_start3A_1075 = arith.constant 0 : i32
    %dma_start3A_1076 = arith.constant 0 : i32
    %dma_start3A_1077 = tpu.memref_slice %arg17[%dma_start3A_1075, %dma_start3A_1076] : memref<16384x128xf32, #tpu.memory_space<hbm>> -> memref<16384x128xf32, #tpu.memory_space<hbm>>
    tpu.enqueue_indirect_dma source(%dma_start3A_1071 : memref<128x128xf32, #tpu.memory_space<vmem>>) target(%dma_start3A_1077 : memref<16384x128xf32, #tpu.memory_space<hbm>>) offsets(%dma_start3A_1074 : memref<128xi32, #tpu.memory_space<vmem>>) semaphore(%arg30 : memref<!tpu.dma_semaphore, #tpu.memory_space<semaphore_mem>>)
    %dma_wait3A_1078 = arith.constant 0 : i32
    %dma_wait3A_1079 = arith.constant 3 : i32
    %dma_wait3A_1080 = arith.constant 0 : i32
    %dma_wait3A_1081 = arith.constant 0 : i32
    %dma_wait3A_1082 = arith.constant 0 : i32
    %dma_wait3A_1083 = tpu.memref_slice %arg20[%dma_wait3A_1078, %dma_wait3A_1081, %dma_wait3A_1082] : memref<7x128x128xf32, #tpu.memory_space<vmem>> -> memref<1x128x128xf32, #tpu.memory_space<vmem>>
    %dma_wait3A_1084 = tpu.memref_squeeze %dma_wait3A_1083 : memref<1x128x128xf32, #tpu.memory_space<vmem>> -> memref<128x128xf32, #tpu.memory_space<vmem>>
    %dma_wait3A_1085 = arith.constant 0 : i32
    %dma_wait3A_1086 = tpu.memref_slice %arg19[%dma_wait3A_1079, %dma_wait3A_1080, %dma_wait3A_1085] : memref<4x2x128xi32, #tpu.memory_space<vmem>> -> memref<1x1x128xi32, #tpu.memory_space<vmem>>
    %dma_wait3A_1087 = tpu.memref_squeeze %dma_wait3A_1086 : memref<1x1x128xi32, #tpu.memory_space<vmem>> -> memref<128xi32, #tpu.memory_space<vmem>>
    %dma_wait3A_1088 = arith.constant 0 : i32
    %dma_wait3A_1089 = arith.constant 0 : i32
    %dma_wait3A_1090 = tpu.memref_slice %arg17[%dma_wait3A_1088, %dma_wait3A_1089] : memref<16384x128xf32, #tpu.memory_space<hbm>> -> memref<16384x128xf32, #tpu.memory_space<hbm>>
    tpu.wait_indirect_dma semaphore(%arg29 : memref<!tpu.dma_semaphore, #tpu.memory_space<semaphore_mem>>) src(%dma_wait3A_1084 : memref<128x128xf32, #tpu.memory_space<vmem>>) dst(%dma_wait3A_1090 : memref<16384x128xf32, #tpu.memory_space<hbm>>)
    %dma_wait3A_1091 = arith.constant 1 : i32
    %dma_wait3A_1092 = arith.constant 3 : i32
    %dma_wait3A_1093 = arith.constant 1 : i32
    %dma_wait3A_1094 = arith.constant 0 : i32
    %dma_wait3A_1095 = arith.constant 0 : i32
    %dma_wait3A_1096 = tpu.memref_slice %arg20[%dma_wait3A_1091, %dma_wait3A_1094, %dma_wait3A_1095] : memref<7x128x128xf32, #tpu.memory_space<vmem>> -> memref<1x128x128xf32, #tpu.memory_space<vmem>>
    %dma_wait3A_1097 = tpu.memref_squeeze %dma_wait3A_1096 : memref<1x128x128xf32, #tpu.memory_space<vmem>> -> memref<128x128xf32, #tpu.memory_space<vmem>>
    %dma_wait3A_1098 = arith.constant 0 : i32
    %dma_wait3A_1099 = tpu.memref_slice %arg19[%dma_wait3A_1092, %dma_wait3A_1093, %dma_wait3A_1098] : memref<4x2x128xi32, #tpu.memory_space<vmem>> -> memref<1x1x128xi32, #tpu.memory_space<vmem>>
    %dma_wait3A_1100 = tpu.memref_squeeze %dma_wait3A_1099 : memref<1x1x128xi32, #tpu.memory_space<vmem>> -> memref<128xi32, #tpu.memory_space<vmem>>
    %dma_wait3A_1101 = arith.constant 0 : i32
    %dma_wait3A_1102 = arith.constant 0 : i32
    %dma_wait3A_1103 = tpu.memref_slice %arg17[%dma_wait3A_1101, %dma_wait3A_1102] : memref<16384x128xf32, #tpu.memory_space<hbm>> -> memref<16384x128xf32, #tpu.memory_space<hbm>>
    tpu.wait_indirect_dma semaphore(%arg30 : memref<!tpu.dma_semaphore, #tpu.memory_space<semaphore_mem>>) src(%dma_wait3A_1097 : memref<128x128xf32, #tpu.memory_space<vmem>>) dst(%dma_wait3A_1103 : memref<16384x128xf32, #tpu.memory_space<hbm>>)
    %dma_wait3A_1104 = arith.constant 2 : i32
    %dma_wait3A_1105 = arith.constant 2 : i32
    %dma_wait3A_1106 = arith.constant 1 : i32
    %dma_wait3A_1107 = arith.constant 0 : i32
    %dma_wait3A_1108 = arith.constant 0 : i32
    %dma_wait3A_1109 = tpu.memref_slice %arg20[%dma_wait3A_1104, %dma_wait3A_1107, %dma_wait3A_1108] : memref<7x128x128xf32, #tpu.memory_space<vmem>> -> memref<1x128x128xf32, #tpu.memory_space<vmem>>
    %dma_wait3A_1110 = tpu.memref_squeeze %dma_wait3A_1109 : memref<1x128x128xf32, #tpu.memory_space<vmem>> -> memref<128x128xf32, #tpu.memory_space<vmem>>
    %dma_wait3A_1111 = arith.constant 0 : i32
    %dma_wait3A_1112 = tpu.memref_slice %arg19[%dma_wait3A_1105, %dma_wait3A_1106, %dma_wait3A_1111] : memref<4x2x128xi32, #tpu.memory_space<vmem>> -> memref<1x1x128xi32, #tpu.memory_space<vmem>>
    %dma_wait3A_1113 = tpu.memref_squeeze %dma_wait3A_1112 : memref<1x1x128xi32, #tpu.memory_space<vmem>> -> memref<128xi32, #tpu.memory_space<vmem>>
    %dma_wait3A_1114 = arith.constant 0 : i32
    %dma_wait3A_1115 = arith.constant 0 : i32
    %dma_wait3A_1116 = tpu.memref_slice %arg16[%dma_wait3A_1114, %dma_wait3A_1115] : memref<16384x128xf32, #tpu.memory_space<hbm>> -> memref<16384x128xf32, #tpu.memory_space<hbm>>
    tpu.wait_indirect_dma semaphore(%arg31 : memref<!tpu.dma_semaphore, #tpu.memory_space<semaphore_mem>>) src(%dma_wait3A_1110 : memref<128x128xf32, #tpu.memory_space<vmem>>) dst(%dma_wait3A_1116 : memref<16384x128xf32, #tpu.memory_space<hbm>>)
    %dma_wait3A_1117 = arith.constant 3 : i32
    %dma_wait3A_1118 = arith.constant 3 : i32
    %dma_wait3A_1119 = arith.constant 0 : i32
    %dma_wait3A_1120 = arith.constant 0 : i32
    %dma_wait3A_1121 = arith.constant 0 : i32
    %dma_wait3A_1122 = tpu.memref_slice %arg20[%dma_wait3A_1117, %dma_wait3A_1120, %dma_wait3A_1121] : memref<7x128x128xf32, #tpu.memory_space<vmem>> -> memref<1x128x128xf32, #tpu.memory_space<vmem>>
    %dma_wait3A_1123 = tpu.memref_squeeze %dma_wait3A_1122 : memref<1x128x128xf32, #tpu.memory_space<vmem>> -> memref<128x128xf32, #tpu.memory_space<vmem>>
    %dma_wait3A_1124 = arith.constant 0 : i32
    %dma_wait3A_1125 = tpu.memref_slice %arg19[%dma_wait3A_1118, %dma_wait3A_1119, %dma_wait3A_1124] : memref<4x2x128xi32, #tpu.memory_space<vmem>> -> memref<1x1x128xi32, #tpu.memory_space<vmem>>
    %dma_wait3A_1126 = tpu.memref_squeeze %dma_wait3A_1125 : memref<1x1x128xi32, #tpu.memory_space<vmem>> -> memref<128xi32, #tpu.memory_space<vmem>>
    %dma_wait3A_1127 = arith.constant 0 : i32
    %dma_wait3A_1128 = arith.constant 0 : i32
    %dma_wait3A_1129 = tpu.memref_slice %arg16[%dma_wait3A_1127, %dma_wait3A_1128] : memref<16384x128xf32, #tpu.memory_space<hbm>> -> memref<16384x128xf32, #tpu.memory_space<hbm>>
    tpu.wait_indirect_dma semaphore(%arg32 : memref<!tpu.dma_semaphore, #tpu.memory_space<semaphore_mem>>) src(%dma_wait3A_1123 : memref<128x128xf32, #tpu.memory_space<vmem>>) dst(%dma_wait3A_1129 : memref<16384x128xf32, #tpu.memory_space<hbm>>)
    %dma_wait3A_1130 = arith.constant 4 : i32
    %dma_wait3A_1131 = arith.constant 3 : i32
    %dma_wait3A_1132 = arith.constant 1 : i32
    %dma_wait3A_1133 = arith.constant 0 : i32
    %dma_wait3A_1134 = arith.constant 0 : i32
    %dma_wait3A_1135 = tpu.memref_slice %arg20[%dma_wait3A_1130, %dma_wait3A_1133, %dma_wait3A_1134] : memref<7x128x128xf32, #tpu.memory_space<vmem>> -> memref<1x128x128xf32, #tpu.memory_space<vmem>>
    %dma_wait3A_1136 = tpu.memref_squeeze %dma_wait3A_1135 : memref<1x128x128xf32, #tpu.memory_space<vmem>> -> memref<128x128xf32, #tpu.memory_space<vmem>>
    %dma_wait3A_1137 = arith.constant 0 : i32
    %dma_wait3A_1138 = tpu.memref_slice %arg19[%dma_wait3A_1131, %dma_wait3A_1132, %dma_wait3A_1137] : memref<4x2x128xi32, #tpu.memory_space<vmem>> -> memref<1x1x128xi32, #tpu.memory_space<vmem>>
    %dma_wait3A_1139 = tpu.memref_squeeze %dma_wait3A_1138 : memref<1x1x128xi32, #tpu.memory_space<vmem>> -> memref<128xi32, #tpu.memory_space<vmem>>
    %dma_wait3A_1140 = arith.constant 0 : i32
    %dma_wait3A_1141 = arith.constant 0 : i32
    %dma_wait3A_1142 = tpu.memref_slice %arg16[%dma_wait3A_1140, %dma_wait3A_1141] : memref<16384x128xf32, #tpu.memory_space<hbm>> -> memref<16384x128xf32, #tpu.memory_space<hbm>>
    tpu.wait_indirect_dma semaphore(%arg33 : memref<!tpu.dma_semaphore, #tpu.memory_space<semaphore_mem>>) src(%dma_wait3A_1136 : memref<128x128xf32, #tpu.memory_space<vmem>>) dst(%dma_wait3A_1142 : memref<16384x128xf32, #tpu.memory_space<hbm>>)
    %dma_wait3A_1143 = arith.constant 5 : i32
    %dma_wait3A_1144 = arith.constant 2 : i32
    %dma_wait3A_1145 = arith.constant 0 : i32
    %dma_wait3A_1146 = arith.constant 0 : i32
    %dma_wait3A_1147 = arith.constant 0 : i32
    %dma_wait3A_1148 = tpu.memref_slice %arg20[%dma_wait3A_1143, %dma_wait3A_1146, %dma_wait3A_1147] : memref<7x128x128xf32, #tpu.memory_space<vmem>> -> memref<1x128x128xf32, #tpu.memory_space<vmem>>
    %dma_wait3A_1149 = tpu.memref_squeeze %dma_wait3A_1148 : memref<1x128x128xf32, #tpu.memory_space<vmem>> -> memref<128x128xf32, #tpu.memory_space<vmem>>
    %dma_wait3A_1150 = arith.constant 0 : i32
    %dma_wait3A_1151 = tpu.memref_slice %arg19[%dma_wait3A_1144, %dma_wait3A_1145, %dma_wait3A_1150] : memref<4x2x128xi32, #tpu.memory_space<vmem>> -> memref<1x1x128xi32, #tpu.memory_space<vmem>>
    %dma_wait3A_1152 = tpu.memref_squeeze %dma_wait3A_1151 : memref<1x1x128xi32, #tpu.memory_space<vmem>> -> memref<128xi32, #tpu.memory_space<vmem>>
    %dma_wait3A_1153 = arith.constant 0 : i32
    %dma_wait3A_1154 = arith.constant 0 : i32
    %dma_wait3A_1155 = tpu.memref_slice %arg17[%dma_wait3A_1153, %dma_wait3A_1154] : memref<16384x128xf32, #tpu.memory_space<hbm>> -> memref<16384x128xf32, #tpu.memory_space<hbm>>
    tpu.wait_indirect_dma semaphore(%arg34 : memref<!tpu.dma_semaphore, #tpu.memory_space<semaphore_mem>>) src(%dma_wait3A_1149 : memref<128x128xf32, #tpu.memory_space<vmem>>) dst(%dma_wait3A_1155 : memref<16384x128xf32, #tpu.memory_space<hbm>>)
    %dma_wait3A_1156 = arith.constant 6 : i32
    %dma_wait3A_1157 = arith.constant 2 : i32
    %dma_wait3A_1158 = arith.constant 1 : i32
    %dma_wait3A_1159 = arith.constant 0 : i32
    %dma_wait3A_1160 = arith.constant 0 : i32
    %dma_wait3A_1161 = tpu.memref_slice %arg20[%dma_wait3A_1156, %dma_wait3A_1159, %dma_wait3A_1160] : memref<7x128x128xf32, #tpu.memory_space<vmem>> -> memref<1x128x128xf32, #tpu.memory_space<vmem>>
    %dma_wait3A_1162 = tpu.memref_squeeze %dma_wait3A_1161 : memref<1x128x128xf32, #tpu.memory_space<vmem>> -> memref<128x128xf32, #tpu.memory_space<vmem>>
    %dma_wait3A_1163 = arith.constant 0 : i32
    %dma_wait3A_1164 = tpu.memref_slice %arg19[%dma_wait3A_1157, %dma_wait3A_1158, %dma_wait3A_1163] : memref<4x2x128xi32, #tpu.memory_space<vmem>> -> memref<1x1x128xi32, #tpu.memory_space<vmem>>
    %dma_wait3A_1165 = tpu.memref_squeeze %dma_wait3A_1164 : memref<1x1x128xi32, #tpu.memory_space<vmem>> -> memref<128xi32, #tpu.memory_space<vmem>>
    %dma_wait3A_1166 = arith.constant 0 : i32
    %dma_wait3A_1167 = arith.constant 0 : i32
    %dma_wait3A_1168 = tpu.memref_slice %arg17[%dma_wait3A_1166, %dma_wait3A_1167] : memref<16384x128xf32, #tpu.memory_space<hbm>> -> memref<16384x128xf32, #tpu.memory_space<hbm>>
    tpu.wait_indirect_dma semaphore(%arg35 : memref<!tpu.dma_semaphore, #tpu.memory_space<semaphore_mem>>) src(%dma_wait3A_1162 : memref<128x128xf32, #tpu.memory_space<vmem>>) dst(%dma_wait3A_1168 : memref<16384x128xf32, #tpu.memory_space<hbm>>)
    return
  }
}

module attributes {stable_mosaic.version = 14 : i64} {
  func.func @_tc_cell_body(%arg0: i32, %arg1: memref<4096x128xf32, #tpu.memory_space<vmem>>, %arg2: memref<4096x128xf32, #tpu.memory_space<vmem>>, %arg3: memref<4096x128xf32, #tpu.memory_space<vmem>>, %arg4: memref<4096x128xf32, #tpu.memory_space<vmem>>, %arg5: memref<256x384xbf16, #tpu.memory_space<vmem>>, %arg6: memref<1x384xf32, #tpu.memory_space<vmem>>, %arg7: memref<256x256xbf16, #tpu.memory_space<vmem>>, %arg8: memref<1x256xf32, #tpu.memory_space<vmem>>, %arg9: memref<4096x128xf32, #tpu.memory_space<vmem>>, %arg10: memref<4096x128xf32, #tpu.memory_space<vmem>>) attributes {dimension_semantics = [#tpu.dimension_semantics<arbitrary>], iteration_bounds = array<i64: 4>, scalar_prefetch = 0 : i64, scratch_operands = 0 : i64, tpu.core_type = #tpu.core_type<tc>, window_params = [{transform_indices = @transform_0, window_bounds = array<i64: 4096, 128>}, {transform_indices = @transform_1, window_bounds = array<i64: 4096, 128>}, {transform_indices = @transform_2, window_bounds = array<i64: 4096, 128>}, {transform_indices = @transform_3, window_bounds = array<i64: 4096, 128>}, {pipeline_mode = #tpu.pipeline_mode<synchronous>, transform_indices = @transform_4, window_bounds = array<i64: 256, 384>}, {pipeline_mode = #tpu.pipeline_mode<synchronous>, transform_indices = @transform_5, window_bounds = array<i64: 1, 384>}, {pipeline_mode = #tpu.pipeline_mode<synchronous>, transform_indices = @transform_6, window_bounds = array<i64: 256, 256>}, {pipeline_mode = #tpu.pipeline_mode<synchronous>, transform_indices = @transform_7, window_bounds = array<i64: 1, 256>}, {transform_indices = @transform_8, window_bounds = array<i64: 4096, 128>}, {transform_indices = @transform_9, window_bounds = array<i64: 4096, 128>}]} {
    %get3A = arith.constant 0 : index
    %get3A_0 = arith.constant 0 : index
    %get3A_1 = vector.load %arg1[%get3A, %get3A_0] : memref<4096x128xf32, #tpu.memory_space<vmem>>, vector<4096x128xf32>
    %get3A_2 = arith.constant 0 : index
    %get3A_3 = arith.constant 0 : index
    %get3A_4 = vector.load %arg2[%get3A_2, %get3A_3] : memref<4096x128xf32, #tpu.memory_space<vmem>>, vector<4096x128xf32>
    %concatenate3A = tpu.concatenate %get3A_1, %get3A_4 in 1 : vector<4096x128xf32>, vector<4096x128xf32> -> vector<4096x256xf32>
    %convert_element_type3A = arith.truncf %concatenate3A : vector<4096x256xf32> to vector<4096x256xbf16>
    %get3A_5 = arith.constant 0 : index
    %get3A_6 = arith.constant 0 : index
    %get3A_7 = vector.load %arg5[%get3A_5, %get3A_6] : memref<256x384xbf16, #tpu.memory_space<vmem>>, vector<256x384xbf16>
    %dot_general3A = arith.constant dense<0.000000e+00> : vector<4096x384xf32>
    %dot_general3A_8 = tpu.matmul %convert_element_type3A, %get3A_7, %dot_general3A {dimension_numbers = #tpu.dot_dimension_numbers<[1], [0], [0], [1], [0, 0, 1, 1], [], []>, transpose_lhs_hint = false} : vector<4096x256xbf16>, vector<256x384xbf16>, vector<4096x384xf32> -> vector<4096x384xf32>
    %get3A_9 = arith.constant 0 : index
    %get3A_10 = arith.constant 0 : index
    %get3A_11 = vector.load %arg6[%get3A_9, %get3A_10] : memref<1x384xf32, #tpu.memory_space<vmem>>, vector<1x384xf32>
    %add3A = vector.broadcast %get3A_11 : vector<1x384xf32> to vector<4096x384xf32>
    %add3A_12 = arith.addf %dot_general3A_8, %add3A : vector<4096x384xf32>
    %get3A_13 = arith.constant 0 : index
    %get3A_14 = arith.constant 0 : index
    %get3A_15 = vector.load %arg7[%get3A_13, %get3A_14] : memref<256x256xbf16, #tpu.memory_space<vmem>>, vector<256x256xbf16>
    %dot_general3A_16 = arith.constant dense<0.000000e+00> : vector<4096x256xf32>
    %dot_general3A_17 = tpu.matmul %convert_element_type3A, %get3A_15, %dot_general3A_16 {dimension_numbers = #tpu.dot_dimension_numbers<[1], [0], [0], [1], [0, 0, 1, 1], [], []>, transpose_lhs_hint = false} : vector<4096x256xbf16>, vector<256x256xbf16>, vector<4096x256xf32> -> vector<4096x256xf32>
    %get3A_18 = arith.constant 0 : index
    %get3A_19 = arith.constant 0 : index
    %get3A_20 = vector.load %arg8[%get3A_18, %get3A_19] : memref<1x256xf32, #tpu.memory_space<vmem>>, vector<1x256xf32>
    %add3A_21 = vector.broadcast %get3A_20 : vector<1x256xf32> to vector<4096x256xf32>
    %add3A_22 = arith.addf %dot_general3A_17, %add3A_21 : vector<4096x256xf32>
    %mul3A = arith.constant 5.000000e-01 : f32
    %mul3A_23 = vector.broadcast %mul3A : f32 to vector<4096x256xf32>
    %mul3A_24 = arith.mulf %mul3A_23, %add3A_22 : vector<4096x256xf32>
    %tanh3A = math.tanh %mul3A_24 : vector<4096x256xf32>
    %mul3A_25 = arith.constant 5.000000e-01 : f32
    %mul3A_26 = vector.broadcast %mul3A_25 : f32 to vector<4096x256xf32>
    %mul3A_27 = arith.mulf %mul3A_26, %tanh3A : vector<4096x256xf32>
    %add3A_28 = arith.constant 5.000000e-01 : f32
    %add3A_29 = vector.broadcast %add3A_28 : f32 to vector<4096x256xf32>
    %add3A_30 = arith.addf %mul3A_27, %add3A_29 : vector<4096x256xf32>
    %slice3A = vector.extract_strided_slice %add3A_12 {offsets = [0, 0], sizes = [4096, 128], strides = [1, 1]} : vector<4096x384xf32> to vector<4096x128xf32>
    %mul3A_31 = arith.constant 5.000000e-01 : f32
    %mul3A_32 = vector.broadcast %mul3A_31 : f32 to vector<4096x128xf32>
    %mul3A_33 = arith.mulf %mul3A_32, %slice3A : vector<4096x128xf32>
    %tanh3A_34 = math.tanh %mul3A_33 : vector<4096x128xf32>
    %mul3A_35 = arith.constant 5.000000e-01 : f32
    %mul3A_36 = vector.broadcast %mul3A_35 : f32 to vector<4096x128xf32>
    %mul3A_37 = arith.mulf %mul3A_36, %tanh3A_34 : vector<4096x128xf32>
    %add3A_38 = arith.constant 5.000000e-01 : f32
    %add3A_39 = vector.broadcast %add3A_38 : f32 to vector<4096x128xf32>
    %add3A_40 = arith.addf %mul3A_37, %add3A_39 : vector<4096x128xf32>
    %slice3A_41 = vector.extract_strided_slice %add3A_12 {offsets = [0, 128], sizes = [4096, 128], strides = [1, 1]} : vector<4096x384xf32> to vector<4096x128xf32>
    %mul3A_42 = arith.constant 5.000000e-01 : f32
    %mul3A_43 = vector.broadcast %mul3A_42 : f32 to vector<4096x128xf32>
    %mul3A_44 = arith.mulf %mul3A_43, %slice3A_41 : vector<4096x128xf32>
    %tanh3A_45 = math.tanh %mul3A_44 : vector<4096x128xf32>
    %mul3A_46 = arith.constant 5.000000e-01 : f32
    %mul3A_47 = vector.broadcast %mul3A_46 : f32 to vector<4096x128xf32>
    %mul3A_48 = arith.mulf %mul3A_47, %tanh3A_45 : vector<4096x128xf32>
    %add3A_49 = arith.constant 5.000000e-01 : f32
    %add3A_50 = vector.broadcast %add3A_49 : f32 to vector<4096x128xf32>
    %add3A_51 = arith.addf %mul3A_48, %add3A_50 : vector<4096x128xf32>
    %slice3A_52 = vector.extract_strided_slice %add3A_12 {offsets = [0, 256], sizes = [4096, 128], strides = [1, 1]} : vector<4096x384xf32> to vector<4096x128xf32>
    %tanh3A_53 = math.tanh %slice3A_52 : vector<4096x128xf32>
    %mul3A_54 = arith.mulf %add3A_40, %tanh3A_53 : vector<4096x128xf32>
    %slice3A_55 = vector.extract_strided_slice %add3A_30 {offsets = [0, 0], sizes = [4096, 128], strides = [1, 1]} : vector<4096x256xf32> to vector<4096x128xf32>
    %get3A_56 = arith.constant 0 : index
    %get3A_57 = arith.constant 0 : index
    %get3A_58 = vector.load %arg3[%get3A_56, %get3A_57] : memref<4096x128xf32, #tpu.memory_space<vmem>>, vector<4096x128xf32>
    %mul3A_59 = arith.mulf %slice3A_55, %get3A_58 : vector<4096x128xf32>
    %add3A_60 = arith.addf %mul3A_54, %mul3A_59 : vector<4096x128xf32>
    %slice3A_61 = vector.extract_strided_slice %add3A_30 {offsets = [0, 128], sizes = [4096, 128], strides = [1, 1]} : vector<4096x256xf32> to vector<4096x128xf32>
    %get3A_62 = arith.constant 0 : index
    %get3A_63 = arith.constant 0 : index
    %get3A_64 = vector.load %arg4[%get3A_62, %get3A_63] : memref<4096x128xf32, #tpu.memory_space<vmem>>, vector<4096x128xf32>
    %mul3A_65 = arith.mulf %slice3A_61, %get3A_64 : vector<4096x128xf32>
    %add3A_66 = arith.addf %add3A_60, %mul3A_65 : vector<4096x128xf32>
    %tanh3A_67 = math.tanh %add3A_66 : vector<4096x128xf32>
    %mul3A_68 = arith.mulf %add3A_51, %tanh3A_67 : vector<4096x128xf32>
    %swap3A = arith.constant 0 : index
    %swap3A_69 = arith.constant 0 : index
    %swap3A_70 = vector.load %arg9[%swap3A, %swap3A_69] : memref<4096x128xf32, #tpu.memory_space<vmem>>, vector<4096x128xf32>
    tpu.vector_store %arg9[%swap3A, %swap3A_69], %mul3A_68 {strides = array<i32>} : memref<4096x128xf32, #tpu.memory_space<vmem>>, vector<4096x128xf32>,
    %swap3A_71 = arith.constant 0 : index
    %swap3A_72 = arith.constant 0 : index
    %swap3A_73 = vector.load %arg10[%swap3A_71, %swap3A_72] : memref<4096x128xf32, #tpu.memory_space<vmem>>, vector<4096x128xf32>
    tpu.vector_store %arg10[%swap3A_71, %swap3A_72], %add3A_66 {strides = array<i32>} : memref<4096x128xf32, #tpu.memory_space<vmem>>, vector<4096x128xf32>,
    return
  }
  func.func @transform_0(%arg0: i32) -> (i32, i32) {
    %c0_i32 = arith.constant 0 : i32
    %c0_i32_0 = arith.constant 0 : i32
    return %arg0, %c0_i32 : i32, i32
  }
  func.func @transform_1(%arg0: i32) -> (i32, i32) {
    %c0_i32 = arith.constant 0 : i32
    %c0_i32_0 = arith.constant 0 : i32
    return %arg0, %c0_i32 : i32, i32
  }
  func.func @transform_2(%arg0: i32) -> (i32, i32) {
    %c0_i32 = arith.constant 0 : i32
    %c0_i32_0 = arith.constant 0 : i32
    return %arg0, %c0_i32 : i32, i32
  }
  func.func @transform_3(%arg0: i32) -> (i32, i32) {
    %c0_i32 = arith.constant 0 : i32
    %c0_i32_0 = arith.constant 0 : i32
    return %arg0, %c0_i32 : i32, i32
  }
  func.func @transform_4(%arg0: i32) -> (i32, i32) {
    %c0_i32 = arith.constant 0 : i32
    %c0_i32_0 = arith.constant 0 : i32
    %c0_i32_1 = arith.constant 0 : i32
    return %c0_i32, %c0_i32_0 : i32, i32
  }
  func.func @transform_5(%arg0: i32) -> (i32, i32) {
    %c0_i32 = arith.constant 0 : i32
    %c0_i32_0 = arith.constant 0 : i32
    %c0_i32_1 = arith.constant 0 : i32
    return %c0_i32, %c0_i32_0 : i32, i32
  }
  func.func @transform_6(%arg0: i32) -> (i32, i32) {
    %c0_i32 = arith.constant 0 : i32
    %c0_i32_0 = arith.constant 0 : i32
    %c0_i32_1 = arith.constant 0 : i32
    return %c0_i32, %c0_i32_0 : i32, i32
  }
  func.func @transform_7(%arg0: i32) -> (i32, i32) {
    %c0_i32 = arith.constant 0 : i32
    %c0_i32_0 = arith.constant 0 : i32
    %c0_i32_1 = arith.constant 0 : i32
    return %c0_i32, %c0_i32_0 : i32, i32
  }
  func.func @transform_8(%arg0: i32) -> (i32, i32) {
    %c0_i32 = arith.constant 0 : i32
    %c0_i32_0 = arith.constant 0 : i32
    return %arg0, %c0_i32 : i32, i32
  }
  func.func @transform_9(%arg0: i32) -> (i32, i32) {
    %c0_i32 = arith.constant 0 : i32
    %c0_i32_0 = arith.constant 0 : i32
    return %arg0, %c0_i32 : i32, i32
  }
}

</mosaic_0001>

<sc_bundles>
// kernel: kernel.4.cloned.1.call-start
scs
__scs_entry_jumppad:
0x0: {  	(pc) =	sbr.rel $0x88, $3  }
0x1: {  	(tag) =	ssettag $0x0;
	lr =	simm.s32 $0x1  }
0x2: {  	[smem:$0x3F91] =	sst lr;
	_ =	strace $0xD0000000  }
0x3: {  	_ = 	snop  }
0x4: {  	_ = 	snop  }
0x5: {  	_ = 	snop  }
0x6: {  	_ = 	snop  }
0x7: {  	_ = 	snop  }
__scs_overlays_trampoline_lowered:
0x8: {  	[smem:$0x3FA0] =	sst s0  }
0x9: {  	[smem:$0x3FA1] =	sst s1  }
0xa: {  	[smem:$0x3FA2] =	sst s2  }
0xb: {  	[smem:$0x3FA3] =	sst s3  }
0xc: {  	[smem:$0x3FA4] =	sst s4  }
0xd: {  	[smem:$0x3FA5] =	sst s5  }
0xe: {  	[smem:$0x3FA6] =	sst s6  }
0xf: {  	[smem:$0x3FA7] =	sst s7  }
0x10: {  	[smem:$0x3FA8] =	sst s8  }
0x11: {  	[smem:$0x3FA9] =	sst s9;
	s0 =	simm.s32 @!p0 $0x0  }
0x12: {  	s1 =	sld [smem:$0x3F8F];
	s0 =	simm.s32 @p0 $0x1  }
0x13: {  	[smem:$0x3FAA] =	sst s0;
	s0 =	simm.s32 @!p1 $0x0  }
0x14: {  	s2 =	sld [smem:$0x3F8E];
	s0 =	simm.s32 @p1 $0x1  }
0x15: {  	[smem:$0x3FAB] =	sst s0;
	s0 =	simm.s32 @!p2 $0x0  }
0x16: {  	s3 =	sld [smem:$0x3FDB];
	s0 =	simm.s32 @p2 $0x1  }
0x17: {  	s4 =	simm.s32 $0x1BF5;
	[smem:$0x3FAD] =	sst s0  }
0x18: {  	s0 =	sld [smem:$0x3F90];
	_ =	swait.ge [sflag:s4], $0x0  }
0x19: {  	s7 =	sld [smem:$0x3F91]  }
0x1a: {  	s8 =	sadd.s32 $0xFFFFE003, lr  }
0x1b: {  	s9 =	sadd.s32 $0xFFFFFEF7, lr;
	s5 =	simm.s32 $0xFFFFFFFF;
	p2 =	slt.u32 s8, $0xFFFFF086  }
0x1c: {  	p1 =	slt.u32 s9, $0xF7A;
	s5 =	simm.s32 @!p2 $0x0  }
0x1d: {  	s5 =	simm.s32 @p1 $0x1;
	p0 =	seq.s32 s7, s2  }
0x1e: {  	s7 =	smul.u32 @!p0 $0xF7A, s2;
	p2 =	seq.s32 @!p0 s5, $0x0  }
0x1f: {  	s9 =	smul.u32 $0xF7A, s1;
	s8 =	simm.s32 @!p0 $0x1BF5;
	p2 =	por !p2, p0  }
0x20: {  	[sflag:s8] =	ssyncset.s32 @!p0 $0xFFFFF086;
	s6 =	sadd.s32 @!p0 s3, s7;
	s7 =	simm.s32 @!p0 $0x108  }
0x21: {  	s3 =	sadd.s32 s3, s9;
	s6 =	sadd.s32 @!p0 $0x88, s6;
	s7 =	simm.s32 @p2 $0x1082  }
0x22: {  	[simem:s7], [sflag:s8] =	dma.local @!p0 [hbm:s6], $0xF7A  }
0x23: {  	s9 =	sor.u32 $0xD0000000, s2;
	s6 =	simm.s32 $0x108;
	_ =	swait.ge @!p0 [sflag:s8], $0x0  }
0x24: {  	s3 =	sadd.s32 $0x88, s3;
	s6 =	simm.s32 @!p1 $0x1082;
	[sflag:s4] =	ssyncset.s32 $0xFFFFF086  }
0x25: {  	[simem:s6], [sflag:s4] =	dma.local [hbm:s3], $0xF7A  }
0x26: {  	[smem:$0x3F91] =	sst s1;
	(tag) =	ssettag s2;
	_ =	strace s9  }
0x27: {  	s1 =	sld [smem:$0x3FA1]  }
0x28: {  	s2 =	sld [smem:$0x3FA2]  }
0x29: {  	s4 =	sld [smem:$0x3FA4]  }
0x2a: {  	p0 =	seq.s32 s5, $0x0;
	s5 =	sld [smem:$0x3FA5]  }
0x2b: {  	s6 =	sld [smem:$0x3FA6]  }
0x2c: {  	s7 =	sld [smem:$0x3FA7]  }
0x2d: {  	s3 =	simm.s32 $0x108;
	s8 =	sld [smem:$0x3FA8]  }
0x2e: {  	s3 =	simm.s32 @!p0 $0x1082;
	s9 =	sld [smem:$0x3FA9]  }
0x2f: {  	lr =	sadd.s32 s0, s3;
	s0 =	sld [smem:$0x3FA0]  }
0x30: {  	s3 =	sld [smem:$0x3FA3]  }
0x31: {  	[smem:$0x3FAC] =	sst s10  }
0x32: {  	s10 =	sld [smem:$0x3FAA];
	_ =	sdelay $0x3  }
0x33: {  	p0 =	seq.s32 s10, $0x1;
	s10 =	sld [smem:$0x3FAC];
	_ =	sdelay $0x3  }
0x34: {  	[smem:$0x3FAC] =	sst s10  }
0x35: {  	s10 =	sld [smem:$0x3FAB];
	_ =	sdelay $0x3  }
0x36: {  	p1 =	seq.s32 s10, $0x1;
	s10 =	sld [smem:$0x3FAC];
	_ =	sdelay $0x3  }
0x37: {  	[smem:$0x3FAC] =	sst s10  }
0x38: {  	s10 =	sld [smem:$0x3FAD]  }
0x39: {  	_ = 	snop;
	(pc) =	sbr.ind lr, $3  }
0x3a: {  	_ = 	snop  }
0x3b: {  	_ = 	snop  }
0x3c: {  	p2 =	seq.s32 s10, $0x1;
	s10 =	sld [smem:$0x3FAC]  }
0x3d: {  	_ =	shalt  }
0x3e: {  	_ =	shalt  }
0x3f: {  	_ =	shalt  }
0x40: {  	_ =	shalt  }
0x41: {  	_ =	shalt  }
0x42: {  	_ =	shalt  }
0x43: {  	_ =	shalt  }
0x44: {  	_ =	shalt  }
0x45: {  	_ =	shalt  }
0x46: {  	_ =	shalt  }
0x47: {  	_ =	shalt  }
0x48: {  	_ =	shalt  }
0x49: {  	_ =	shalt  }
0x4a: {  	_ =	shalt  }
0x4b: {  	_ =	shalt  }
0x4c: {  	_ =	shalt  }
0x4d: {  	_ =	shalt  }
0x4e: {  	_ =	shalt  }
0x4f: {  	_ =	shalt  }
0x50: {  	_ =	shalt  }
0x51: {  	_ =	shalt  }
0x52: {  	_ =	shalt  }
0x53: {  	_ =	shalt  }
0x54: {  	_ =	shalt  }
0x55: {  	_ =	shalt  }
0x56: {  	_ =	shalt  }
0x57: {  	_ =	shalt  }
0x58: {  	_ =	shalt  }
0x59: {  	_ =	shalt  }
0x5a: {  	_ =	shalt  }
0x5b: {  	_ =	shalt  }
0x5c: {  	_ =	shalt  }
0x5d: {  	_ =	shalt  }
0x5e: {  	_ =	shalt  }
0x5f: {  	_ =	shalt  }
0x60: {  	_ =	shalt  }
0x61: {  	_ =	shalt  }
0x62: {  	_ =	shalt  }
0x63: {  	_ =	shalt  }
0x64: {  	_ =	shalt  }
0x65: {  	_ =	shalt  }
0x66: {  	_ =	shalt  }
0x67: {  	_ =	shalt  }
0x68: {  	_ =	shalt  }
0x69: {  	_ =	shalt  }
0x6a: {  	_ =	shalt  }
0x6b: {  	_ =	shalt  }
0x6c: {  	_ =	shalt  }
0x6d: {  	_ =	shalt  }
0x6e: {  	_ =	shalt  }
0x6f: {  	_ =	shalt  }
0x70: {  	_ =	shalt  }
0x71: {  	_ =	shalt  }
0x72: {  	_ =	shalt  }
0x73: {  	_ =	shalt  }
0x74: {  	_ =	shalt  }
0x75: {  	_ =	shalt  }
0x76: {  	_ =	shalt  }
0x77: {  	_ =	shalt  }
0x78: {  	_ =	shalt  }
0x79: {  	_ =	shalt  }
0x7a: {  	_ =	shalt  }
0x7b: {  	_ =	shalt  }
0x7c: {  	_ =	shalt  }
0x7d: {  	_ =	shalt  }
0x7e: {  	_ =	shalt  }
0x7f: {  	_ =	shalt  }
0x80: {  	_ =	shalt  }
0x81: {  	_ =	shalt  }
0x82: {  	_ =	shalt  }
0x83: {  	_ =	shalt  }
0x84: {  	_ =	shalt  }
0x85: {  	_ =	shalt  }
0x86: {  	_ =	shalt  }
0x87: {  	_ =	shalt  }
.Lfunc_end0:
.L_simem_size_0:
called_computation_lowered:
.L_overlay_start_0:
0x88: {  	s2 =	sld [smem:$0x3FD9]  }
0x89: {  	s3 =	sld [smem:$0x3FFE];
	_ =	sdelay $0x1  }
0x8a: {  	s1 =	srdreg.scid  }
0x8b: {  	s0 =	sand.u32 $0x1, s1  }
0x8c: {  	s23 =	sshll.u32 s0, $0xA;
	s2 =	sadd.s32 s3, s2  }
0x8d: {  	s2 =	sadd.s32 s2, s23  }
0x8e: {  	[smem:$0x3FB8] =	sst s2  }
0x8f: {  	_ = 	snop  }
0x90: {  	s2 =	sld [smem:$0x3FC9]  }
0x91: {  	s3 =	sld [smem:$0x3FC8]  }
0x92: {  	s4 =	sld [smem:$0x3FC7]  }
0x93: {  	s5 =	sld [smem:$0x3FC6]  }
0x94: {  	s6 =	sld [smem:$0x3FC5]  }
0x95: {  	s7 =	sld [smem:$0x3FC4]  }
0x96: {  	s8 =	sld [smem:$0x3FC3]  }
0x97: {  	s9 =	sld [smem:$0x3FC2]  }
0x98: {  	s10 =	sld [smem:$0x3FC1]  }
0x99: {  	s14 =	sld [smem:$0x3FD0]  }
0x9a: {  	s11 =	sld [smem:$0x3FC0]  }
0x9b: {  	s12 =	sld [smem:$0x3FBF]  }
0x9c: {  	s15 =	simm.s32 $0xA;
	s16 =	simm.s32 $0x10;
	s13 =	sld [smem:$0x3FBE]  }
0x9d: {  	[smem:s16], [sflag:s15] =	dma.local [hbm:s14], $0x1  }
0x9e: {  	_ =	swait.eq [sflag:s15], $0x1  }
0x9f: {  	[sflag:s15] =	ssyncset.done $0x0  }
0xa0: {  	s16 =	sld [smem:$0x10];
	[sflag:s15] =	ssyncadd.s32 $0xFFFFFFFF  }
0xa1: {  	s14 =	sld [smem:$0x11];
	(tm) =	ssettm $0x1  }
0xa2: {  	s24 =	sld [smem:$0x3FFB];
	_ =	sdelay $0x3  }
0xa3: {  	_ =	strace s24  }
0xa4: {  	s15 =	sld [smem:$0x3FFC];
	_ =	sdelay $0x3  }
0xa5: {  	_ =	strace s15  }
0xa6: {  	s15 =	sld [smem:$0x3FFD];
	_ =	sdelay $0x3  }
0xa7: {  	_ =	strace s15  }
0xa8: {  	_ =	strace $0x8FFFFFFF  }
0xa9: {  	s25 =	sld [smem:$0x3FDB];
	_ =	sdelay $0x1  }
0xaa: {  	s17 =	simm.s32 $_scs_section_size  }
0xab: {  	s18 =	simm.s32 $_size__tile_task_arg_handler_lowered;
	s19 =	simm.s32 $_tile_task_arg_handler_lowered  }
0xac: {  	s29 =	simm.s32 $0x1BFF;
	s28 =	sshll.u32 s19, $0x1;
	s17 =	sadd.s32 s17, s25  }
0xad: {  	s20 =	simm.s32 $0x60;
	s26 =	sshll.u32 s18, $0x1;
	s18 =	sadd.s32 s28, s17  }
0xae: {  	[timem:s20], [sflag:s29] =	dma.local [hbm:s18], s26  }
0xaf: {  	_ =	swait.ge [sflag:s29], s26  }
0xb0: {  	s30 =	simm.s32 $_tile_overlayer_lowered;
	s15 =	ssub.s32 $0x0, s26;
	[sflag:s29] =	ssyncset.done $0x0  }
0xb1: {  	s31 =	simm.s32 $_size__tile_overlayer_lowered;
	s18 =	sshll.u32 s30, $0x1;
	[sflag:s29] =	ssyncadd.s32 s15  }
0xb2: {  	s21 =	simm.s32 $0x0;
	s18 =	sadd.s32 s18, s17;
	s15 =	sshll.u32 s31, $0x1  }
0xb3: {  	[timem:s21], [sflag:s29] =	dma.local [hbm:s18], s15  }
0xb4: {  	_ =	swait.ge [sflag:s29], s15  }
0xb5: {  	s22 =	ssub.s32 $0x0, s15;
	[sflag:s29] =	ssyncset.done $0x0  }
0xb6: {  	[sflag:s29] =	ssyncadd.s32 s22;
	_ =	sdelay $0x1  }
0xb7: {  	s23 =	simm.s32 $0x1B8B  }
0xb8: {  	_ =	swait.ge [sflag:s23], $0x1  }
0xb9: {  	[sflag:s23] =	ssyncset.done $0x0  }
0xba: {  	s25 =	simm.s32 $0x1B8E;
	s24 =	sld [smem:$0x3FFE];
	[sflag:s23] =	ssyncadd.s32 $0xFFFFFFFF  }
0xbb: {  	s26 =	simm.s32 $execute0_lowered;
	[smem:$0x3FD2] =	sst s25  }
0xbc: {  	s19 =	sshll.u32 s26, $0x1;
	_ =	strace $0x80000046;
	[dreg:$0x1] =	wrdreg $0xFFFFFFFF  }
0xbd: {  	s28 =	simm.s32 $_size_execute0_lowered;
	s17 =	sadd.s32 s17, s19;
	[dreg:$0x0] =	wrdreg $0x0  }
0xbe: {  	s19 =	sshll.u32 s28, $0x1;
	[dreg:$0x2] =	wrdreg s17  }
0xbf: {  	[dreg:$0x3] =	wrdreg s19  }
0xc0: {  	[dreg:$0x4] =	wrdreg $0xC0  }
0xc1: {  	_ =	task [dreg:s21], $0x5FFFF  }
0xc2: {  	[dreg:$0x1] =	wrdreg $0xFFFFFFFF  }
0xc3: {  	[dreg:$0x0] =	wrdreg $0x30  }
0xc4: {  	[dreg:$0x2] =	wrdreg $0x0  }
0xc5: {  	[dreg:$0x3] =	wrdreg s16  }
0xc6: {  	[dreg:$0x4] =	wrdreg $0x9  }
0xc7: {  	_ =	task [dreg:s21], $0x5FFFF  }
0xc8: {  	[dreg:$0x1] =	wrdreg $0xFFFFFFFF  }
0xc9: {  	[dreg:$0x0] =	wrdreg $0x60  }
0xca: {  	[dreg:$0x2] =	wrdreg s2  }
0xcb: {  	[dreg:$0x3] =	wrdreg s3  }
0xcc: {  	[dreg:$0x4] =	wrdreg s4  }
0xcd: {  	[dreg:$0x5] =	wrdreg s5  }
0xce: {  	[dreg:$0x6] =	wrdreg s6  }
0xcf: {  	[dreg:$0x7] =	wrdreg s7  }
0xd0: {  	[dreg:$0x8] =	wrdreg s8  }
0xd1: {  	[dreg:$0x9] =	wrdreg s9  }
0xd2: {  	[dreg:$0xa] =	wrdreg s10  }
0xd3: {  	[dreg:$0xb] =	wrdreg s11  }
0xd4: {  	[dreg:$0xc] =	wrdreg s12  }
0xd5: {  	[dreg:$0xd] =	wrdreg s13  }
0xd6: {  	[dreg:$0xe] =	wrdreg s14  }
0xd7: {  	[dreg:$0xf] =	wrdreg s24  }
0xd8: {  	_ =	task.clear_ibuf [dreg:s21], $0x10FFFF;
	_ =	strace $0x90000046  }
0xd9: {  	s29 =	simm.s32 $0x9;
	_ =	strace $0x80000048  }
0xda: {  	_ =	swait.ge [sflag:s29], $0x1  }
0xdb: {  	[sflag:s29] =	ssyncadd.s32 $0xFFFFFFFF  }
0xdc: {  	_ =	strace $0x90000048  }
0xdd: {  	_ =	sfence  }
0xde: {  	s30 =	sld [smem:$0x0];
	_ =	sdelay $0x2  }
0xdf: {  	s31 =	sshll.u32 s1, $0xD;
	s1 =	sshrl.u32 s1, $0x2  }
0xe0: {  	s3 =	sand.u32 $0x4000, s31;
	s1 =	sadd.s32 s1, s30  }
0xe1: {  	s0 =	sor.u32 s3, s0;
	s1 =	sshll.u32 s1, $0x11  }
0xe2: {  	s0 =	sor.u32 s1, s0  }
0xe3: {  	s0 =	sadd.s32 $0x8F2B, s0  }
0xe4: {  	[sflag:s0] =	ssyncadd.remote.s32 $0x1  }
0xe5: {  	_ =	sfence.sel $0xFFFF  }
0xe6: {  	[dreg:$0x0] =	wrdreg $0xFFFFFFFF;
	(pc) =	sbr.abs _section_cstart, $3  }
0xe7: {  	[dreg:$0x1] =	wrdreg $0xFFFFFFFF  }
0xe8: {  	_ =	task.clear_ibuf [dreg:s21], $0x2FFFF;
	_ =	strace $0x9FFFFFFF  }
0xe9: {  	(tm) =	ssettm $0x7FFFFFFF  }
tec
_tile_task_arg_handler_lowered:
.L_overlay_start_1:
0x0: {  	(tag) =	ssettag $0x1  }
0x1: {  	s0 =	rddreg [dreg:$0x0]  }
0x2: {  	s1 =	rddreg [dreg:$0x1]  }
0x3: {  	s2 =	rddreg [dreg:$0x2]  }
0x4: {  	s3 =	rddreg [dreg:$0x3]  }
0x5: {  	s4 =	rddreg [dreg:$0x4]  }
0x6: {  	s5 =	rddreg [dreg:$0x5]  }
0x7: {  	s6 =	rddreg [dreg:$0x6]  }
0x8: {  	s7 =	rddreg [dreg:$0x7]  }
0x9: {  	s8 =	rddreg [dreg:$0x8]  }
0xa: {  	s9 =	rddreg [dreg:$0x9]  }
0xb: {  	s10 =	rddreg [dreg:$0xa]  }
0xc: {  	s11 =	rddreg [dreg:$0xb]  }
0xd: {  	s12 =	rddreg [dreg:$0xc]  }
0xe: {  	s13 =	rddreg [dreg:$0xd]  }
0xf: {  	[smem:s0] =	sst s1  }
0x10: {  	[smem:s0+$0x1] =	sst s2  }
0x11: {  	[smem:s0+$0x2] =	sst s3  }
0x12: {  	[smem:s0+$0x3] =	sst s4  }
0x13: {  	[smem:s0+$0x4] =	sst s5  }
0x14: {  	[smem:s0+$0x5] =	sst s6  }
0x15: {  	[smem:s0+$0x6] =	sst s7  }
0x16: {  	[smem:s0+$0x7] =	sst s8  }
0x17: {  	[smem:s0+$0x8] =	sst s9  }
0x18: {  	[smem:s0+$0x9] =	sst s10  }
0x19: {  	[smem:s0+$0xA] =	sst s11  }
0x1a: {  	[smem:s0+$0xB] =	sst s12  }
0x1b: {  	[smem:s0+$0xC] =	sst s13;
	_ =	shalt  }
.Lfunc_end2:
execute0_lowered:
.L_overlay_start_2:
0x1c: {  	(tag) =	ssettag $0x2  }
0x1d: {  	s0 =	rddreg [dreg:$0x4]  }
0x1e: {  	s1 =	rddreg [dreg:$0x5]  }
0x1f: {  	s2 =	rddreg [dreg:$0x6]  }
0x20: {  	s4 =	rddreg [dreg:$0x7]  }
0x21: {  	s5 =	rddreg [dreg:$0x8]  }
0x22: {  	s6 =	rddreg [dreg:$0x9]  }
0x23: {  	s7 =	rddreg [dreg:$0xa]  }
0x24: {  	s15 =	rddreg [dreg:$0xb];
	s25 =	simm.s32 $0x0  }
0x25: {  	s3 =	srdreg.scid;
	[smem:$0x7FF] =	sst s25  }
0x26: {  	s9 =	stileid.u32;
	s11 =	sand.u32 $0x1, s3;
	s14 =	sld [smem:$0x1]  }
0x27: {  	s10 =	rddreg [dreg:$0xd];
	s12 =	sshll.u32 s9, $0x6;
	s13 =	sshll.u32 s11, $0x5  }
0x28: {  	s8 =	sld [smem:$0x0];
	s12 =	sor.u32 s13, s12  }
0x29: {  	s13 =	sadd.s32 s0, s12;
	s29 =	sadd.s32 s1, s12;
	[smem:$0x7FD] =	sst s14  }
0x2a: {  	s30 =	sor.u32 $0x10, s12;
	_ =	strace $0x80000047;
	[dreg:$0xe] =	wrdreg s13  }
0x2b: {  	s0 =	sadd.s32 s0, s30;
	[dreg:$0xf] =	wrdreg s29  }
0x2c: {  	s1 =	sadd.s32 s1, s30;
	[dreg:$0x10] =	wrdreg s0  }
0x2d: {  	p0 =	por $0x0, $0x0;
	s3 =	sadd.s32 s2, s12;
	[dreg:$0x11] =	wrdreg s1  }
0x2e: {  	s31 =	simm.s32 $0xF;
	s9 =	sadd.s32 s4, s12;
	[dreg:$0x12] =	wrdreg s3  }
0x2f: {  	s26 =	sadd.s32 $0x1400, s10;
	s16 =	sadd.s32 s4, s30;
	[dreg:$0x13] =	wrdreg s9  }
0x30: {  	s23 =	ssub.s32 $0x2, s11;
	s17 =	sadd.s32 s5, s12;
	[dreg:$0x15] =	wrdreg s16  }
0x31: {  	s28 =	sshrl.u32 s23, $0x1;
	s18 =	sadd.s32 s6, s12;
	[dreg:$0x16] =	wrdreg s17  }
0x32: {  	s21 =	sadd.s32 s7, s12;
	s19 =	sadd.s32 s5, s30;
	[dreg:$0x17] =	wrdreg s18  }
0x33: {  	s22 =	sadd.s32 s15, s12;
	s20 =	sadd.s32 s6, s30;
	[dreg:$0x18] =	wrdreg s19  }
0x34: {  	s24 =	sadd.s32 s7, s30;
	s7 =	simm.s32 $0x80;
	[dreg:$0x19] =	wrdreg s20  }
0x35: {  	s13 =	sadd.s32 s2, s30;
	[dreg:$0x1a] =	wrdreg s21;
	s1 =	ssub.s32 s23, s28  }
0x36: {  	[dreg:$0x1b] =	wrdreg s22;
	s29 =	sadd.s32 s15, s30;
	s30 =	smax.u32 s1, $0x1  }
0x37: {  	s6 =	simm.s32 $0x5;
	[dreg:$0x1c] =	wrdreg s24;
	p1 =	sne.s32 s30, $0x1  }
.Ltmp0:
0x38: {  	s19 =	sadd.s32 $0x41400, s10;
	s2 =	simm.s32 $0x1;
	(pc) =	sbr.rel @!p1 .LBB3_1-.Ltmp0, $4  }
0x39: {  	s15 =	simm.s32 $0x4800;
	s22 =	simm.s32 $0x2;
	s21 =	simm.s32 $0x3  }
0x3a: {  	s3 =	simm.s32 $0x4;
	s20 =	simm.s32 $0x9;
	[dreg:$0x14] =	wrdreg s13  }
0x3b: {  	s0 =	simm.s32 $0xA;
	s16 =	simm.s32 $0xB;
	[dreg:$0x1d] =	wrdreg s29  }
0x3c: {  	s1 =	simm.s32 $0x8;
	s5 =	rddreg [dreg:$0xe];
	s4 =	sadd.s32 $0xFFFFFFFF, s30  }
0x3d: {  	[smem:$0x7FC] =	sst s4  }
0x3e: {  	s17 =	rddreg [dreg:$0xf]  }
0x3f: {  	[tilespmem:s25], [sflag:$0x1] =	stream.linear.gather [hbm4b:s5+s25], $0x80, $0x38;
	[tilespmem:$0x1C800] =	vst v63  }
0x40: {  	s18 =	rddreg [dreg:$0x10];
	s0 =	simm.s32 $0x400  }
0x41: {  	[tilespmem:s0], [sflag:$0x1] =	stream.linear.gather [hbm4b:s17+s25], $0x80, $0x38;
	[tilespmem:$0x1C800] =	vst v63  }
0x42: {  	s20 =	rddreg [dreg:$0x11]  }
0x43: {  	[tilespmem:s7], [sflag:$0x1] =	stream.linear.gather [hbm4b:s18+s25], $0x80, $0x38;
	[tilespmem:$0x1C800] =	vst v63  }
0x44: {  	s21 =	rddreg [dreg:$0x12];
	s22 =	simm.s32 $0x480  }
0x45: {  	[tilespmem:s22], [sflag:$0x1] =	stream.linear.gather [hbm4b:s20+s25], $0x80, $0x38;
	[tilespmem:$0x1C800] =	vst v63  }
0x46: {  	s23 =	rddreg [dreg:$0x13];
	s1 =	simm.s32 $0x100  }
0x47: {  	[tilespmem:s1], [sflag:$0x1] =	stream.linear.gather [hbm4b:s21+s25], $0x80, $0x38;
	[tilespmem:$0x1C800] =	vst v63  }
0x48: {  	s24 =	rddreg [dreg:$0x14];
	s28 =	simm.s32 $0x500  }
0x49: {  	[tilespmem:s28], [sflag:$0x1] =	stream.linear.gather [hbm4b:s23+s25], $0x80, $0x38;
	[tilespmem:$0x1C800] =	vst v63  }
0x4a: {  	s29 =	rddreg [dreg:$0x15];
	s16 =	simm.s32 $0x180  }
0x4b: {  	[tilespmem:s16], [sflag:$0x1] =	stream.linear.gather [hbm4b:s24+s25], $0x80, $0x38;
	[tilespmem:$0x1C800] =	vst v63  }
0x4c: {  	s30 =	rddreg [dreg:$0x16];
	s3 =	simm.s32 $0x580  }
0x4d: {  	[tilespmem:s3], [sflag:$0x1] =	stream.linear.gather [hbm4b:s29+s25], $0x80, $0x38;
	[tilespmem:$0x1C800] =	vst v63  }
0x4e: {  	s6 =	rddreg [dreg:$0x17];
	s9 =	simm.s32 $0x200  }
0x4f: {  	[tilespmem:s9], [sflag:$0x1] =	stream.linear.gather [hbm4b:s30+s25], $0x80, $0x38;
	[tilespmem:$0x1C800] =	vst v63  }
0x50: {  	s10 =	rddreg [dreg:$0x18];
	s11 =	simm.s32 $0x600  }
0x51: {  	[tilespmem:s11], [sflag:$0x1] =	stream.linear.gather [hbm4b:s6+s25], $0x80, $0x38;
	[tilespmem:$0x1C800] =	vst v63  }
0x52: {  	s12 =	rddreg [dreg:$0x19];
	s13 =	simm.s32 $0x280  }
0x53: {  	[tilespmem:s13], [sflag:$0x1] =	stream.linear.gather [hbm4b:s10+s25], $0x80, $0x38;
	[tilespmem:$0x1C800] =	vst v63  }
0x54: {  	[dreg:$0x1e] =	wrdreg s19;
	s18 =	simm.s32 $0x680  }
0x55: {  	[tilespmem:s18], [sflag:$0x1] =	stream.linear.gather [hbm4b:s12+s25], $0x80, $0x38;
	[tilespmem:$0x1C800] =	vst v63  }
0x56: {  	s17 =	rddreg [dreg:$0x1a];
	s6 =	simm.s32 $0x300  }
0x57: {  	[tilespmem:s6], [sflag:$0x1] =	stream.linear.gather [hbm4b:s17+s25], $0x80, $0x38;
	[tilespmem:$0x1C800] =	vst v63  }
0x58: {  	s20 =	rddreg [dreg:$0x1b];
	s23 =	simm.s32 $0x700  }
0x59: {  	[tilespmem:s23], [sflag:$0x1] =	stream.linear.gather [hbm4b:s20+s25], $0x80, $0x38;
	[tilespmem:$0x1C800] =	vst v63  }
0x5a: {  	s21 =	rddreg [dreg:$0x1c];
	s3 =	simm.s32 $0x380  }
0x5b: {  	[tilespmem:s3], [sflag:$0x1] =	stream.linear.gather [hbm4b:s21+s25], $0x80, $0x38;
	[tilespmem:$0x1C800] =	vst v63  }
0x5c: {  	s28 =	rddreg [dreg:$0x1d];
	s29 =	simm.s32 $0x780  }
0x5d: {  	[tilespmem:s29], [sflag:$0x1] =	stream.linear.gather [hbm4b:s28+s25], $0x80, $0x38;
	[tilespmem:$0x1C800] =	vst v63  }
0x5e: {  	_ =	swait.ge [sflag:s2], $0x80  }
0x5f: {  	[sflag:s2] =	ssyncset.done $0x0  }
0x60: {  	[sflag:s2] =	ssyncadd.s32 $0xFFFFFF80  }
0x61: {  	_ =	swait.ge [sflag:s2], $0x80  }
0x62: {  	[sflag:s2] =	ssyncset.done $0x0  }
0x63: {  	[sflag:s2] =	ssyncadd.s32 $0xFFFFFF80  }
0x64: {  	_ =	swait.ge [sflag:s2], $0x80  }
0x65: {  	[sflag:s2] =	ssyncset.done $0x0  }
0x66: {  	[sflag:s2] =	ssyncadd.s32 $0xFFFFFF80  }
0x67: {  	_ =	swait.ge [sflag:s2], $0x80  }
0x68: {  	[sflag:s2] =	ssyncset.done $0x0  }
0x69: {  	[sflag:s2] =	ssyncadd.s32 $0xFFFFFF80  }
0x6a: {  	_ =	swait.ge [sflag:s2], $0x80  }
0x6b: {  	[sflag:s2] =	ssyncset.done $0x0  }
0x6c: {  	[sflag:s2] =	ssyncadd.s32 $0xFFFFFF80  }
0x6d: {  	_ =	swait.ge [sflag:s2], $0x80  }
0x6e: {  	[sflag:s2] =	ssyncset.done $0x0  }
0x6f: {  	[sflag:s2] =	ssyncadd.s32 $0xFFFFFF80  }
0x70: {  	_ =	swait.ge [sflag:s2], $0x80  }
0x71: {  	[sflag:s2] =	ssyncset.done $0x0  }
0x72: {  	[sflag:s2] =	ssyncadd.s32 $0xFFFFFF80  }
0x73: {  	_ =	swait.ge [sflag:s2], $0x80  }
0x74: {  	[sflag:s2] =	ssyncset.done $0x0  }
0x75: {  	[sflag:s2] =	ssyncadd.s32 $0xFFFFFF80  }
0x76: {  	_ =	swait.ge [sflag:s2], $0x80  }
0x77: {  	[sflag:s2] =	ssyncset.done $0x0  }
0x78: {  	[sflag:s2] =	ssyncadd.s32 $0xFFFFFF80  }
0x79: {  	_ =	swait.ge [sflag:s2], $0x80  }
0x7a: {  	[sflag:s2] =	ssyncset.done $0x0  }
0x7b: {  	[sflag:s2] =	ssyncadd.s32 $0xFFFFFF80  }
0x7c: {  	_ =	swait.ge [sflag:s2], $0x80  }
0x7d: {  	[sflag:s2] =	ssyncset.done $0x0  }
0x7e: {  	[sflag:s2] =	ssyncadd.s32 $0xFFFFFF80  }
0x7f: {  	_ =	swait.ge [sflag:s2], $0x80  }
0x80: {  	[sflag:s2] =	ssyncset.done $0x0  }
0x81: {  	[sflag:s2] =	ssyncadd.s32 $0xFFFFFF80  }
0x82: {  	_ =	swait.ge [sflag:s2], $0x80  }
0x83: {  	[sflag:s2] =	ssyncset.done $0x0  }
0x84: {  	[sflag:s2] =	ssyncadd.s32 $0xFFFFFF80  }
0x85: {  	_ =	swait.ge [sflag:s2], $0x80  }
0x86: {  	[sflag:s2] =	ssyncset.done $0x0  }
0x87: {  	[sflag:s2] =	ssyncadd.s32 $0xFFFFFF80  }
0x88: {  	_ =	swait.ge [sflag:s2], $0x80  }
0x89: {  	[sflag:s2] =	ssyncset.done $0x0  }
0x8a: {  	[sflag:s2] =	ssyncadd.s32 $0xFFFFFF80  }
0x8b: {  	_ =	swait.ge [sflag:s2], $0x80  }
0x8c: {  	[sflag:s2] =	ssyncset.done $0x0  }
0x8d: {  	[sflag:s2] =	ssyncadd.s32 $0xFFFFFF80  }
0x8e: {  	s21 =	simm.s32 $0x800;
	s9 =	rddreg [dreg:$0x0]  }
0x8f: {  	[tilespmem:s21], [sflag:$0x2] =	stream.indirect.gather [hbm4b:s9+s7], $0x80, s25, s7, $0xb8;
	[tilespmem:$0x1C800] =	vst v63  }
0x90: {  	_ = 	snop  }
0x91: {  	[tilespmem:s15], [sflag:$0x3] =	stream.indirect.gather [hbm4b:s9+s7], $0x80, s7, s7, $0xb8;
	[tilespmem:$0x1C800] =	vst v63  }
0x92: {  	s19 =	simm.s32 $0x8800;
	s23 =	rddreg [dreg:$0x2]  }
0x93: {  	[tilespmem:s19], [sflag:$0x4] =	stream.indirect.gather [hbm4b:s23+s7], $0x80, s1, s7, $0xb8;
	[tilespmem:$0x1C800] =	vst v63  }
0x94: {  	s17 =	simm.s32 $0xC800  }
0x95: {  	[tilespmem:s17], [sflag:$0x5] =	stream.indirect.gather [hbm4b:s23+s7], $0x80, s16, s7, $0xb8;
	[tilespmem:$0x1C800] =	vst v63  }
0x96: {  	s24 =	simm.s32 $0x2;
	s3 =	simm.s32 $0x10800;
	s5 =	rddreg [dreg:$0x1]  }
0x97: {  	[tilespmem:s3], [sflag:$0x6] =	stream.indirect.gather [hbm4b:s5+s7], $0x80, s25, s7, $0xb8;
	[tilespmem:$0x1C800] =	vst v63  }
0x98: {  	_ =	swait.ge [sflag:s24], $0x4000  }
0x99: {  	[sflag:s24] =	ssyncset.done $0x0  }
0x9a: {  	[sflag:s24] =	ssyncadd.s32 $0xFFFFC000  }
0x9b: {  	s0 =	simm.s32 $0x400;
	s29 =	rddreg [dreg:$0xc]  }
0x9c: {  	[hbm4b:s29+s7] =	stream.indirect.scatter [tilespmem:s21], [sflag:$0x9], $0x80, s0, s7, $0xb8;
	[tilespmem:$0x1C800] =	vst v63  }
0x9d: {  	s4 =	simm.s32 $0x14800;
	s10 =	simm.s32 $0x3  }
0x9e: {  	[tilespmem:s4], [sflag:$0x7] =	stream.indirect.gather [hbm4b:s5+s7], $0x80, s7, s7, $0xb8;
	[tilespmem:$0x1C800] =	vst v63  }
0x9f: {  	_ =	swait.ge [sflag:s10], $0x4000  }
0xa0: {  	[sflag:s10] =	ssyncset.done $0x0  }
0xa1: {  	s28 =	simm.s32 $0x480;
	s15 =	simm.s32 $0x4800;
	[sflag:s10] =	ssyncadd.s32 $0xFFFFC000  }
0xa2: {  	[hbm4b:s29+s7] =	stream.indirect.scatter [tilespmem:s15], [sflag:$0xA], $0x80, s28, s7, $0xb8;
	[tilespmem:$0x1C800] =	vst v63  }
0xa3: {  	s22 =	simm.s32 $0x4;
	s30 =	simm.s32 $0x18800;
	s20 =	rddreg [dreg:$0x3]  }
0xa4: {  	[tilespmem:s30], [sflag:$0x8] =	stream.indirect.gather [hbm4b:s20+s7], $0x80, s1, s7, $0xb8;
	[tilespmem:$0x1C800] =	vst v63  }
0xa5: {  	_ =	swait.ge [sflag:s22], $0x4000  }
0xa6: {  	[sflag:s22] =	ssyncset.done $0x0  }
0xa7: {  	s12 =	simm.s32 $0x9;
	s17 =	simm.s32 $0x500;
	[sflag:s22] =	ssyncadd.s32 $0xFFFFC000  }
0xa8: {  	[hbm4b:s29+s7] =	stream.indirect.scatter [tilespmem:s19], [sflag:$0xB], $0x80, s17, s7, $0xb8;
	[tilespmem:$0x1C800] =	vst v63  }
0xa9: {  	_ =	swait.ge [sflag:s12], $0x4000  }
0xaa: {  	[sflag:s12] =	ssyncset.done $0x0  }
0xab: {  	s6 =	simm.s32 $0x5;
	[sflag:s12] =	ssyncadd.s32 $0xFFFFC000  }
0xac: {  	[tilespmem:s21], [sflag:$0x2] =	stream.indirect.gather [hbm4b:s20+s7], $0x80, s16, s7, $0xb8;
	[tilespmem:$0x1C800] =	vst v63  }
0xad: {  	_ =	swait.ge [sflag:s6], $0x4000  }
0xae: {  	s11 =	simm.s32 $0xA;
	[sflag:s6] =	ssyncset.done $0x0  }
0xaf: {  	s18 =	simm.s32 $0xC800;
	s4 =	simm.s32 $0x580;
	[sflag:s6] =	ssyncadd.s32 $0xFFFFC000  }
0xb0: {  	[hbm4b:s29+s7] =	stream.indirect.scatter [tilespmem:s18], [sflag:$0xC], $0x80, s4, s7, $0xb8;
	[tilespmem:$0x1C800] =	vst v63  }
0xb1: {  	_ =	swait.ge [sflag:s11], $0x4000  }
0xb2: {  	[sflag:s11] =	ssyncset.done $0x0  }
0xb3: {  	s14 =	simm.s32 $0x6;
	s16 =	simm.s32 $0x200;
	[sflag:s11] =	ssyncadd.s32 $0xFFFFC000  }
0xb4: {  	[tilespmem:s15], [sflag:$0x3] =	stream.indirect.gather [hbm4b:s9+s7], $0x80, s16, s7, $0xb8;
	[tilespmem:$0x1C800] =	vst v63  }
0xb5: {  	_ =	swait.ge [sflag:s14], $0x4000  }
0xb6: {  	[sflag:s14] =	ssyncset.done $0x0  }
0xb7: {  	s3 =	simm.s32 $0x10800;
	s15 =	simm.s32 $0xB;
	[sflag:s14] =	ssyncadd.s32 $0xFFFFC000  }
0xb8: {  	[hbm4b:s26+s7] =	stream.indirect.scatter [tilespmem:s3], [sflag:$0xD], $0x80, s0, s7, $0xb8;
	[tilespmem:$0x1C800] =	vst v63  }
0xb9: {  	s29 =	simm.s32 $0xB;
	_ =	swait.ge [sflag:s15], $0x4000  }
0xba: {  	s1 =	simm.s32 $0xB;
	[sflag:s29] =	ssyncset.done $0x0  }
0xbb: {  	s6 =	simm.s32 $0x7;
	s29 =	simm.s32 $0x280;
	[sflag:s1] =	ssyncadd.s32 $0xFFFFC000  }
0xbc: {  	[tilespmem:s19], [sflag:$0x4] =	stream.indirect.gather [hbm4b:s9+s7], $0x80, s29, s7, $0xb8;
	[tilespmem:$0x1C800] =	vst v63  }
0xbd: {  	s13 =	smov.u32 s8;
	s8 =	simm.s32 $0x7;
	_ =	swait.ge [sflag:s6], $0x4000  }
0xbe: {  	s15 =	simm.s32 $0x7;
	[sflag:s8] =	ssyncset.done $0x0  }
0xbf: {  	s8 =	simm.s32 $0x14800;
	[sflag:s15] =	ssyncadd.s32 $0xFFFFC000;
	s15 =	simm.s32 $0xC  }
0xc0: {  	[hbm4b:s26+s7] =	stream.indirect.scatter [tilespmem:s8], [sflag:$0xE], $0x80, s28, s7, $0xb8;
	[tilespmem:$0x1C800] =	vst v63  }
0xc1: {  	_ =	swait.ge [sflag:s15], $0x4000  }
0xc2: {  	s18 =	simm.s32 $0xC800;
	[sflag:s15] =	ssyncset.done $0x0  }
0xc3: {  	s1 =	simm.s32 $0x8;
	s28 =	simm.s32 $0x300;
	[sflag:s15] =	ssyncadd.s32 $0xFFFFC000  }
0xc4: {  	[tilespmem:s18], [sflag:$0x5] =	stream.indirect.gather [hbm4b:s23+s7], $0x80, s28, s7, $0xb8;
	[tilespmem:$0x1C800] =	vst v63  }
0xc5: {  	_ =	swait.ge [sflag:s1], $0x4000  }
0xc6: {  	[sflag:s1] =	ssyncset.done $0x0  }
0xc7: {  	s0 =	simm.s32 $0x18800;
	[sflag:s1] =	ssyncadd.s32 $0xFFFFC000  }
0xc8: {  	[hbm4b:s26+s7] =	stream.indirect.scatter [tilespmem:s0], [sflag:$0xF], $0x80, s17, s7, $0xb8;
	[tilespmem:$0x1C800] =	vst v63  }
0xc9: {  	s17 =	simm.s32 $0xD  }
0xca: {  	_ =	swait.ge [sflag:s17], $0x4000  }
0xcb: {  	[sflag:s17] =	ssyncset.done $0x0  }
0xcc: {  	[sflag:s17] =	ssyncadd.s32 $0xFFFFC000;
	s17 =	simm.s32 $0x380  }
0xcd: {  	[tilespmem:s3], [sflag:$0x6] =	stream.indirect.gather [hbm4b:s23+s7], $0x80, s17, s7, $0xb8;
	[tilespmem:$0x1C800] =	vst v63  }
0xce: {  	_ =	swait.ge [sflag:s24], $0x4000  }
0xcf: {  	[sflag:s24] =	ssyncset.done $0x0  }
0xd0: {  	s14 =	simm.s32 $0xE;
	[dreg:$0x1f] =	wrdreg s26;
	[sflag:s24] =	ssyncadd.s32 $0xFFFFC000  }
0xd1: {  	[hbm4b:s26+s7] =	stream.indirect.scatter [tilespmem:s21], [sflag:$0x9], $0x80, s4, s7, $0xb8;
	[tilespmem:$0x1C800] =	vst v63  }
0xd2: {  	_ =	swait.ge [sflag:s14], $0x4000  }
0xd3: {  	[sflag:s14] =	ssyncset.done $0x0  }
0xd4: {  	[sflag:s14] =	ssyncadd.s32 $0xFFFFC000  }
0xd5: {  	[tilespmem:s8], [sflag:$0x7] =	stream.indirect.gather [hbm4b:s5+s7], $0x80, s16, s7, $0xb8;
	[tilespmem:$0x1C800] =	vst v63  }
0xd6: {  	_ =	swait.ge [sflag:s10], $0x4000  }
0xd7: {  	[sflag:s10] =	ssyncset.done $0x0  }
0xd8: {  	s18 =	simm.s32 $0x600;
	s23 =	simm.s32 $0x4800;
	[sflag:s10] =	ssyncadd.s32 $0xFFFFC000  }
0xd9: {  	[hbm4b:s13+s7] =	stream.indirect.scatter [tilespmem:s23], [sflag:$0xA], $0x80, s18, s7, $0xb8;
	[tilespmem:$0x1C800] =	vst v63  }
0xda: {  	_ =	swait.ge [sflag:s31], $0x4000  }
0xdb: {  	[sflag:s31] =	ssyncset.done $0x0  }
0xdc: {  	[sflag:s31] =	ssyncadd.s32 $0xFFFFC000  }
0xdd: {  	[tilespmem:s0], [sflag:$0x8] =	stream.indirect.gather [hbm4b:s5+s7], $0x80, s29, s7, $0xb8;
	[tilespmem:$0x1C800] =	vst v63  }
0xde: {  	_ =	swait.ge [sflag:s22], $0x4000  }
0xdf: {  	[sflag:s22] =	ssyncset.done $0x0  }
0xe0: {  	s8 =	simm.s32 $0x680;
	[sflag:s22] =	ssyncadd.s32 $0xFFFFC000  }
0xe1: {  	[hbm4b:s13+s7] =	stream.indirect.scatter [tilespmem:s19], [sflag:$0xB], $0x80, s8, s7, $0xb8;
	[tilespmem:$0x1C800] =	vst v63  }
0xe2: {  	_ =	swait.ge [sflag:s12], $0x4000  }
0xe3: {  	[sflag:s12] =	ssyncset.done $0x0  }
0xe4: {  	s30 =	simm.s32 $0x5;
	[sflag:s12] =	ssyncadd.s32 $0xFFFFC000  }
0xe5: {  	[tilespmem:s21], [sflag:$0x2] =	stream.indirect.gather [hbm4b:s20+s7], $0x80, s28, s7, $0xb8;
	[tilespmem:$0x1C800] =	vst v63  }
0xe6: {  	_ =	swait.ge [sflag:s30], $0x4000  }
0xe7: {  	[sflag:s30] =	ssyncset.done $0x0  }
0xe8: {  	s26 =	simm.s32 $0xC800;
	s22 =	simm.s32 $0x700;
	[sflag:s30] =	ssyncadd.s32 $0xFFFFC000  }
0xe9: {  	[hbm4b:s13+s7] =	stream.indirect.scatter [tilespmem:s26], [sflag:$0xC], $0x80, s22, s7, $0xb8;
	[tilespmem:$0x1C800] =	vst v63  }
0xea: {  	_ =	swait.ge [sflag:s11], $0x4000  }
0xeb: {  	[sflag:s11] =	ssyncset.done $0x0  }
0xec: {  	s9 =	simm.s32 $0x6;
	[sflag:s11] =	ssyncadd.s32 $0xFFFFC000  }
0xed: {  	[tilespmem:s23], [sflag:$0x3] =	stream.indirect.gather [hbm4b:s20+s7], $0x80, s17, s7, $0xb8;
	[tilespmem:$0x1C800] =	vst v63  }
0xee: {  	s19 =	rddreg [dreg:$0x1e];
	_ =	swait.ge [sflag:s9], $0x4000  }
0xef: {  	s6 =	simm.s32 $0x7;
	[sflag:s9] =	ssyncset.done $0x0  }
0xf0: {  	s3 =	simm.s32 $0x10800;
	s28 =	simm.s32 $0x780;
	[sflag:s9] =	ssyncadd.s32 $0xFFFFC000  }
0xf1: {  	[hbm4b:s13+s7] =	stream.indirect.scatter [tilespmem:s3], [sflag:$0xD], $0x80, s28, s7, $0xb8;
	[tilespmem:$0x1C800] =	vst v63  }
0xf2: {  	_ =	swait.ge [sflag:s6], $0x4000  }
0xf3: {  	[sflag:s6] =	ssyncset.done $0x0  }
0xf4: {  	s16 =	simm.s32 $0x14800;
	[sflag:s6] =	ssyncadd.s32 $0xFFFFC000  }
0xf5: {  	[hbm4b:s19+s7] =	stream.indirect.scatter [tilespmem:s16], [sflag:$0xE], $0x80, s18, s7, $0xb8;
	[tilespmem:$0x1C800] =	vst v63  }
0xf6: {  	_ =	swait.ge [sflag:s1], $0x4000  }
0xf7: {  	[sflag:s1] =	ssyncset.done $0x0  }
0xf8: {  	s5 =	simm.s32 $0x18800;
	[sflag:s1] =	ssyncadd.s32 $0xFFFFC000  }
0xf9: {  	[hbm4b:s19+s7] =	stream.indirect.scatter [tilespmem:s5], [sflag:$0xF], $0x80, s8, s7, $0xb8;
	[tilespmem:$0x1C800] =	vst v63  }
0xfa: {  	_ =	swait.ge [sflag:s24], $0x4000  }
0xfb: {  	[sflag:s24] =	ssyncset.done $0x0  }
0xfc: {  	[sflag:s24] =	ssyncadd.s32 $0xFFFFC000  }
0xfd: {  	[hbm4b:s19+s7] =	stream.indirect.scatter [tilespmem:s21], [sflag:$0x9], $0x80, s22, s7, $0xb8;
	[tilespmem:$0x1C800] =	vst v63  }
0xfe: {  	_ =	swait.ge [sflag:s10], $0x4000  }
0xff: {  	[sflag:s10] =	ssyncset.done $0x0  }
0x100: {  	[sflag:s10] =	ssyncadd.s32 $0xFFFFC000  }
0x101: {  	[hbm4b:s19+s7] =	stream.indirect.scatter [tilespmem:s23], [sflag:$0xA], $0x80, s28, s7, $0xb8;
	[tilespmem:$0x1C800] =	vst v63  }
0x102: {  	_ =	swait.ge [sflag:s12], $0x4000  }
0x103: {  	[sflag:s12] =	ssyncset.done $0x0  }
0x104: {  	[sflag:s12] =	ssyncadd.s32 $0xFFFFC000  }
0x105: {  	_ =	swait.ge [sflag:s11], $0x4000  }
0x106: {  	[sflag:s11] =	ssyncset.done $0x0  }
0x107: {  	s16 =	simm.s32 $0xB;
	[sflag:s11] =	ssyncadd.s32 $0xFFFFC000  }
0x108: {  	_ =	swait.ge [sflag:s16], $0x4000  }
0x109: {  	[sflag:s16] =	ssyncset.done $0x0  }
0x10a: {  	[sflag:s16] =	ssyncadd.s32 $0xFFFFC000  }
0x10b: {  	_ =	swait.ge [sflag:s15], $0x4000  }
0x10c: {  	[sflag:s15] =	ssyncset.done $0x0  }
0x10d: {  	s29 =	simm.s32 $0xD;
	[sflag:s15] =	ssyncadd.s32 $0xFFFFC000  }
0x10e: {  	_ =	swait.ge [sflag:s29], $0x4000  }
0x10f: {  	[sflag:s29] =	ssyncset.done $0x0  }
0x110: {  	[sflag:s29] =	ssyncadd.s32 $0xFFFFC000  }
0x111: {  	_ =	swait.ge [sflag:s14], $0x4000  }
0x112: {  	s30 =	sld [smem:$0x7FC];
	_ =	sdelay $0x2  }
0x113: {  	p1 =	sne.s32 s30, $0x1  }
.Ltmp1:
0x114: {  	_ = 	snop;
	(pc) =	sbr.rel @!p1 .LBB3_7-.Ltmp1, $4  }
0x115: {  	[sflag:s14] =	ssyncset.done $0x0  }
0x116: {  	p0 =	por $0x1, $0x1;
	[sflag:s14] =	ssyncadd.s32 $0xFFFFC000  }
0x117: {  	s17 =	simm.s32 $0x800;
	s15 =	simm.s32 $0xD;
	_ =	swait.ge [sflag:s31], $0x4000  }
0x118: {  	s0 =	sadd.s32 $0xFFFFFFFF, s30;
	s5 =	rddreg [dreg:$0xe];
	[sflag:s31] =	ssyncset.done $0x0  }
0x119: {  	s24 =	simm.s32 $0x2;
	s12 =	simm.s32 $0x9  }
0x11a: {  	s4 =	simm.s32 $0xC;
	s20 =	simm.s32 $0x580;
	s30 =	simm.s32 $0x200  }
.LBB3_4:
0x11b: {  	[sflag:s31] =	ssyncadd.s32 $0xFFFFC000;
	s8 =	rddreg [dreg:$0xf]  }
0x11c: {  	[tilespmem:s25], [sflag:$0x1] =	stream.linear.gather [hbm4b:s5+s25], $0x80, $0x38;
	[tilespmem:$0x1C800] =	vst v63  }
0x11d: {  	s16 =	rddreg [dreg:$0x10];
	s14 =	simm.s32 $0x400  }
0x11e: {  	[tilespmem:s14], [sflag:$0x1] =	stream.linear.gather [hbm4b:s8+s25], $0x80, $0x38;
	[tilespmem:$0x1C800] =	vst v63  }
0x11f: {  	s18 =	rddreg [dreg:$0x11]  }
0x120: {  	[tilespmem:s7], [sflag:$0x1] =	stream.linear.gather [hbm4b:s16+s25], $0x80, $0x38;
	[tilespmem:$0x1C800] =	vst v63  }
0x121: {  	s19 =	rddreg [dreg:$0x12];
	s16 =	simm.s32 $0x480  }
0x122: {  	[tilespmem:s16], [sflag:$0x1] =	stream.linear.gather [hbm4b:s18+s25], $0x80, $0x38;
	[tilespmem:$0x1C800] =	vst v63  }
0x123: {  	s22 =	rddreg [dreg:$0x13];
	s21 =	simm.s32 $0x100  }
0x124: {  	[tilespmem:s21], [sflag:$0x1] =	stream.linear.gather [hbm4b:s19+s25], $0x80, $0x38;
	[tilespmem:$0x1C800] =	vst v63  }
0x125: {  	p1 =	sne.s32 s0, $0x1;
	s26 =	rddreg [dreg:$0x14];
	s29 =	simm.s32 $0x500  }
0x126: {  	[tilespmem:s29], [sflag:$0x1] =	stream.linear.gather [hbm4b:s22+s25], $0x80, $0x38;
	[tilespmem:$0x1C800] =	vst v63  }
0x127: {  	s15 =	sadd.s32 $0xFFFFFFFF, s0;
	s0 =	rddreg [dreg:$0x15];
	s28 =	simm.s32 $0x180  }
0x128: {  	[tilespmem:s28], [sflag:$0x1] =	stream.linear.gather [hbm4b:s26+s25], $0x80, $0x38;
	[tilespmem:$0x1C800] =	vst v63  }
0x129: {  	s1 =	rddreg [dreg:$0x16];
	s9 =	simm.s32 $0x580  }
0x12a: {  	[tilespmem:s9], [sflag:$0x1] =	stream.linear.gather [hbm4b:s0+s25], $0x80, $0x38;
	[tilespmem:$0x1C800] =	vst v63  }
0x12b: {  	s10 =	rddreg [dreg:$0x17];
	s11 =	simm.s32 $0x200  }
0x12c: {  	[tilespmem:s11], [sflag:$0x1] =	stream.linear.gather [hbm4b:s1+s25], $0x80, $0x38;
	[tilespmem:$0x1C800] =	vst v63  }
0x12d: {  	[smem:$0x7FB] =	sst s15;
	s18 =	simm.s32 $0x600  }
0x12e: {  	[tilespmem:s18], [sflag:$0x1] =	stream.linear.gather [hbm4b:s10+s25], $0x80, $0x38;
	[tilespmem:$0x1C800] =	vst v63  }
0x12f: {  	s15 =	rddreg [dreg:$0x18];
	s22 =	simm.s32 $0x280  }
0x130: {  	[tilespmem:s22], [sflag:$0x1] =	stream.linear.gather [hbm4b:s15+s25], $0x80, $0x38;
	[tilespmem:$0x1C800] =	vst v63  }
0x131: {  	s19 =	rddreg [dreg:$0x19];
	s29 =	simm.s32 $0x680  }
0x132: {  	[tilespmem:s29], [sflag:$0x1] =	stream.linear.gather [hbm4b:s19+s25], $0x80, $0x38;
	[tilespmem:$0x1C800] =	vst v63  }
0x133: {  	s26 =	rddreg [dreg:$0x1a];
	s9 =	simm.s32 $0x300  }
0x134: {  	[tilespmem:s9], [sflag:$0x1] =	stream.linear.gather [hbm4b:s26+s25], $0x80, $0x38;
	[tilespmem:$0x1C800] =	vst v63  }
0x135: {  	s1 =	rddreg [dreg:$0x1b];
	s11 =	simm.s32 $0x700  }
0x136: {  	[tilespmem:s11], [sflag:$0x1] =	stream.linear.gather [hbm4b:s1+s25], $0x80, $0x38;
	[tilespmem:$0x1C800] =	vst v63  }
0x137: {  	s10 =	rddreg [dreg:$0x1c];
	s18 =	simm.s32 $0x380  }
0x138: {  	[tilespmem:s18], [sflag:$0x1] =	stream.linear.gather [hbm4b:s10+s25], $0x80, $0x38;
	[tilespmem:$0x1C800] =	vst v63  }
0x139: {  	s15 =	rddreg [dreg:$0x1d];
	s19 =	simm.s32 $0x780  }
0x13a: {  	[tilespmem:s19], [sflag:$0x1] =	stream.linear.gather [hbm4b:s15+s25], $0x80, $0x38;
	[tilespmem:$0x1C800] =	vst v63  }
0x13b: {  	_ =	swait.ge [sflag:s2], $0x80  }
0x13c: {  	[sflag:s2] =	ssyncset.done $0x0  }
0x13d: {  	[sflag:s2] =	ssyncadd.s32 $0xFFFFFF80  }
0x13e: {  	_ =	swait.ge [sflag:s2], $0x80  }
0x13f: {  	[sflag:s2] =	ssyncset.done $0x0  }
0x140: {  	[sflag:s2] =	ssyncadd.s32 $0xFFFFFF80  }
0x141: {  	_ =	swait.ge [sflag:s2], $0x80  }
0x142: {  	[sflag:s2] =	ssyncset.done $0x0  }
0x143: {  	[sflag:s2] =	ssyncadd.s32 $0xFFFFFF80  }
0x144: {  	_ =	swait.ge [sflag:s2], $0x80  }
0x145: {  	[sflag:s2] =	ssyncset.done $0x0  }
0x146: {  	[sflag:s2] =	ssyncadd.s32 $0xFFFFFF80  }
0x147: {  	_ =	swait.ge [sflag:s2], $0x80  }
0x148: {  	[sflag:s2] =	ssyncset.done $0x0  }
0x149: {  	[sflag:s2] =	ssyncadd.s32 $0xFFFFFF80  }
0x14a: {  	_ =	swait.ge [sflag:s2], $0x80  }
0x14b: {  	[sflag:s2] =	ssyncset.done $0x0  }
0x14c: {  	[sflag:s2] =	ssyncadd.s32 $0xFFFFFF80  }
0x14d: {  	_ =	swait.ge [sflag:s2], $0x80  }
0x14e: {  	[sflag:s2] =	ssyncset.done $0x0  }
0x14f: {  	[sflag:s2] =	ssyncadd.s32 $0xFFFFFF80  }
0x150: {  	_ =	swait.ge [sflag:s2], $0x80  }
0x151: {  	[sflag:s2] =	ssyncset.done $0x0  }
0x152: {  	[sflag:s2] =	ssyncadd.s32 $0xFFFFFF80  }
0x153: {  	_ =	swait.ge [sflag:s2], $0x80  }
0x154: {  	[sflag:s2] =	ssyncset.done $0x0  }
0x155: {  	[sflag:s2] =	ssyncadd.s32 $0xFFFFFF80  }
0x156: {  	_ =	swait.ge [sflag:s2], $0x80  }
0x157: {  	[sflag:s2] =	ssyncset.done $0x0  }
0x158: {  	[sflag:s2] =	ssyncadd.s32 $0xFFFFFF80  }
0x159: {  	_ =	swait.ge [sflag:s2], $0x80  }
0x15a: {  	[sflag:s2] =	ssyncset.done $0x0  }
0x15b: {  	[sflag:s2] =	ssyncadd.s32 $0xFFFFFF80  }
0x15c: {  	_ =	swait.ge [sflag:s2], $0x80  }
0x15d: {  	[sflag:s2] =	ssyncset.done $0x0  }
0x15e: {  	[sflag:s2] =	ssyncadd.s32 $0xFFFFFF80  }
0x15f: {  	_ =	swait.ge [sflag:s2], $0x80  }
0x160: {  	[sflag:s2] =	ssyncset.done $0x0  }
0x161: {  	[sflag:s2] =	ssyncadd.s32 $0xFFFFFF80  }
0x162: {  	_ =	swait.ge [sflag:s2], $0x80  }
0x163: {  	[sflag:s2] =	ssyncset.done $0x0  }
0x164: {  	[sflag:s2] =	ssyncadd.s32 $0xFFFFFF80  }
0x165: {  	_ =	swait.ge [sflag:s2], $0x80  }
0x166: {  	[sflag:s2] =	ssyncset.done $0x0  }
0x167: {  	[sflag:s2] =	ssyncadd.s32 $0xFFFFFF80  }
0x168: {  	_ =	swait.ge [sflag:s2], $0x80  }
0x169: {  	[sflag:s2] =	ssyncset.done $0x0  }
0x16a: {  	[sflag:s2] =	ssyncadd.s32 $0xFFFFFF80  }
0x16b: {  	s9 =	rddreg [dreg:$0x0]  }
0x16c: {  	[tilespmem:s17], [sflag:$0x2] =	stream.indirect.gather [hbm4b:s9+s7], $0x80, s25, s7, $0xb8;
	[tilespmem:$0x1C800] =	vst v63  }
0x16d: {  	_ = 	snop  }
0x16e: {  	[tilespmem:s23], [sflag:$0x3] =	stream.indirect.gather [hbm4b:s9+s7], $0x80, s7, s7, $0xb8;
	[tilespmem:$0x1C800] =	vst v63  }
0x16f: {  	s5 =	simm.s32 $0x8800;
	s29 =	rddreg [dreg:$0x2]  }
0x170: {  	[tilespmem:s5], [sflag:$0x4] =	stream.indirect.gather [hbm4b:s29+s7], $0x80, s21, s7, $0xb8;
	[tilespmem:$0x1C800] =	vst v63  }
0x171: {  	s19 =	simm.s32 $0xC800  }
0x172: {  	[tilespmem:s19], [sflag:$0x5] =	stream.indirect.gather [hbm4b:s29+s7], $0x80, s28, s7, $0xb8;
	[tilespmem:$0x1C800] =	vst v63  }
0x173: {  	s22 =	simm.s32 $0x10800;
	s23 =	rddreg [dreg:$0x1]  }
0x174: {  	[tilespmem:s22], [sflag:$0x6] =	stream.indirect.gather [hbm4b:s23+s7], $0x80, s25, s7, $0xb8;
	[tilespmem:$0x1C800] =	vst v63  }
0x175: {  	_ =	swait.ge [sflag:s24], $0x4000  }
0x176: {  	[sflag:s24] =	ssyncset.done $0x0  }
0x177: {  	[sflag:s24] =	ssyncadd.s32 $0xFFFFC000  }
0x178: {  	s18 =	simm.s32 $0x800;
	s31 =	rddreg [dreg:$0xc]  }
0x179: {  	[hbm4b:s31+s7] =	stream.indirect.scatter [tilespmem:s18], [sflag:$0x9], $0x80, s14, s7, $0xb8;
	[tilespmem:$0x1C800] =	vst v63  }
0x17a: {  	s0 =	simm.s32 $0x3;
	s26 =	simm.s32 $0x14800  }
0x17b: {  	[tilespmem:s26], [sflag:$0x7] =	stream.indirect.gather [hbm4b:s23+s7], $0x80, s7, s7, $0xb8;
	[tilespmem:$0x1C800] =	vst v63  }
0x17c: {  	_ =	swait.ge [sflag:s0], $0x4000  }
0x17d: {  	[sflag:s0] =	ssyncset.done $0x0  }
0x17e: {  	s15 =	simm.s32 $0x4800;
	[sflag:s0] =	ssyncadd.s32 $0xFFFFC000  }
0x17f: {  	[hbm4b:s31+s7] =	stream.indirect.scatter [tilespmem:s15], [sflag:$0xA], $0x80, s16, s7, $0xb8;
	[tilespmem:$0x1C800] =	vst v63  }
0x180: {  	s25 =	simm.s32 $0x18800;
	s22 =	simm.s32 $0x4;
	s8 =	rddreg [dreg:$0x3]  }
0x181: {  	[tilespmem:s25], [sflag:$0x8] =	stream.indirect.gather [hbm4b:s8+s7], $0x80, s21, s7, $0xb8;
	[tilespmem:$0x1C800] =	vst v63  }
0x182: {  	_ =	swait.ge [sflag:s22], $0x4000  }
0x183: {  	[sflag:s22] =	ssyncset.done $0x0  }
0x184: {  	s26 =	simm.s32 $0x500;
	[sflag:s22] =	ssyncadd.s32 $0xFFFFC000  }
0x185: {  	[hbm4b:s31+s7] =	stream.indirect.scatter [tilespmem:s5], [sflag:$0xB], $0x80, s26, s7, $0xb8;
	[tilespmem:$0x1C800] =	vst v63  }
0x186: {  	_ =	swait.ge [sflag:s12], $0x4000  }
0x187: {  	[sflag:s12] =	ssyncset.done $0x0  }
0x188: {  	[sflag:s12] =	ssyncadd.s32 $0xFFFFC000  }
0x189: {  	[tilespmem:s18], [sflag:$0x2] =	stream.indirect.gather [hbm4b:s8+s7], $0x80, s28, s7, $0xb8;
	[tilespmem:$0x1C800] =	vst v63  }
0x18a: {  	s28 =	simm.s32 $0x5  }
0x18b: {  	_ =	swait.ge [sflag:s28], $0x4000  }
0x18c: {  	[sflag:s28] =	ssyncset.done $0x0  }
0x18d: {  	s21 =	simm.s32 $0xA;
	[sflag:s28] =	ssyncadd.s32 $0xFFFFC000  }
0x18e: {  	[hbm4b:s31+s7] =	stream.indirect.scatter [tilespmem:s19], [sflag:$0xC], $0x80, s20, s7, $0xb8;
	[tilespmem:$0x1C800] =	vst v63  }
0x18f: {  	_ =	swait.ge [sflag:s21], $0x4000  }
0x190: {  	[sflag:s21] =	ssyncset.done $0x0  }
0x191: {  	s6 =	simm.s32 $0x6;
	[sflag:s21] =	ssyncadd.s32 $0xFFFFC000  }
0x192: {  	[tilespmem:s15], [sflag:$0x3] =	stream.indirect.gather [hbm4b:s9+s7], $0x80, s30, s7, $0xb8;
	[tilespmem:$0x1C800] =	vst v63  }
0x193: {  	_ =	swait.ge [sflag:s6], $0x4000  }
0x194: {  	s1 =	simm.s32 $0xB;
	[sflag:s6] =	ssyncset.done $0x0  }
0x195: {  	s11 =	simm.s32 $0x10800;
	[sflag:s6] =	ssyncadd.s32 $0xFFFFC000;
	s6 =	rddreg [dreg:$0x1f]  }
0x196: {  	[hbm4b:s6+s7] =	stream.indirect.scatter [tilespmem:s11], [sflag:$0xD], $0x80, s14, s7, $0xb8;
	[tilespmem:$0x1C800] =	vst v63  }
0x197: {  	_ =	swait.ge [sflag:s1], $0x4000  }
0x198: {  	[sflag:s1] =	ssyncset.done $0x0  }
0x199: {  	s3 =	simm.s32 $0x7;
	s10 =	simm.s32 $0x280;
	[sflag:s1] =	ssyncadd.s32 $0xFFFFC000  }
0x19a: {  	[tilespmem:s5], [sflag:$0x4] =	stream.indirect.gather [hbm4b:s9+s7], $0x80, s10, s7, $0xb8;
	[tilespmem:$0x1C800] =	vst v63  }
0x19b: {  	_ =	swait.ge [sflag:s3], $0x4000  }
0x19c: {  	[sflag:s3] =	ssyncset.done $0x0  }
0x19d: {  	s9 =	simm.s32 $0x14800;
	[sflag:s3] =	ssyncadd.s32 $0xFFFFC000  }
0x19e: {  	[hbm4b:s6+s7] =	stream.indirect.scatter [tilespmem:s9], [sflag:$0xE], $0x80, s16, s7, $0xb8;
	[tilespmem:$0x1C800] =	vst v63  }
0x19f: {  	_ =	swait.ge [sflag:s4], $0x4000  }
0x1a0: {  	[sflag:s4] =	ssyncset.done $0x0  }
0x1a1: {  	s1 =	simm.s32 $0x8;
	s16 =	simm.s32 $0x300;
	[sflag:s4] =	ssyncadd.s32 $0xFFFFC000  }
0x1a2: {  	[tilespmem:s19], [sflag:$0x5] =	stream.indirect.gather [hbm4b:s29+s7], $0x80, s16, s7, $0xb8;
	[tilespmem:$0x1C800] =	vst v63  }
0x1a3: {  	_ =	swait.ge [sflag:s1], $0x4000  }
0x1a4: {  	[sflag:s1] =	ssyncset.done $0x0  }
0x1a5: {  	s17 =	simm.s32 $0xD;
	[sflag:s1] =	ssyncadd.s32 $0xFFFFC000  }
0x1a6: {  	[hbm4b:s6+s7] =	stream.indirect.scatter [tilespmem:s25], [sflag:$0xF], $0x80, s26, s7, $0xb8;
	[tilespmem:$0x1C800] =	vst v63  }
0x1a7: {  	_ =	swait.ge [sflag:s17], $0x4000  }
0x1a8: {  	[sflag:s17] =	ssyncset.done $0x0  }
0x1a9: {  	[sflag:s17] =	ssyncadd.s32 $0xFFFFC000;
	s17 =	simm.s32 $0x380  }
0x1aa: {  	[tilespmem:s11], [sflag:$0x6] =	stream.indirect.gather [hbm4b:s29+s7], $0x80, s17, s7, $0xb8;
	[tilespmem:$0x1C800] =	vst v63  }
0x1ab: {  	_ =	swait.ge [sflag:s24], $0x4000  }
0x1ac: {  	[sflag:s24] =	ssyncset.done $0x0  }
0x1ad: {  	s14 =	simm.s32 $0xE;
	s25 =	simm.s32 $0x800;
	[sflag:s24] =	ssyncadd.s32 $0xFFFFC000  }
0x1ae: {  	[hbm4b:s6+s7] =	stream.indirect.scatter [tilespmem:s25], [sflag:$0x9], $0x80, s20, s7, $0xb8;
	[tilespmem:$0x1C800] =	vst v63  }
0x1af: {  	_ =	swait.ge [sflag:s14], $0x4000  }
0x1b0: {  	[sflag:s14] =	ssyncset.done $0x0  }
0x1b1: {  	[sflag:s14] =	ssyncadd.s32 $0xFFFFC000  }
0x1b2: {  	[tilespmem:s9], [sflag:$0x7] =	stream.indirect.gather [hbm4b:s23+s7], $0x80, s30, s7, $0xb8;
	[tilespmem:$0x1C800] =	vst v63  }
0x1b3: {  	_ =	swait.ge [sflag:s0], $0x4000  }
0x1b4: {  	[sflag:s0] =	ssyncset.done $0x0  }
0x1b5: {  	s31 =	simm.s32 $0xF;
	s9 =	simm.s32 $0x600;
	[sflag:s0] =	ssyncadd.s32 $0xFFFFC000  }
0x1b6: {  	[hbm4b:s13+s7] =	stream.indirect.scatter [tilespmem:s15], [sflag:$0xA], $0x80, s9, s7, $0xb8;
	[tilespmem:$0x1C800] =	vst v63  }
0x1b7: {  	_ =	swait.ge [sflag:s31], $0x4000  }
0x1b8: {  	[sflag:s31] =	ssyncset.done $0x0  }
0x1b9: {  	s26 =	simm.s32 $0x18800;
	[sflag:s31] =	ssyncadd.s32 $0xFFFFC000  }
0x1ba: {  	[tilespmem:s26], [sflag:$0x8] =	stream.indirect.gather [hbm4b:s23+s7], $0x80, s10, s7, $0xb8;
	[tilespmem:$0x1C800] =	vst v63  }
0x1bb: {  	_ =	swait.ge [sflag:s22], $0x4000  }
0x1bc: {  	[sflag:s22] =	ssyncset.done $0x0  }
0x1bd: {  	s6 =	simm.s32 $0x680;
	[sflag:s22] =	ssyncadd.s32 $0xFFFFC000  }
0x1be: {  	[hbm4b:s13+s7] =	stream.indirect.scatter [tilespmem:s5], [sflag:$0xB], $0x80, s6, s7, $0xb8;
	[tilespmem:$0x1C800] =	vst v63  }
0x1bf: {  	_ =	swait.ge [sflag:s12], $0x4000  }
0x1c0: {  	[sflag:s12] =	ssyncset.done $0x0  }
0x1c1: {  	[sflag:s12] =	ssyncadd.s32 $0xFFFFC000  }
0x1c2: {  	[tilespmem:s25], [sflag:$0x2] =	stream.indirect.gather [hbm4b:s8+s7], $0x80, s16, s7, $0xb8;
	[tilespmem:$0x1C800] =	vst v63  }
0x1c3: {  	_ =	swait.ge [sflag:s28], $0x4000  }
0x1c4: {  	[sflag:s28] =	ssyncset.done $0x0  }
0x1c5: {  	s26 =	simm.s32 $0x700;
	[sflag:s28] =	ssyncadd.s32 $0xFFFFC000  }
0x1c6: {  	[hbm4b:s13+s7] =	stream.indirect.scatter [tilespmem:s19], [sflag:$0xC], $0x80, s26, s7, $0xb8;
	[tilespmem:$0x1C800] =	vst v63  }
0x1c7: {  	_ =	swait.ge [sflag:s21], $0x4000  }
0x1c8: {  	[sflag:s21] =	ssyncset.done $0x0  }
0x1c9: {  	s3 =	simm.s32 $0x6;
	s23 =	simm.s32 $0x4800;
	[sflag:s21] =	ssyncadd.s32 $0xFFFFC000  }
0x1ca: {  	[tilespmem:s23], [sflag:$0x3] =	stream.indirect.gather [hbm4b:s8+s7], $0x80, s17, s7, $0xb8;
	[tilespmem:$0x1C800] =	vst v63  }
0x1cb: {  	s19 =	rddreg [dreg:$0x1e];
	_ =	swait.ge [sflag:s3], $0x4000  }
0x1cc: {  	s18 =	simm.s32 $0x7;
	[sflag:s3] =	ssyncset.done $0x0  }
0x1cd: {  	s29 =	simm.s32 $0x10800;
	s28 =	simm.s32 $0x780;
	[sflag:s3] =	ssyncadd.s32 $0xFFFFC000  }
0x1ce: {  	[hbm4b:s13+s7] =	stream.indirect.scatter [tilespmem:s29], [sflag:$0xD], $0x80, s28, s7, $0xb8;
	[tilespmem:$0x1C800] =	vst v63  }
0x1cf: {  	_ =	swait.ge [sflag:s18], $0x4000  }
0x1d0: {  	[sflag:s18] =	ssyncset.done $0x0  }
0x1d1: {  	s11 =	simm.s32 $0x14800;
	[sflag:s18] =	ssyncadd.s32 $0xFFFFC000  }
0x1d2: {  	[hbm4b:s19+s7] =	stream.indirect.scatter [tilespmem:s11], [sflag:$0xE], $0x80, s9, s7, $0xb8;
	[tilespmem:$0x1C800] =	vst v63  }
0x1d3: {  	_ =	swait.ge [sflag:s1], $0x4000  }
0x1d4: {  	[sflag:s1] =	ssyncset.done $0x0  }
0x1d5: {  	s10 =	simm.s32 $0x18800;
	[sflag:s1] =	ssyncadd.s32 $0xFFFFC000  }
0x1d6: {  	[hbm4b:s19+s7] =	stream.indirect.scatter [tilespmem:s10], [sflag:$0xF], $0x80, s6, s7, $0xb8;
	[tilespmem:$0x1C800] =	vst v63  }
0x1d7: {  	_ =	swait.ge [sflag:s24], $0x4000  }
0x1d8: {  	[sflag:s24] =	ssyncset.done $0x0  }
0x1d9: {  	[sflag:s24] =	ssyncadd.s32 $0xFFFFC000  }
0x1da: {  	[hbm4b:s19+s7] =	stream.indirect.scatter [tilespmem:s25], [sflag:$0x9], $0x80, s26, s7, $0xb8;
	[tilespmem:$0x1C800] =	vst v63  }
0x1db: {  	_ =	swait.ge [sflag:s0], $0x4000  }
0x1dc: {  	[sflag:s0] =	ssyncset.done $0x0  }
0x1dd: {  	[sflag:s0] =	ssyncadd.s32 $0xFFFFC000  }
0x1de: {  	[hbm4b:s19+s7] =	stream.indirect.scatter [tilespmem:s23], [sflag:$0xA], $0x80, s28, s7, $0xb8;
	[tilespmem:$0x1C800] =	vst v63  }
0x1df: {  	s0 =	sld [smem:$0x7FB];
	_ =	swait.ge [sflag:s12], $0x4000  }
0x1e0: {  	[sflag:s12] =	ssyncset.done $0x0  }
0x1e1: {  	[sflag:s12] =	ssyncadd.s32 $0xFFFFC000  }
0x1e2: {  	_ =	swait.ge [sflag:s21], $0x4000  }
0x1e3: {  	[sflag:s21] =	ssyncset.done $0x0  }
0x1e4: {  	s16 =	simm.s32 $0xB;
	[sflag:s21] =	ssyncadd.s32 $0xFFFFC000  }
0x1e5: {  	_ =	swait.ge [sflag:s16], $0x4000  }
0x1e6: {  	[sflag:s16] =	ssyncset.done $0x0  }
0x1e7: {  	[sflag:s16] =	ssyncadd.s32 $0xFFFFC000  }
0x1e8: {  	_ =	swait.ge [sflag:s4], $0x4000  }
0x1e9: {  	[sflag:s4] =	ssyncset.done $0x0  }
0x1ea: {  	s15 =	simm.s32 $0xD;
	[sflag:s4] =	ssyncadd.s32 $0xFFFFC000  }
0x1eb: {  	_ =	swait.ge [sflag:s15], $0x4000  }
0x1ec: {  	[sflag:s15] =	ssyncset.done $0x0  }
0x1ed: {  	[sflag:s15] =	ssyncadd.s32 $0xFFFFC000  }
.Ltmp2:
0x1ee: {  	_ =	swait.ge [sflag:s14], $0x4000;
	(pc) =	sbr.rel @p1 .LBB3_4-.Ltmp2, $4  }
0x1ef: {  	[sflag:s14] =	ssyncset.done $0x0  }
0x1f0: {  	[sflag:s14] =	ssyncadd.s32 $0xFFFFC000  }
0x1f1: {  	s17 =	simm.s32 $0x800;
	_ =	swait.ge [sflag:s31], $0x4000  }
0x1f2: {  	s25 =	simm.s32 $0x0;
	s5 =	rddreg [dreg:$0xe];
	[sflag:s31] =	ssyncset.done $0x0  }
0x1f3: {  	s9 =	rddreg [dreg:$0xc]  }
0x1f4: {  	s31 =	rddreg [dreg:$0x0]  }
0x1f5: {  	s29 =	rddreg [dreg:$0x2]  }
0x1f6: {  	s28 =	rddreg [dreg:$0x1]  }
0x1f7: {  	s23 =	rddreg [dreg:$0x3];
	s6 =	simm.s32 $0x5  }
0x1f8: {  	s3 =	simm.s32 $0x4;
	s26 =	rddreg [dreg:$0x1f];
	s0 =	simm.s32 $0xA  }
0x1f9: {  	s20 =	simm.s32 $0x9;
	s21 =	simm.s32 $0x3;
	s22 =	simm.s32 $0x2  }
.LBB3_6:
0x1fa: {  	s4 =	simm.s32 $0xF  }
0x1fb: {  	[sflag:s4] =	ssyncadd.s32 @p0 $0xFFFFC000  }
0x1fc: {  	[tilespmem:s25], [sflag:$0x1] =	stream.linear.gather [hbm4b:s5+s25], $0x80, $0x38;
	[tilespmem:$0x1C800] =	vst v63  }
0x1fd: {  	s14 =	rddreg [dreg:$0xf];
	s18 =	simm.s32 $0x400  }
0x1fe: {  	[tilespmem:s18], [sflag:$0x1] =	stream.linear.gather [hbm4b:s14+s25], $0x80, $0x38;
	[tilespmem:$0x1C800] =	vst v63  }
0x1ff: {  	s17 =	rddreg [dreg:$0x10]  }
0x200: {  	[tilespmem:s7], [sflag:$0x1] =	stream.linear.gather [hbm4b:s17+s25], $0x80, $0x38;
	[tilespmem:$0x1C800] =	vst v63  }
0x201: {  	s24 =	rddreg [dreg:$0x11];
	s8 =	simm.s32 $0x480  }
0x202: {  	[tilespmem:s8], [sflag:$0x1] =	stream.linear.gather [hbm4b:s24+s25], $0x80, $0x38;
	[tilespmem:$0x1C800] =	vst v63  }
0x203: {  	s30 =	rddreg [dreg:$0x12];
	s24 =	simm.s32 $0x100  }
0x204: {  	[tilespmem:s24], [sflag:$0x1] =	stream.linear.gather [hbm4b:s30+s25], $0x80, $0x38;
	[tilespmem:$0x1C800] =	vst v63  }
0x205: {  	s11 =	simm.s32 $0x500;
	s8 =	rddreg [dreg:$0x13]  }
0x206: {  	[tilespmem:s11], [sflag:$0x1] =	stream.linear.gather [hbm4b:s8+s25], $0x80, $0x38;
	[tilespmem:$0x1C800] =	vst v63  }
0x207: {  	s10 =	rddreg [dreg:$0x14];
	s14 =	simm.s32 $0x180  }
0x208: {  	[tilespmem:s14], [sflag:$0x1] =	stream.linear.gather [hbm4b:s10+s25], $0x80, $0x38;
	[tilespmem:$0x1C800] =	vst v63  }
0x209: {  	s12 =	rddreg [dreg:$0x15];
	s30 =	simm.s32 $0x580  }
0x20a: {  	[tilespmem:s30], [sflag:$0x1] =	stream.linear.gather [hbm4b:s12+s25], $0x80, $0x38;
	[tilespmem:$0x1C800] =	vst v63  }
0x20b: {  	s17 =	rddreg [dreg:$0x16];
	s12 =	simm.s32 $0x200  }
0x20c: {  	[tilespmem:s12], [sflag:$0x1] =	stream.linear.gather [hbm4b:s17+s25], $0x80, $0x38;
	[tilespmem:$0x1C800] =	vst v63  }
0x20d: {  	s10 =	rddreg [dreg:$0x17];
	s17 =	simm.s32 $0x600  }
0x20e: {  	[tilespmem:s17], [sflag:$0x1] =	stream.linear.gather [hbm4b:s10+s25], $0x80, $0x38;
	[tilespmem:$0x1C800] =	vst v63  }
0x20f: {  	s14 =	rddreg [dreg:$0x18];
	s10 =	simm.s32 $0x280  }
0x210: {  	[tilespmem:s10], [sflag:$0x1] =	stream.linear.gather [hbm4b:s14+s25], $0x80, $0x38;
	[tilespmem:$0x1C800] =	vst v63  }
0x211: {  	s30 =	rddreg [dreg:$0x19];
	s14 =	simm.s32 $0x680  }
0x212: {  	[tilespmem:s14], [sflag:$0x1] =	stream.linear.gather [hbm4b:s30+s25], $0x80, $0x38;
	[tilespmem:$0x1C800] =	vst v63  }
0x213: {  	s12 =	rddreg [dreg:$0x1a];
	s30 =	simm.s32 $0x300  }
0x214: {  	[tilespmem:s30], [sflag:$0x1] =	stream.linear.gather [hbm4b:s12+s25], $0x80, $0x38;
	[tilespmem:$0x1C800] =	vst v63  }
0x215: {  	s17 =	rddreg [dreg:$0x1b];
	s12 =	simm.s32 $0x700  }
0x216: {  	[tilespmem:s12], [sflag:$0x1] =	stream.linear.gather [hbm4b:s17+s25], $0x80, $0x38;
	[tilespmem:$0x1C800] =	vst v63  }
0x217: {  	s10 =	rddreg [dreg:$0x1c];
	s17 =	simm.s32 $0x380  }
0x218: {  	[tilespmem:s17], [sflag:$0x1] =	stream.linear.gather [hbm4b:s10+s25], $0x80, $0x38;
	[tilespmem:$0x1C800] =	vst v63  }
0x219: {  	s14 =	rddreg [dreg:$0x1d];
	s30 =	simm.s32 $0x780  }
0x21a: {  	[tilespmem:s30], [sflag:$0x1] =	stream.linear.gather [hbm4b:s14+s25], $0x80, $0x38;
	[tilespmem:$0x1C800] =	vst v63  }
0x21b: {  	_ =	swait.ge [sflag:s2], $0x80  }
0x21c: {  	[sflag:s2] =	ssyncset.done $0x0  }
0x21d: {  	[sflag:s2] =	ssyncadd.s32 $0xFFFFFF80  }
0x21e: {  	_ =	swait.ge [sflag:s2], $0x80  }
0x21f: {  	[sflag:s2] =	ssyncset.done $0x0  }
0x220: {  	[sflag:s2] =	ssyncadd.s32 $0xFFFFFF80  }
0x221: {  	_ =	swait.ge [sflag:s2], $0x80  }
0x222: {  	[sflag:s2] =	ssyncset.done $0x0  }
0x223: {  	[sflag:s2] =	ssyncadd.s32 $0xFFFFFF80  }
0x224: {  	_ =	swait.ge [sflag:s2], $0x80  }
0x225: {  	[sflag:s2] =	ssyncset.done $0x0  }
0x226: {  	[sflag:s2] =	ssyncadd.s32 $0xFFFFFF80  }
0x227: {  	_ =	swait.ge [sflag:s2], $0x80  }
0x228: {  	[sflag:s2] =	ssyncset.done $0x0  }
0x229: {  	[sflag:s2] =	ssyncadd.s32 $0xFFFFFF80  }
0x22a: {  	_ =	swait.ge [sflag:s2], $0x80  }
0x22b: {  	[sflag:s2] =	ssyncset.done $0x0  }
0x22c: {  	[sflag:s2] =	ssyncadd.s32 $0xFFFFFF80  }
0x22d: {  	_ =	swait.ge [sflag:s2], $0x80  }
0x22e: {  	[sflag:s2] =	ssyncset.done $0x0  }
0x22f: {  	[sflag:s2] =	ssyncadd.s32 $0xFFFFFF80  }
0x230: {  	_ =	swait.ge [sflag:s2], $0x80  }
0x231: {  	[sflag:s2] =	ssyncset.done $0x0  }
0x232: {  	[sflag:s2] =	ssyncadd.s32 $0xFFFFFF80  }
0x233: {  	_ =	swait.ge [sflag:s2], $0x80  }
0x234: {  	[sflag:s2] =	ssyncset.done $0x0  }
0x235: {  	[sflag:s2] =	ssyncadd.s32 $0xFFFFFF80  }
0x236: {  	_ =	swait.ge [sflag:s2], $0x80  }
0x237: {  	[sflag:s2] =	ssyncset.done $0x0  }
0x238: {  	[sflag:s2] =	ssyncadd.s32 $0xFFFFFF80  }
0x239: {  	_ =	swait.ge [sflag:s2], $0x80  }
0x23a: {  	[sflag:s2] =	ssyncset.done $0x0  }
0x23b: {  	[sflag:s2] =	ssyncadd.s32 $0xFFFFFF80  }
0x23c: {  	_ =	swait.ge [sflag:s2], $0x80  }
0x23d: {  	[sflag:s2] =	ssyncset.done $0x0  }
0x23e: {  	[sflag:s2] =	ssyncadd.s32 $0xFFFFFF80  }
0x23f: {  	_ =	swait.ge [sflag:s2], $0x80  }
0x240: {  	[sflag:s2] =	ssyncset.done $0x0  }
0x241: {  	[sflag:s2] =	ssyncadd.s32 $0xFFFFFF80  }
0x242: {  	_ =	swait.ge [sflag:s2], $0x80  }
0x243: {  	[sflag:s2] =	ssyncset.done $0x0  }
0x244: {  	[sflag:s2] =	ssyncadd.s32 $0xFFFFFF80  }
0x245: {  	_ =	swait.ge [sflag:s2], $0x80  }
0x246: {  	[sflag:s2] =	ssyncset.done $0x0  }
0x247: {  	[sflag:s2] =	ssyncadd.s32 $0xFFFFFF80  }
0x248: {  	_ =	swait.ge [sflag:s2], $0x80  }
0x249: {  	[sflag:s2] =	ssyncset.done $0x0  }
0x24a: {  	s17 =	simm.s32 $0x800;
	[sflag:s2] =	ssyncadd.s32 $0xFFFFFF80  }
0x24b: {  	[tilespmem:s17], [sflag:$0x2] =	stream.indirect.gather [hbm4b:s31+s7], $0x80, s25, s7, $0xb8;
	[tilespmem:$0x1C800] =	vst v63  }
0x24c: {  	s14 =	simm.s32 $0x4800  }
0x24d: {  	[tilespmem:s14], [sflag:$0x3] =	stream.indirect.gather [hbm4b:s31+s7], $0x80, s7, s7, $0xb8;
	[tilespmem:$0x1C800] =	vst v63  }
0x24e: {  	s10 =	simm.s32 $0x8800  }
0x24f: {  	[tilespmem:s10], [sflag:$0x4] =	stream.indirect.gather [hbm4b:s29+s7], $0x80, s24, s7, $0xb8;
	[tilespmem:$0x1C800] =	vst v63  }
0x250: {  	s11 =	simm.s32 $0x180;
	s12 =	simm.s32 $0xC800  }
0x251: {  	[tilespmem:s12], [sflag:$0x5] =	stream.indirect.gather [hbm4b:s29+s7], $0x80, s11, s7, $0xb8;
	[tilespmem:$0x1C800] =	vst v63  }
0x252: {  	s4 =	simm.s32 $0x10800  }
0x253: {  	[tilespmem:s4], [sflag:$0x6] =	stream.indirect.gather [hbm4b:s28+s7], $0x80, s25, s7, $0xb8;
	[tilespmem:$0x1C800] =	vst v63  }
0x254: {  	_ =	swait.ge [sflag:s22], $0x4000  }
0x255: {  	[sflag:s22] =	ssyncset.done $0x0  }
0x256: {  	[sflag:s22] =	ssyncadd.s32 $0xFFFFC000  }
0x257: {  	[hbm4b:s9+s7] =	stream.indirect.scatter [tilespmem:s17], [sflag:$0x9], $0x80, s18, s7, $0xb8;
	[tilespmem:$0x1C800] =	vst v63  }
0x258: {  	s30 =	simm.s32 $0x14800  }
0x259: {  	[tilespmem:s30], [sflag:$0x7] =	stream.indirect.gather [hbm4b:s28+s7], $0x80, s7, s7, $0xb8;
	[tilespmem:$0x1C800] =	vst v63  }
0x25a: {  	_ =	swait.ge [sflag:s21], $0x4000  }
0x25b: {  	[sflag:s21] =	ssyncset.done $0x0  }
0x25c: {  	s2 =	simm.s32 $0x480;
	[sflag:s21] =	ssyncadd.s32 $0xFFFFC000  }
0x25d: {  	[hbm4b:s9+s7] =	stream.indirect.scatter [tilespmem:s14], [sflag:$0xA], $0x80, s2, s7, $0xb8;
	[tilespmem:$0x1C800] =	vst v63  }
0x25e: {  	s25 =	simm.s32 $0x18800  }
0x25f: {  	[tilespmem:s25], [sflag:$0x8] =	stream.indirect.gather [hbm4b:s23+s7], $0x80, s24, s7, $0xb8;
	[tilespmem:$0x1C800] =	vst v63  }
0x260: {  	_ =	swait.ge [sflag:s3], $0x4000  }
0x261: {  	[sflag:s3] =	ssyncset.done $0x0  }
0x262: {  	s5 =	simm.s32 $0x500;
	[sflag:s3] =	ssyncadd.s32 $0xFFFFC000  }
0x263: {  	[hbm4b:s9+s7] =	stream.indirect.scatter [tilespmem:s10], [sflag:$0xB], $0x80, s5, s7, $0xb8;
	[tilespmem:$0x1C800] =	vst v63  }
0x264: {  	_ =	swait.ge [sflag:s20], $0x4000  }
0x265: {  	[sflag:s20] =	ssyncset.done $0x0  }
0x266: {  	[sflag:s20] =	ssyncadd.s32 $0xFFFFC000  }
0x267: {  	[tilespmem:s17], [sflag:$0x2] =	stream.indirect.gather [hbm4b:s23+s7], $0x80, s11, s7, $0xb8;
	[tilespmem:$0x1C800] =	vst v63  }
0x268: {  	_ =	swait.ge [sflag:s6], $0x4000  }
0x269: {  	[sflag:s6] =	ssyncset.done $0x0  }
0x26a: {  	s8 =	simm.s32 $0x580;
	[sflag:s6] =	ssyncadd.s32 $0xFFFFC000  }
0x26b: {  	[hbm4b:s9+s7] =	stream.indirect.scatter [tilespmem:s12], [sflag:$0xC], $0x80, s8, s7, $0xb8;
	[tilespmem:$0x1C800] =	vst v63  }
0x26c: {  	_ =	swait.ge [sflag:s0], $0x4000  }
0x26d: {  	[sflag:s0] =	ssyncset.done $0x0  }
0x26e: {  	s5 =	simm.s32 $0x200;
	s11 =	simm.s32 $0x6;
	[sflag:s0] =	ssyncadd.s32 $0xFFFFC000  }
0x26f: {  	[tilespmem:s14], [sflag:$0x3] =	stream.indirect.gather [hbm4b:s31+s7], $0x80, s5, s7, $0xb8;
	[tilespmem:$0x1C800] =	vst v63  }
0x270: {  	_ =	swait.ge [sflag:s11], $0x4000  }
0x271: {  	[sflag:s11] =	ssyncset.done $0x0  }
0x272: {  	s9 =	simm.s32 $0x10800;
	[sflag:s11] =	ssyncadd.s32 $0xFFFFC000  }
0x273: {  	[hbm4b:s26+s7] =	stream.indirect.scatter [tilespmem:s9], [sflag:$0xD], $0x80, s18, s7, $0xb8;
	[tilespmem:$0x1C800] =	vst v63  }
0x274: {  	_ =	swait.ge [sflag:s16], $0x4000  }
0x275: {  	[sflag:s16] =	ssyncset.done $0x0  }
0x276: {  	s4 =	simm.s32 $0x280;
	s18 =	simm.s32 $0x7;
	[sflag:s16] =	ssyncadd.s32 $0xFFFFC000  }
0x277: {  	[tilespmem:s10], [sflag:$0x4] =	stream.indirect.gather [hbm4b:s31+s7], $0x80, s4, s7, $0xb8;
	[tilespmem:$0x1C800] =	vst v63  }
0x278: {  	_ =	swait.ge [sflag:s18], $0x4000  }
0x279: {  	[sflag:s18] =	ssyncset.done $0x0  }
0x27a: {  	s24 =	simm.s32 $0xC;
	[sflag:s18] =	ssyncadd.s32 $0xFFFFC000  }
0x27b: {  	[hbm4b:s26+s7] =	stream.indirect.scatter [tilespmem:s30], [sflag:$0xE], $0x80, s2, s7, $0xb8;
	[tilespmem:$0x1C800] =	vst v63  }
0x27c: {  	_ =	swait.ge [sflag:s24], $0x4000  }
0x27d: {  	[sflag:s24] =	ssyncset.done $0x0  }
0x27e: {  	s2 =	simm.s32 $0x300;
	[sflag:s24] =	ssyncadd.s32 $0xFFFFC000  }
0x27f: {  	[tilespmem:s12], [sflag:$0x5] =	stream.indirect.gather [hbm4b:s29+s7], $0x80, s2, s7, $0xb8;
	[tilespmem:$0x1C800] =	vst v63  }
0x280: {  	_ =	swait.ge [sflag:s1], $0x4000  }
0x281: {  	[sflag:s1] =	ssyncset.done $0x0  }
0x282: {  	s31 =	simm.s32 $0x500;
	[sflag:s1] =	ssyncadd.s32 $0xFFFFC000  }
0x283: {  	[hbm4b:s26+s7] =	stream.indirect.scatter [tilespmem:s25], [sflag:$0xF], $0x80, s31, s7, $0xb8;
	[tilespmem:$0x1C800] =	vst v63  }
0x284: {  	_ =	swait.ge [sflag:s15], $0x4000  }
0x285: {  	[sflag:s15] =	ssyncset.done $0x0  }
0x286: {  	s31 =	simm.s32 $0x380;
	[sflag:s15] =	ssyncadd.s32 $0xFFFFC000  }
0x287: {  	[tilespmem:s9], [sflag:$0x6] =	stream.indirect.gather [hbm4b:s29+s7], $0x80, s31, s7, $0xb8;
	[tilespmem:$0x1C800] =	vst v63  }
0x288: {  	_ =	swait.ge [sflag:s22], $0x4000  }
0x289: {  	[sflag:s22] =	ssyncset.done $0x0  }
0x28a: {  	s9 =	simm.s32 $0xE;
	[sflag:s22] =	ssyncadd.s32 $0xFFFFC000  }
0x28b: {  	[hbm4b:s26+s7] =	stream.indirect.scatter [tilespmem:s17], [sflag:$0x9], $0x80, s8, s7, $0xb8;
	[tilespmem:$0x1C800] =	vst v63  }
0x28c: {  	_ =	swait.ge [sflag:s9], $0x4000  }
0x28d: {  	[sflag:s9] =	ssyncset.done $0x0  }
0x28e: {  	[sflag:s9] =	ssyncadd.s32 $0xFFFFC000  }
0x28f: {  	[tilespmem:s30], [sflag:$0x7] =	stream.indirect.gather [hbm4b:s28+s7], $0x80, s5, s7, $0xb8;
	[tilespmem:$0x1C800] =	vst v63  }
0x290: {  	_ =	swait.ge [sflag:s21], $0x4000  }
0x291: {  	[sflag:s21] =	ssyncset.done $0x0  }
0x292: {  	s26 =	simm.s32 $0x600;
	s8 =	simm.s32 $0xF;
	[sflag:s21] =	ssyncadd.s32 $0xFFFFC000  }
0x293: {  	[hbm4b:s13+s7] =	stream.indirect.scatter [tilespmem:s14], [sflag:$0xA], $0x80, s26, s7, $0xb8;
	[tilespmem:$0x1C800] =	vst v63  }
0x294: {  	_ =	swait.ge [sflag:s8], $0x4000  }
0x295: {  	[sflag:s8] =	ssyncset.done $0x0  }
0x296: {  	[sflag:s8] =	ssyncadd.s32 $0xFFFFC000  }
0x297: {  	[tilespmem:s25], [sflag:$0x8] =	stream.indirect.gather [hbm4b:s28+s7], $0x80, s4, s7, $0xb8;
	[tilespmem:$0x1C800] =	vst v63  }
0x298: {  	_ =	swait.ge [sflag:s3], $0x4000  }
0x299: {  	[sflag:s3] =	ssyncset.done $0x0  }
0x29a: {  	s8 =	simm.s32 $0x680;
	[sflag:s3] =	ssyncadd.s32 $0xFFFFC000  }
0x29b: {  	[hbm4b:s13+s7] =	stream.indirect.scatter [tilespmem:s10], [sflag:$0xB], $0x80, s8, s7, $0xb8;
	[tilespmem:$0x1C800] =	vst v63  }
0x29c: {  	_ =	swait.ge [sflag:s20], $0x4000  }
0x29d: {  	[sflag:s20] =	ssyncset.done $0x0  }
0x29e: {  	[sflag:s20] =	ssyncadd.s32 $0xFFFFC000  }
0x29f: {  	[tilespmem:s17], [sflag:$0x2] =	stream.indirect.gather [hbm4b:s23+s7], $0x80, s2, s7, $0xb8;
	[tilespmem:$0x1C800] =	vst v63  }
0x2a0: {  	_ =	swait.ge [sflag:s6], $0x4000  }
0x2a1: {  	[sflag:s6] =	ssyncset.done $0x0  }
0x2a2: {  	s10 =	simm.s32 $0x700;
	[sflag:s6] =	ssyncadd.s32 $0xFFFFC000  }
0x2a3: {  	[hbm4b:s13+s7] =	stream.indirect.scatter [tilespmem:s12], [sflag:$0xC], $0x80, s10, s7, $0xb8;
	[tilespmem:$0x1C800] =	vst v63  }
0x2a4: {  	_ =	swait.ge [sflag:s0], $0x4000  }
0x2a5: {  	[sflag:s0] =	ssyncset.done $0x0  }
0x2a6: {  	[sflag:s0] =	ssyncadd.s32 $0xFFFFC000  }
0x2a7: {  	[tilespmem:s14], [sflag:$0x3] =	stream.indirect.gather [hbm4b:s23+s7], $0x80, s31, s7, $0xb8;
	[tilespmem:$0x1C800] =	vst v63  }
0x2a8: {  	_ =	swait.ge [sflag:s11], $0x4000  }
0x2a9: {  	[sflag:s11] =	ssyncset.done $0x0  }
0x2aa: {  	s29 =	simm.s32 $0x10800;
	s28 =	simm.s32 $0x780;
	[sflag:s11] =	ssyncadd.s32 $0xFFFFC000  }
0x2ab: {  	[hbm4b:s13+s7] =	stream.indirect.scatter [tilespmem:s29], [sflag:$0xD], $0x80, s28, s7, $0xb8;
	[tilespmem:$0x1C800] =	vst v63  }
0x2ac: {  	_ =	swait.ge [sflag:s18], $0x4000  }
0x2ad: {  	[sflag:s18] =	ssyncset.done $0x0  }
0x2ae: {  	[sflag:s18] =	ssyncadd.s32 $0xFFFFC000  }
0x2af: {  	[hbm4b:s19+s7] =	stream.indirect.scatter [tilespmem:s30], [sflag:$0xE], $0x80, s26, s7, $0xb8;
	[tilespmem:$0x1C800] =	vst v63  }
0x2b0: {  	_ =	swait.ge [sflag:s1], $0x4000  }
0x2b1: {  	[sflag:s1] =	ssyncset.done $0x0  }
0x2b2: {  	[sflag:s1] =	ssyncadd.s32 $0xFFFFC000  }
0x2b3: {  	[hbm4b:s19+s7] =	stream.indirect.scatter [tilespmem:s25], [sflag:$0xF], $0x80, s8, s7, $0xb8;
	[tilespmem:$0x1C800] =	vst v63  }
0x2b4: {  	_ =	swait.ge [sflag:s22], $0x4000  }
0x2b5: {  	[sflag:s22] =	ssyncset.done $0x0  }
0x2b6: {  	[sflag:s22] =	ssyncadd.s32 $0xFFFFC000  }
0x2b7: {  	[hbm4b:s19+s7] =	stream.indirect.scatter [tilespmem:s17], [sflag:$0x9], $0x80, s10, s7, $0xb8;
	[tilespmem:$0x1C800] =	vst v63  }
0x2b8: {  	_ =	swait.ge [sflag:s21], $0x4000  }
0x2b9: {  	[sflag:s21] =	ssyncset.done $0x0  }
0x2ba: {  	[sflag:s21] =	ssyncadd.s32 $0xFFFFC000  }
0x2bb: {  	[hbm4b:s19+s7] =	stream.indirect.scatter [tilespmem:s14], [sflag:$0xA], $0x80, s28, s7, $0xb8;
	[tilespmem:$0x1C800] =	vst v63  }
0x2bc: {  	_ =	swait.ge [sflag:s20], $0x4000  }
0x2bd: {  	[sflag:s20] =	ssyncset.done $0x0  }
0x2be: {  	[sflag:s20] =	ssyncadd.s32 $0xFFFFC000  }
0x2bf: {  	_ =	swait.ge [sflag:s0], $0x4000  }
0x2c0: {  	[sflag:s0] =	ssyncset.done $0x0  }
0x2c1: {  	[sflag:s0] =	ssyncadd.s32 $0xFFFFC000  }
0x2c2: {  	_ =	swait.ge [sflag:s16], $0x4000  }
0x2c3: {  	[sflag:s16] =	ssyncset.done $0x0  }
0x2c4: {  	[sflag:s16] =	ssyncadd.s32 $0xFFFFC000  }
0x2c5: {  	_ =	swait.ge [sflag:s24], $0x4000  }
0x2c6: {  	[sflag:s24] =	ssyncset.done $0x0  }
0x2c7: {  	[sflag:s24] =	ssyncadd.s32 $0xFFFFC000  }
0x2c8: {  	_ =	swait.ge [sflag:s15], $0x4000  }
0x2c9: {  	[sflag:s15] =	ssyncset.done $0x0  }
0x2ca: {  	[sflag:s15] =	ssyncadd.s32 $0xFFFFC000  }
0x2cb: {  	_ =	swait.ge [sflag:s9], $0x4000  }
0x2cc: {  	[sflag:s9] =	ssyncset.done $0x0  }
0x2cd: {  	s5 =	simm.s32 $0xF;
	[sflag:s9] =	ssyncadd.s32 $0xFFFFC000  }
0x2ce: {  	_ =	swait.ge [sflag:s5], $0x4000  }
0x2cf: {  	[sflag:s5] =	ssyncset.done $0x0  }
0x2d0: {  	[sflag:s5] =	ssyncadd.s32 $0xFFFFC000  }
0x2d1: {  	_ =	sfence.sel $0x180000  }
0x2d2: {  	[bflag:$0x0] =	sbarrier.arrive $0xFFFF  }
0x2d3: {  	_ =	strace $0x90000047  }
0x2d4: {  	[bflag:$0x2] =	sbarrier.arrive $0xFFFF  }
0x2d5: {  	s0 =	sld [smem:$0x7FD]  }
0x2d6: {  	s31 =	stileid.u32  }
0x2d7: {  	p0 =	sne.s32 s31, $0x0  }
0x2d8: {  	s0 =	sadd.s32 @!p0 $0x100000, s0  }
0x2d9: {  	[sflag:s0] =	ssyncadd.tile.s32 @!p0 $0x1;
	_ =	shalt  }
.LBB3_1:
.Ltmp3:
0x2da: {  	s9 =	rddreg [dreg:$0xc];
	(pc) =	sbr.rel .LBB3_6-.Ltmp3, $4  }
0x2db: {  	s31 =	rddreg [dreg:$0x0]  }
0x2dc: {  	s29 =	rddreg [dreg:$0x2]  }
0x2dd: {  	s28 =	rddreg [dreg:$0x1]  }
0x2de: {  	s23 =	rddreg [dreg:$0x3];
	s15 =	simm.s32 $0xD;
	s13 =	smov.u32 s8  }
.LBB3_7:
0x2df: {  	s9 =	rddreg [dreg:$0xc]  }
0x2e0: {  	s31 =	rddreg [dreg:$0x0]  }
.Ltmp4:
0x2e1: {  	s29 =	rddreg [dreg:$0x2];
	(pc) =	sbr.rel .LBB3_6-.Ltmp4, $4  }
0x2e2: {  	s28 =	rddreg [dreg:$0x1]  }
0x2e3: {  	s23 =	rddreg [dreg:$0x3];
	s6 =	simm.s32 $0x5  }
0x2e4: {  	s3 =	simm.s32 $0x4;
	s26 =	rddreg [dreg:$0x1f];
	s0 =	simm.s32 $0xA  }
0x2e5: {  	s20 =	simm.s32 $0x9;
	s21 =	simm.s32 $0x3;
	s22 =	simm.s32 $0x2  }
.Lfunc_end3:
_tile_overlayer_lowered:
.L_overlay_start_3:
0x2e6: {  	(tag) =	ssettag $0x3  }
0x2e7: {  	s0 =	rddreg [dreg:$0x0];
	s2 =	stileid.u32  }
0x2e8: {  	s1 =	rddreg [dreg:$0x1];
	p0 =	sne.s32 s2, $0x0  }
0x2e9: {  	s3 =	rddreg [dreg:$0x2];
	[bflag:$0x3] =	sbarrier.arrive $0xFFFF;
	s2 =	simm.s32 @!p0 $0x1C10  }
0x2ea: {  	[timem:s3], [sflag:s2] =	dma.local @!p0 [hbm:s0], s1  }
0x2eb: {  	s0 =	simm.s32 @!p0 $0x10  }
0x2ec: {  	_ =	swait.ge @!p0 [sflag:s0], s1  }
0x2ed: {  	s1 =	ssub.s32 @!p0 $0x0, s1;
	[sflag:s0] =	ssyncset.done @!p0 $0x0  }
0x2ee: {  	[sflag:s0] =	ssyncadd.s32 @!p0 s1  }
0x2ef: {  	[bflag:$0x3] =	sbarrier.arrive $0xFFFF  }
0x2f0: {  	_ =	shalt  }

</sc_bundles>
